<compile_context>
chip_gen: v7x
topology: tpu7x:2x2x1
jax: 0.10.2.dev20260603
libtpu: 0.0.44.dev20260713+nightly
codegen_flags: <defaults>
</compile_context>

<pallas_src>
import functools

import jax
import jax.numpy as jnp
from jax import lax
from jax.experimental import pallas as pl
from jax.experimental.pallas import tpu as pltpu
from jax.experimental.pallas import tpu_sc as plsc

N = 10000
E = 320000
D = 128
D_OUT = 128

NC = 2
NS = 16
CHUNK = 80
EDGES_PER_CORE = E // NC
EDGES_PER_SUB = EDGES_PER_CORE // NS
NCHUNKS = EDGES_PER_SUB // CHUNK
N_PAD = 10240
ROWS_PER_SUB = N_PAD // NS

ROW_BLK = 1000


NBUF = 4
IBUF = 8
GLAG = 2
DLAG = 4
SLAG = 6
NROUNDS = -(-(NCHUNKS + SLAG) // IBUF)


def _seg_sum_body(x_hbm, ei_hbm, zeros_hbm, out_hbm, acc, *sc):
    ibuf = sc[0:IBUF]
    rows = sc[IBUF:IBUF + NBUF]
    isem = sc[IBUF + NBUF:2 * IBUF + NBUF]
    gsem = sc[2 * IBUF + NBUF:2 * IBUF + 2 * NBUF]
    ssem = sc[2 * IBUF + 2 * NBUF:2 * IBUF + 3 * NBUF]
    c = lax.axis_index("c")
    s = lax.axis_index("s")
    w = c * NS + s

    pltpu.sync_copy(zeros_hbm, acc.at[pl.ds(s * ROWS_PER_SUB, ROWS_PER_SUB)])
    plsc.subcore_barrier()

    @pl.loop(0, NROUNDS)
    def _round(r):
        for b in range(IBUF):
            i = r * IBUF + b

            @pl.when(jnp.logical_and(i >= SLAG, i < NCHUNKS + SLAG))
            def _drain_scatter():
                pltpu.make_async_copy(
                    rows[(b - SLAG) % NBUF],
                    acc.at[ibuf[(b - SLAG) % IBUF].at[1]],
                    ssem[(b - SLAG) % NBUF]).wait()

            @pl.when(i < NCHUNKS)
            def _load_idx():
                pltpu.async_copy(ei_hbm.at[w, i], ibuf[b], isem[b])

            @pl.when(jnp.logical_and(i >= GLAG, i < NCHUNKS + GLAG))
            def _issue_gather():
                pltpu.make_async_copy(
                    ei_hbm.at[w, i - GLAG], ibuf[(b - GLAG) % IBUF],
                    isem[(b - GLAG) % IBUF]).wait()
                pltpu.async_copy(x_hbm.at[ibuf[(b - GLAG) % IBUF].at[0]],
                                 rows[(b - GLAG) % NBUF],
                                 gsem[(b - GLAG) % NBUF])

            @pl.when(jnp.logical_and(i >= DLAG, i < NCHUNKS + DLAG))
            def _issue_scatter():
                pltpu.make_async_copy(
                    x_hbm.at[ibuf[(b - DLAG) % IBUF].at[0]],
                    rows[(b - DLAG) % NBUF],
                    gsem[(b - DLAG) % NBUF]).wait()
                pltpu.async_copy(rows[(b - DLAG) % NBUF],
                                 acc.at[ibuf[(b - DLAG) % IBUF].at[1]],
                                 ssem[(b - DLAG) % NBUF], add=True)

    plsc.subcore_barrier()
    pltpu.sync_copy(acc.at[pl.ds(s * ROWS_PER_SUB, ROWS_PER_SUB)],
                    out_hbm.at[c, pl.ds(s * ROWS_PER_SUB, ROWS_PER_SUB)])


def _segment_sum_sc(x, ei4d, zeros):
    mesh = plsc.VectorSubcoreMesh(core_axis_name="c", subcore_axis_name="s")
    k = pl.kernel(
        _seg_sum_body,
        out_type=jax.ShapeDtypeStruct((NC, N_PAD, D), jnp.float32),
        mesh=mesh,
        scratch_types=[pltpu.VMEM_SHARED((N_PAD, D), jnp.float32)]
        + [pltpu.VMEM((2, CHUNK), jnp.int32) for _ in range(IBUF)]
        + [pltpu.VMEM((CHUNK, D), jnp.float32) for _ in range(NBUF)]
        + [pltpu.SemaphoreType.DMA for _ in range(IBUF + 2 * NBUF)],
    )
    return k(x, ei4d, zeros)


def _mlp1_body(scale_ref, x_ref, agg_ref, w_ref, b_ref, o_ref):
    t = scale_ref[0, 0] * x_ref[...] + agg_ref[0, :N, :] + agg_ref[1, :N, :]
    o_ref[...] = (jnp.dot(t, w_ref[...], preferred_element_type=jnp.float32)
                  + b_ref[...])


def _mlp2_body(scale_ref, h_ref, agg_ref, w2_ref, b2_ref, wh_ref, bh_ref,
               o_ref):
    t = scale_ref[0, 0] * h_ref[...] + agg_ref[0, :N, :] + agg_ref[1, :N, :]
    t = jnp.dot(t, w2_ref[...], preferred_element_type=jnp.float32) + b2_ref[...]
    o_ref[...] = (jnp.dot(t, wh_ref[...], preferred_element_type=jnp.float32)
                  + bh_ref[...])


def _mlp1(x, agg, W1, b1, eps1):
    scale = (1.0 + eps1).astype(jnp.float32).reshape(1, 1)
    return pl.pallas_call(
        _mlp1_body,
        in_specs=[
            pl.BlockSpec(memory_space=pltpu.SMEM),
            pl.BlockSpec((N, D), lambda: (0, 0)),
            pl.BlockSpec((NC, N_PAD, D), lambda: (0, 0, 0)),
            pl.BlockSpec((D, D), lambda: (0, 0)),
            pl.BlockSpec((1, D), lambda: (0, 0)),
        ],
        out_specs=pl.BlockSpec((N, D), lambda: (0, 0)),
        out_shape=jax.ShapeDtypeStruct((N, D), jnp.float32),
    )(scale, x, agg, W1, b1.reshape(1, D))


def _mlp2_head(h, agg, W2, b2, eps2, Wh, bh):
    scale = (1.0 + eps2).astype(jnp.float32).reshape(1, 1)
    return pl.pallas_call(
        _mlp2_body,
        in_specs=[
            pl.BlockSpec(memory_space=pltpu.SMEM),
            pl.BlockSpec((N, D), lambda: (0, 0)),
            pl.BlockSpec((NC, N_PAD, D), lambda: (0, 0, 0)),
            pl.BlockSpec((D, D), lambda: (0, 0)),
            pl.BlockSpec((1, D), lambda: (0, 0)),
            pl.BlockSpec((D, D_OUT), lambda: (0, 0)),
            pl.BlockSpec((1, D_OUT), lambda: (0, 0)),
        ],
        out_specs=pl.BlockSpec((N, D_OUT), lambda: (0, 0)),
        out_shape=jax.ShapeDtypeStruct((N, D_OUT), jnp.float32),
    )(scale, h, agg, W2, b2.reshape(1, D), Wh, bh.reshape(1, D_OUT))


def kernel(x, edge_index, W1, b1, eps1, W2, b2, eps2, Wh, bh):
    ei4d = edge_index.reshape(2, NC * NS, NCHUNKS, CHUNK).transpose(1, 2, 0, 3)
    zeros = jnp.zeros((ROWS_PER_SUB, D), jnp.float32)
    agg1 = _segment_sum_sc(x, ei4d, zeros)
    h = _mlp1(x, agg1, W1, b1, eps1)
    agg2 = _segment_sum_sc(h, ei4d, zeros)
    return _mlp2_head(h, agg2, W2, b2, eps2, Wh, bh)

# --- scband reference (transcript-rebuilt; emitter-appended) ---
"""Pipeline reference for scband-gin-10419590660822 (READ-ONLY COPY).

The authoritative reference and input builder live on the scoring server;
editing this copy changes nothing except your own understanding.
"""

import jax, jax.numpy as jnp
import numpy as np

N = 10000
E = 320000
D = 128
D_OUT = 128


def setup_inputs(seed: int = 0) -> dict:
    key = jax.random.key(seed)
    ks = jax.random.split(key, 10)
    x = jax.random.normal(ks[0], (N, D), dtype=jnp.float32)
    edge_index = jax.random.randint(ks[1], (2, E), 0, N, dtype=jnp.int32)
    # GINConv layer 1 MLP (nn.Linear(dim_in, dim_in)) + learnable eps (train_eps=True, init 0)
    W1 = jax.random.normal(ks[2], (D, D), dtype=jnp.float32) * (1.0 / np.sqrt(D))
    b1 = jnp.zeros((D,), dtype=jnp.float32)
    eps1 = jnp.zeros((), dtype=jnp.float32)
    # GINConv layer 2 (cfg.gnn.layers_mp = 2)
    W2 = jax.random.normal(ks[3], (D, D), dtype=jnp.float32) * (1.0 / np.sqrt(D))
    b2 = jnp.zeros((D,), dtype=jnp.float32)
    eps2 = jnp.zeros((), dtype=jnp.float32)
    # post_mp head: linear dim_in -> dim_out
    Wh = jax.random.normal(ks[4], (D, D_OUT), dtype=jnp.float32) * (1.0 / np.sqrt(D))
    bh = jnp.zeros((D_OUT,), dtype=jnp.float32)
    return {"x": x, "edge_index": edge_index, "W1": W1, "b1": b1, "eps1": eps1,
            "W2": W2, "b2": b2, "eps2": eps2, "Wh": Wh, "bh": bh}


def reference(x, edge_index, W1, b1, eps1, W2, b2, eps2, Wh, bh):
    src = edge_index[0]
    dst = edge_index[1]
    # GINConv layer 1: nn((1 + eps) * x + sum_{j in N(i)} x_j)
    agg1 = jax.ops.segment_sum(jnp.take(x, src, axis=0), dst, num_segments=N)
    h = (1.0 + eps1) * x + agg1
    h = h @ W1 + b1
    # dropout is identity in eval mode
    # GINConv layer 2
    agg2 = jax.ops.segment_sum(jnp.take(h, src, axis=0), dst, num_segments=N)
    h2 = (1.0 + eps2) * h + agg2
    h2 = h2 @ W2 + b2
    # post_mp head (node-level task): linear projection
    out = h2 @ Wh + bh
    return out

if __name__ == "__main__":
    import jax
    _d = setup_inputs()
    print(jax.jit(kernel)(*tuple(_d.values())))

</pallas_src>

<mosaic_0001>
#map = affine_map<(d0, d1) -> (0, 0)>
#map1 = affine_map<(d0, d1) -> (0, 0, 0, 0)>
#map2 = affine_map<(d0, d1) -> (0, 0, 0)>
module attributes {stable_mosaic.version = 14 : i64} {
  func.func @_seg_sum_body(%arg0: i32, %arg1: i32, %arg2: memref<10000x128xf32, #tpu.memory_space<hbm>>, %arg3: memref<32x125x2x80xi32, #tpu.memory_space<hbm>>, %arg4: memref<640x128xf32, #tpu.memory_space<hbm>>, %arg5: memref<2x10240x128xf32, #tpu.memory_space<hbm>>, %arg6: memref<10240x128xf32, #tpu.memory_space<vmem_shared>>, %arg7: memref<2x80xi32, #tpu.memory_space<vmem>>, %arg8: memref<2x80xi32, #tpu.memory_space<vmem>>, %arg9: memref<2x80xi32, #tpu.memory_space<vmem>>, %arg10: memref<2x80xi32, #tpu.memory_space<vmem>>, %arg11: memref<2x80xi32, #tpu.memory_space<vmem>>, %arg12: memref<2x80xi32, #tpu.memory_space<vmem>>, %arg13: memref<2x80xi32, #tpu.memory_space<vmem>>, %arg14: memref<2x80xi32, #tpu.memory_space<vmem>>, %arg15: memref<80x128xf32, #tpu.memory_space<vmem>>, %arg16: memref<80x128xf32, #tpu.memory_space<vmem>>, %arg17: memref<80x128xf32, #tpu.memory_space<vmem>>, %arg18: memref<80x128xf32, #tpu.memory_space<vmem>>, %arg19: memref<!tpu.dma_semaphore, #tpu.memory_space<semaphore_mem>>, %arg20: memref<!tpu.dma_semaphore, #tpu.memory_space<semaphore_mem>>, %arg21: memref<!tpu.dma_semaphore, #tpu.memory_space<semaphore_mem>>, %arg22: memref<!tpu.dma_semaphore, #tpu.memory_space<semaphore_mem>>, %arg23: memref<!tpu.dma_semaphore, #tpu.memory_space<semaphore_mem>>, %arg24: memref<!tpu.dma_semaphore, #tpu.memory_space<semaphore_mem>>, %arg25: memref<!tpu.dma_semaphore, #tpu.memory_space<semaphore_mem>>, %arg26: memref<!tpu.dma_semaphore, #tpu.memory_space<semaphore_mem>>, %arg27: memref<!tpu.dma_semaphore, #tpu.memory_space<semaphore_mem>>, %arg28: memref<!tpu.dma_semaphore, #tpu.memory_space<semaphore_mem>>, %arg29: memref<!tpu.dma_semaphore, #tpu.memory_space<semaphore_mem>>, %arg30: memref<!tpu.dma_semaphore, #tpu.memory_space<semaphore_mem>>, %arg31: memref<!tpu.dma_semaphore, #tpu.memory_space<semaphore_mem>>, %arg32: memref<!tpu.dma_semaphore, #tpu.memory_space<semaphore_mem>>, %arg33: memref<!tpu.dma_semaphore, #tpu.memory_space<semaphore_mem>>, %arg34: memref<!tpu.dma_semaphore, #tpu.memory_space<semaphore_mem>>) attributes {dimension_semantics = [#tpu.dimension_semantics<core_parallel>, #tpu.dimension_semantics<subcore_parallel>], iteration_bounds = array<i64: 2, 16>, scalar_prefetch = 0 : i64, scratch_operands = 29 : i64, tpu.core_type = #tpu.core_type<sc_vector_subcore>, window_params = [{transform_indices = #map}, {transform_indices = #map1}, {transform_indices = #map}, {transform_indices = #map2}]} {
    %mul3A = arith.constant 16 : i32
    %mul3A_0 = arith.muli %arg0, %mul3A : i32
    %add3A = arith.addi %mul3A_0, %arg1 : i32
    %mul3A_1 = arith.constant 640 : i32
    %mul3A_2 = arith.muli %arg1, %mul3A_1 : i32
    "tpu.region"() ({
      %run_scoped3A = tpu.sem_alloc : memref<!tpu.dma_semaphore, #tpu.memory_space<semaphore_mem>>
      %dma_start3A = arith.constant 0 : i32
      %dma_start3A_12 = tpu.memref_slice %arg6[%mul3A_2, %dma_start3A] : memref<10240x128xf32, #tpu.memory_space<vmem_shared>> -> memref<640x128xf32, #tpu.memory_space<vmem_shared>>
      tpu.enqueue_dma source(%arg4 : memref<640x128xf32, #tpu.memory_space<hbm>>) target(%dma_start3A_12 : memref<640x128xf32, #tpu.memory_space<vmem_shared>>) target_semaphore(%run_scoped3A : memref<!tpu.dma_semaphore, #tpu.memory_space<semaphore_mem>>)
      %dma_wait3A = arith.constant 0 : i32
      %dma_wait3A_13 = tpu.memref_slice %arg6[%mul3A_2, %dma_wait3A] : memref<10240x128xf32, #tpu.memory_space<vmem_shared>> -> memref<640x128xf32, #tpu.memory_space<vmem_shared>>
      tpu.wait_dma2 semaphore(%run_scoped3A : memref<!tpu.dma_semaphore, #tpu.memory_space<semaphore_mem>>) src(%arg4 : memref<640x128xf32, #tpu.memory_space<hbm>>) dst(%dma_wait3A_13 : memref<640x128xf32, #tpu.memory_space<vmem_shared>>)
      tpu.yield
    }) : () -> ()
    %barrier3A = arith.constant 0 : index
    tpu.barrier barrier_id(%barrier3A)
    %scan3A = arith.constant 0 : i32
    %scan3A_3 = arith.constant 17 : i32
    %scan3A_4 = arith.addi %scan3A, %scan3A_3 : i32
    %scan3A_5 = arith.constant 1 : i32
    scf.for %scan3A_12 = %scan3A to %scan3A_4 step %scan3A_5  : i32 {
      %mul3A_13 = arith.constant 1 : i32
      %mul3A_14 = arith.muli %scan3A_12, %mul3A_13 : i32
      %add3A_15 = arith.constant 0 : i32
      %add3A_16 = arith.addi %add3A_15, %mul3A_14 : i32
      %mul3A_17 = arith.constant 8 : i32
      %mul3A_18 = arith.muli %add3A_16, %mul3A_17 : i32
      %add3A_19 = arith.constant 0 : i32
      %add3A_20 = arith.addi %mul3A_18, %add3A_19 : i32
      %ge3A = arith.constant 6 : i32
      %ge3A_21 = arith.cmpi sge, %add3A_20, %ge3A : i32
      %lt3A = arith.constant 131 : i32
      %lt3A_22 = arith.cmpi slt, %add3A_20, %lt3A : i32
      %and3A = arith.andi %ge3A_21, %lt3A_22 : i1
      %convert_element_type3A = arith.extui %and3A : i1 to i32
      %cond3A = arith.constant 0 : i32
      %cond3A_23 = arith.cmpi ne, %convert_element_type3A, %cond3A : i32
      scf.if %cond3A_23 {
        %dma_wait3A = arith.constant 1 : i32
        %dma_wait3A_276 = arith.constant 0 : i32
        %dma_wait3A_277 = tpu.memref_slice %arg9[%dma_wait3A, %dma_wait3A_276] : memref<2x80xi32, #tpu.memory_space<vmem>> -> memref<1x80xi32, #tpu.memory_space<vmem>>
        %dma_wait3A_278 = tpu.memref_squeeze %dma_wait3A_277 : memref<1x80xi32, #tpu.memory_space<vmem>> -> memref<80xi32, #tpu.memory_space<vmem>>
        %dma_wait3A_279 = arith.constant 0 : i32
        %dma_wait3A_280 = arith.constant 0 : i32
        %dma_wait3A_281 = tpu.memref_slice %arg6[%dma_wait3A_279, %dma_wait3A_280] : memref<10240x128xf32, #tpu.memory_space<vmem_shared>> -> memref<10240x128xf32, #tpu.memory_space<vmem_shared>>
        tpu.wait_indirect_dma semaphore(%arg33 : memref<!tpu.dma_semaphore, #tpu.memory_space<semaphore_mem>>) src(%arg17 : memref<80x128xf32, #tpu.memory_space<vmem>>) dst(%dma_wait3A_281 : memref<10240x128xf32, #tpu.memory_space<vmem_shared>>)
      } else {
      }
      %lt3A_24 = arith.constant 125 : i32
      %lt3A_25 = arith.cmpi slt, %add3A_20, %lt3A_24 : i32
      %convert_element_type3A_26 = arith.extui %lt3A_25 : i1 to i32
      %cond3A_27 = arith.constant 0 : i32
      %cond3A_28 = arith.cmpi ne, %convert_element_type3A_26, %cond3A_27 : i32
      scf.if %cond3A_28 {
        %dma_start3A = arith.constant 0 : i32
        %dma_start3A_276 = arith.constant 0 : i32
        %dma_start3A_277 = tpu.memref_slice %arg3[%add3A, %add3A_20, %dma_start3A, %dma_start3A_276] : memref<32x125x2x80xi32, #tpu.memory_space<hbm>> -> memref<1x1x2x80xi32, #tpu.memory_space<hbm>>
        %dma_start3A_278 = tpu.memref_squeeze %dma_start3A_277 : memref<1x1x2x80xi32, #tpu.memory_space<hbm>> -> memref<2x80xi32, #tpu.memory_space<hbm>>
        %dma_start3A_279 = arith.constant 0 : i32
        %dma_start3A_280 = arith.constant 0 : i32
        %dma_start3A_281 = tpu.memref_slice %arg3[%add3A, %add3A_20, %dma_start3A_279, %dma_start3A_280] : memref<32x125x2x80xi32, #tpu.memory_space<hbm>> -> memref<1x1x2x80xi32, #tpu.memory_space<hbm>>
        %dma_start3A_282 = tpu.memref_squeeze %dma_start3A_281 : memref<1x1x2x80xi32, #tpu.memory_space<hbm>> -> memref<2x80xi32, #tpu.memory_space<hbm>>
        tpu.enqueue_dma source(%dma_start3A_282 : memref<2x80xi32, #tpu.memory_space<hbm>>) target(%arg7 : memref<2x80xi32, #tpu.memory_space<vmem>>) target_semaphore(%arg19 : memref<!tpu.dma_semaphore, #tpu.memory_space<semaphore_mem>>)
      } else {
      }
      %ge3A_29 = arith.constant 2 : i32
      %ge3A_30 = arith.cmpi sge, %add3A_20, %ge3A_29 : i32
      %lt3A_31 = arith.constant 127 : i32
      %lt3A_32 = arith.cmpi slt, %add3A_20, %lt3A_31 : i32
      %and3A_33 = arith.andi %ge3A_30, %lt3A_32 : i1
      %convert_element_type3A_34 = arith.extui %and3A_33 : i1 to i32
      %cond3A_35 = arith.constant 0 : i32
      %cond3A_36 = arith.cmpi ne, %convert_element_type3A_34, %cond3A_35 : i32
      scf.if %cond3A_36 {
        %sub3A = arith.constant 2 : i32
        %sub3A_276 = arith.subi %add3A_20, %sub3A : i32
        %dma_wait3A = arith.constant 0 : i32
        %dma_wait3A_277 = arith.constant 0 : i32
        %dma_wait3A_278 = tpu.memref_slice %arg3[%add3A, %sub3A_276, %dma_wait3A, %dma_wait3A_277] : memref<32x125x2x80xi32, #tpu.memory_space<hbm>> -> memref<1x1x2x80xi32, #tpu.memory_space<hbm>>
        %dma_wait3A_279 = tpu.memref_squeeze %dma_wait3A_278 : memref<1x1x2x80xi32, #tpu.memory_space<hbm>> -> memref<2x80xi32, #tpu.memory_space<hbm>>
        %dma_wait3A_280 = arith.constant 0 : i32
        %dma_wait3A_281 = arith.constant 0 : i32
        %dma_wait3A_282 = tpu.memref_slice %arg3[%add3A, %sub3A_276, %dma_wait3A_280, %dma_wait3A_281] : memref<32x125x2x80xi32, #tpu.memory_space<hbm>> -> memref<1x1x2x80xi32, #tpu.memory_space<hbm>>
        %dma_wait3A_283 = tpu.memref_squeeze %dma_wait3A_282 : memref<1x1x2x80xi32, #tpu.memory_space<hbm>> -> memref<2x80xi32, #tpu.memory_space<hbm>>
        tpu.wait_dma2 semaphore(%arg25 : memref<!tpu.dma_semaphore, #tpu.memory_space<semaphore_mem>>) src(%dma_wait3A_283 : memref<2x80xi32, #tpu.memory_space<hbm>>) dst(%arg13 : memref<2x80xi32, #tpu.memory_space<vmem>>)
        %dma_start3A = arith.constant 0 : i32
        %dma_start3A_284 = arith.constant 0 : i32
        %dma_start3A_285 = tpu.memref_slice %arg13[%dma_start3A, %dma_start3A_284] : memref<2x80xi32, #tpu.memory_space<vmem>> -> memref<1x80xi32, #tpu.memory_space<vmem>>
        %dma_start3A_286 = tpu.memref_squeeze %dma_start3A_285 : memref<1x80xi32, #tpu.memory_space<vmem>> -> memref<80xi32, #tpu.memory_space<vmem>>
        %dma_start3A_287 = arith.constant 0 : i32
        %dma_start3A_288 = arith.constant 0 : i32
        %dma_start3A_289 = tpu.memref_slice %arg2[%dma_start3A_287, %dma_start3A_288] : memref<10000x128xf32, #tpu.memory_space<hbm>> -> memref<10000x128xf32, #tpu.memory_space<hbm>>
        tpu.enqueue_indirect_dma source(%dma_start3A_289 : memref<10000x128xf32, #tpu.memory_space<hbm>>) target(%arg17 : memref<80x128xf32, #tpu.memory_space<vmem>>) offsets(%dma_start3A_286 : memref<80xi32, #tpu.memory_space<vmem>>) semaphore(%arg29 : memref<!tpu.dma_semaphore, #tpu.memory_space<semaphore_mem>>)
      } else {
      }
      %ge3A_37 = arith.constant 4 : i32
      %ge3A_38 = arith.cmpi sge, %add3A_20, %ge3A_37 : i32
      %lt3A_39 = arith.constant 129 : i32
      %lt3A_40 = arith.cmpi slt, %add3A_20, %lt3A_39 : i32
      %and3A_41 = arith.andi %ge3A_38, %lt3A_40 : i1
      %convert_element_type3A_42 = arith.extui %and3A_41 : i1 to i32
      %cond3A_43 = arith.constant 0 : i32
      %cond3A_44 = arith.cmpi ne, %convert_element_type3A_42, %cond3A_43 : i32
      scf.if %cond3A_44 {
        %dma_wait3A = arith.constant 0 : i32
        %dma_wait3A_276 = arith.constant 0 : i32
        %dma_wait3A_277 = tpu.memref_slice %arg11[%dma_wait3A, %dma_wait3A_276] : memref<2x80xi32, #tpu.memory_space<vmem>> -> memref<1x80xi32, #tpu.memory_space<vmem>>
        %dma_wait3A_278 = tpu.memref_squeeze %dma_wait3A_277 : memref<1x80xi32, #tpu.memory_space<vmem>> -> memref<80xi32, #tpu.memory_space<vmem>>
        %dma_wait3A_279 = arith.constant 0 : i32
        %dma_wait3A_280 = arith.constant 0 : i32
        %dma_wait3A_281 = tpu.memref_slice %arg2[%dma_wait3A_279, %dma_wait3A_280] : memref<10000x128xf32, #tpu.memory_space<hbm>> -> memref<10000x128xf32, #tpu.memory_space<hbm>>
        tpu.wait_indirect_dma semaphore(%arg27 : memref<!tpu.dma_semaphore, #tpu.memory_space<semaphore_mem>>) src(%dma_wait3A_281 : memref<10000x128xf32, #tpu.memory_space<hbm>>) dst(%arg15 : memref<80x128xf32, #tpu.memory_space<vmem>>)
        %dma_start3A = arith.constant 1 : i32
        %dma_start3A_282 = arith.constant 0 : i32
        %dma_start3A_283 = tpu.memref_slice %arg11[%dma_start3A, %dma_start3A_282] : memref<2x80xi32, #tpu.memory_space<vmem>> -> memref<1x80xi32, #tpu.memory_space<vmem>>
        %dma_start3A_284 = tpu.memref_squeeze %dma_start3A_283 : memref<1x80xi32, #tpu.memory_space<vmem>> -> memref<80xi32, #tpu.memory_space<vmem>>
        %dma_start3A_285 = arith.constant 0 : i32
        %dma_start3A_286 = arith.constant 0 : i32
        %dma_start3A_287 = tpu.memref_slice %arg6[%dma_start3A_285, %dma_start3A_286] : memref<10240x128xf32, #tpu.memory_space<vmem_shared>> -> memref<10240x128xf32, #tpu.memory_space<vmem_shared>>
        tpu.enqueue_indirect_dma source(%arg15 : memref<80x128xf32, #tpu.memory_space<vmem>>) target(%dma_start3A_287 : memref<10240x128xf32, #tpu.memory_space<vmem_shared>>) offsets(%dma_start3A_284 : memref<80xi32, #tpu.memory_space<vmem>>) semaphore(%arg31 : memref<!tpu.dma_semaphore, #tpu.memory_space<semaphore_mem>>) {add = true}
      } else {
      }
      %mul3A_45 = arith.constant 8 : i32
      %mul3A_46 = arith.muli %add3A_16, %mul3A_45 : i32
      %add3A_47 = arith.constant 1 : i32
      %add3A_48 = arith.addi %mul3A_46, %add3A_47 : i32
      %ge3A_49 = arith.constant 6 : i32
      %ge3A_50 = arith.cmpi sge, %add3A_48, %ge3A_49 : i32
      %lt3A_51 = arith.constant 131 : i32
      %lt3A_52 = arith.cmpi slt, %add3A_48, %lt3A_51 : i32
      %and3A_53 = arith.andi %ge3A_50, %lt3A_52 : i1
      %convert_element_type3A_54 = arith.extui %and3A_53 : i1 to i32
      %cond3A_55 = arith.constant 0 : i32
      %cond3A_56 = arith.cmpi ne, %convert_element_type3A_54, %cond3A_55 : i32
      scf.if %cond3A_56 {
        %dma_wait3A = arith.constant 1 : i32
        %dma_wait3A_276 = arith.constant 0 : i32
        %dma_wait3A_277 = tpu.memref_slice %arg10[%dma_wait3A, %dma_wait3A_276] : memref<2x80xi32, #tpu.memory_space<vmem>> -> memref<1x80xi32, #tpu.memory_space<vmem>>
        %dma_wait3A_278 = tpu.memref_squeeze %dma_wait3A_277 : memref<1x80xi32, #tpu.memory_space<vmem>> -> memref<80xi32, #tpu.memory_space<vmem>>
        %dma_wait3A_279 = arith.constant 0 : i32
        %dma_wait3A_280 = arith.constant 0 : i32
        %dma_wait3A_281 = tpu.memref_slice %arg6[%dma_wait3A_279, %dma_wait3A_280] : memref<10240x128xf32, #tpu.memory_space<vmem_shared>> -> memref<10240x128xf32, #tpu.memory_space<vmem_shared>>
        tpu.wait_indirect_dma semaphore(%arg34 : memref<!tpu.dma_semaphore, #tpu.memory_space<semaphore_mem>>) src(%arg18 : memref<80x128xf32, #tpu.memory_space<vmem>>) dst(%dma_wait3A_281 : memref<10240x128xf32, #tpu.memory_space<vmem_shared>>)
      } else {
      }
      %lt3A_57 = arith.constant 125 : i32
      %lt3A_58 = arith.cmpi slt, %add3A_48, %lt3A_57 : i32
      %convert_element_type3A_59 = arith.extui %lt3A_58 : i1 to i32
      %cond3A_60 = arith.constant 0 : i32
      %cond3A_61 = arith.cmpi ne, %convert_element_type3A_59, %cond3A_60 : i32
      scf.if %cond3A_61 {
        %dma_start3A = arith.constant 0 : i32
        %dma_start3A_276 = arith.constant 0 : i32
        %dma_start3A_277 = tpu.memref_slice %arg3[%add3A, %add3A_48, %dma_start3A, %dma_start3A_276] : memref<32x125x2x80xi32, #tpu.memory_space<hbm>> -> memref<1x1x2x80xi32, #tpu.memory_space<hbm>>
        %dma_start3A_278 = tpu.memref_squeeze %dma_start3A_277 : memref<1x1x2x80xi32, #tpu.memory_space<hbm>> -> memref<2x80xi32, #tpu.memory_space<hbm>>
        %dma_start3A_279 = arith.constant 0 : i32
        %dma_start3A_280 = arith.constant 0 : i32
        %dma_start3A_281 = tpu.memref_slice %arg3[%add3A, %add3A_48, %dma_start3A_279, %dma_start3A_280] : memref<32x125x2x80xi32, #tpu.memory_space<hbm>> -> memref<1x1x2x80xi32, #tpu.memory_space<hbm>>
        %dma_start3A_282 = tpu.memref_squeeze %dma_start3A_281 : memref<1x1x2x80xi32, #tpu.memory_space<hbm>> -> memref<2x80xi32, #tpu.memory_space<hbm>>
        tpu.enqueue_dma source(%dma_start3A_282 : memref<2x80xi32, #tpu.memory_space<hbm>>) target(%arg8 : memref<2x80xi32, #tpu.memory_space<vmem>>) target_semaphore(%arg20 : memref<!tpu.dma_semaphore, #tpu.memory_space<semaphore_mem>>)
      } else {
      }
      %ge3A_62 = arith.constant 2 : i32
      %ge3A_63 = arith.cmpi sge, %add3A_48, %ge3A_62 : i32
      %lt3A_64 = arith.constant 127 : i32
      %lt3A_65 = arith.cmpi slt, %add3A_48, %lt3A_64 : i32
      %and3A_66 = arith.andi %ge3A_63, %lt3A_65 : i1
      %convert_element_type3A_67 = arith.extui %and3A_66 : i1 to i32
      %cond3A_68 = arith.constant 0 : i32
      %cond3A_69 = arith.cmpi ne, %convert_element_type3A_67, %cond3A_68 : i32
      scf.if %cond3A_69 {
        %sub3A = arith.constant 2 : i32
        %sub3A_276 = arith.subi %add3A_48, %sub3A : i32
        %dma_wait3A = arith.constant 0 : i32
        %dma_wait3A_277 = arith.constant 0 : i32
        %dma_wait3A_278 = tpu.memref_slice %arg3[%add3A, %sub3A_276, %dma_wait3A, %dma_wait3A_277] : memref<32x125x2x80xi32, #tpu.memory_space<hbm>> -> memref<1x1x2x80xi32, #tpu.memory_space<hbm>>
        %dma_wait3A_279 = tpu.memref_squeeze %dma_wait3A_278 : memref<1x1x2x80xi32, #tpu.memory_space<hbm>> -> memref<2x80xi32, #tpu.memory_space<hbm>>
        %dma_wait3A_280 = arith.constant 0 : i32
        %dma_wait3A_281 = arith.constant 0 : i32
        %dma_wait3A_282 = tpu.memref_slice %arg3[%add3A, %sub3A_276, %dma_wait3A_280, %dma_wait3A_281] : memref<32x125x2x80xi32, #tpu.memory_space<hbm>> -> memref<1x1x2x80xi32, #tpu.memory_space<hbm>>
        %dma_wait3A_283 = tpu.memref_squeeze %dma_wait3A_282 : memref<1x1x2x80xi32, #tpu.memory_space<hbm>> -> memref<2x80xi32, #tpu.memory_space<hbm>>
        tpu.wait_dma2 semaphore(%arg26 : memref<!tpu.dma_semaphore, #tpu.memory_space<semaphore_mem>>) src(%dma_wait3A_283 : memref<2x80xi32, #tpu.memory_space<hbm>>) dst(%arg14 : memref<2x80xi32, #tpu.memory_space<vmem>>)
        %dma_start3A = arith.constant 0 : i32
        %dma_start3A_284 = arith.constant 0 : i32
        %dma_start3A_285 = tpu.memref_slice %arg14[%dma_start3A, %dma_start3A_284] : memref<2x80xi32, #tpu.memory_space<vmem>> -> memref<1x80xi32, #tpu.memory_space<vmem>>
        %dma_start3A_286 = tpu.memref_squeeze %dma_start3A_285 : memref<1x80xi32, #tpu.memory_space<vmem>> -> memref<80xi32, #tpu.memory_space<vmem>>
        %dma_start3A_287 = arith.constant 0 : i32
        %dma_start3A_288 = arith.constant 0 : i32
        %dma_start3A_289 = tpu.memref_slice %arg2[%dma_start3A_287, %dma_start3A_288] : memref<10000x128xf32, #tpu.memory_space<hbm>> -> memref<10000x128xf32, #tpu.memory_space<hbm>>
        tpu.enqueue_indirect_dma source(%dma_start3A_289 : memref<10000x128xf32, #tpu.memory_space<hbm>>) target(%arg18 : memref<80x128xf32, #tpu.memory_space<vmem>>) offsets(%dma_start3A_286 : memref<80xi32, #tpu.memory_space<vmem>>) semaphore(%arg30 : memref<!tpu.dma_semaphore, #tpu.memory_space<semaphore_mem>>)
      } else {
      }
      %ge3A_70 = arith.constant 4 : i32
      %ge3A_71 = arith.cmpi sge, %add3A_48, %ge3A_70 : i32
      %lt3A_72 = arith.constant 129 : i32
      %lt3A_73 = arith.cmpi slt, %add3A_48, %lt3A_72 : i32
      %and3A_74 = arith.andi %ge3A_71, %lt3A_73 : i1
      %convert_element_type3A_75 = arith.extui %and3A_74 : i1 to i32
      %cond3A_76 = arith.constant 0 : i32
      %cond3A_77 = arith.cmpi ne, %convert_element_type3A_75, %cond3A_76 : i32
      scf.if %cond3A_77 {
        %dma_wait3A = arith.constant 0 : i32
        %dma_wait3A_276 = arith.constant 0 : i32
        %dma_wait3A_277 = tpu.memref_slice %arg12[%dma_wait3A, %dma_wait3A_276] : memref<2x80xi32, #tpu.memory_space<vmem>> -> memref<1x80xi32, #tpu.memory_space<vmem>>
        %dma_wait3A_278 = tpu.memref_squeeze %dma_wait3A_277 : memref<1x80xi32, #tpu.memory_space<vmem>> -> memref<80xi32, #tpu.memory_space<vmem>>
        %dma_wait3A_279 = arith.constant 0 : i32
        %dma_wait3A_280 = arith.constant 0 : i32
        %dma_wait3A_281 = tpu.memref_slice %arg2[%dma_wait3A_279, %dma_wait3A_280] : memref<10000x128xf32, #tpu.memory_space<hbm>> -> memref<10000x128xf32, #tpu.memory_space<hbm>>
        tpu.wait_indirect_dma semaphore(%arg28 : memref<!tpu.dma_semaphore, #tpu.memory_space<semaphore_mem>>) src(%dma_wait3A_281 : memref<10000x128xf32, #tpu.memory_space<hbm>>) dst(%arg16 : memref<80x128xf32, #tpu.memory_space<vmem>>)
        %dma_start3A = arith.constant 1 : i32
        %dma_start3A_282 = arith.constant 0 : i32
        %dma_start3A_283 = tpu.memref_slice %arg12[%dma_start3A, %dma_start3A_282] : memref<2x80xi32, #tpu.memory_space<vmem>> -> memref<1x80xi32, #tpu.memory_space<vmem>>
        %dma_start3A_284 = tpu.memref_squeeze %dma_start3A_283 : memref<1x80xi32, #tpu.memory_space<vmem>> -> memref<80xi32, #tpu.memory_space<vmem>>
        %dma_start3A_285 = arith.constant 0 : i32
        %dma_start3A_286 = arith.constant 0 : i32
        %dma_start3A_287 = tpu.memref_slice %arg6[%dma_start3A_285, %dma_start3A_286] : memref<10240x128xf32, #tpu.memory_space<vmem_shared>> -> memref<10240x128xf32, #tpu.memory_space<vmem_shared>>
        tpu.enqueue_indirect_dma source(%arg16 : memref<80x128xf32, #tpu.memory_space<vmem>>) target(%dma_start3A_287 : memref<10240x128xf32, #tpu.memory_space<vmem_shared>>) offsets(%dma_start3A_284 : memref<80xi32, #tpu.memory_space<vmem>>) semaphore(%arg32 : memref<!tpu.dma_semaphore, #tpu.memory_space<semaphore_mem>>) {add = true}
      } else {
      }
      %mul3A_78 = arith.constant 8 : i32
      %mul3A_79 = arith.muli %add3A_16, %mul3A_78 : i32
      %add3A_80 = arith.constant 2 : i32
      %add3A_81 = arith.addi %mul3A_79, %add3A_80 : i32
      %ge3A_82 = arith.constant 6 : i32
      %ge3A_83 = arith.cmpi sge, %add3A_81, %ge3A_82 : i32
      %lt3A_84 = arith.constant 131 : i32
      %lt3A_85 = arith.cmpi slt, %add3A_81, %lt3A_84 : i32
      %and3A_86 = arith.andi %ge3A_83, %lt3A_85 : i1
      %convert_element_type3A_87 = arith.extui %and3A_86 : i1 to i32
      %cond3A_88 = arith.constant 0 : i32
      %cond3A_89 = arith.cmpi ne, %convert_element_type3A_87, %cond3A_88 : i32
      scf.if %cond3A_89 {
        %dma_wait3A = arith.constant 1 : i32
        %dma_wait3A_276 = arith.constant 0 : i32
        %dma_wait3A_277 = tpu.memref_slice %arg11[%dma_wait3A, %dma_wait3A_276] : memref<2x80xi32, #tpu.memory_space<vmem>> -> memref<1x80xi32, #tpu.memory_space<vmem>>
        %dma_wait3A_278 = tpu.memref_squeeze %dma_wait3A_277 : memref<1x80xi32, #tpu.memory_space<vmem>> -> memref<80xi32, #tpu.memory_space<vmem>>
        %dma_wait3A_279 = arith.constant 0 : i32
        %dma_wait3A_280 = arith.constant 0 : i32
        %dma_wait3A_281 = tpu.memref_slice %arg6[%dma_wait3A_279, %dma_wait3A_280] : memref<10240x128xf32, #tpu.memory_space<vmem_shared>> -> memref<10240x128xf32, #tpu.memory_space<vmem_shared>>
        tpu.wait_indirect_dma semaphore(%arg31 : memref<!tpu.dma_semaphore, #tpu.memory_space<semaphore_mem>>) src(%arg15 : memref<80x128xf32, #tpu.memory_space<vmem>>) dst(%dma_wait3A_281 : memref<10240x128xf32, #tpu.memory_space<vmem_shared>>)
      } else {
      }
      %lt3A_90 = arith.constant 125 : i32
      %lt3A_91 = arith.cmpi slt, %add3A_81, %lt3A_90 : i32
      %convert_element_type3A_92 = arith.extui %lt3A_91 : i1 to i32
      %cond3A_93 = arith.constant 0 : i32
      %cond3A_94 = arith.cmpi ne, %convert_element_type3A_92, %cond3A_93 : i32
      scf.if %cond3A_94 {
        %dma_start3A = arith.constant 0 : i32
        %dma_start3A_276 = arith.constant 0 : i32
        %dma_start3A_277 = tpu.memref_slice %arg3[%add3A, %add3A_81, %dma_start3A, %dma_start3A_276] : memref<32x125x2x80xi32, #tpu.memory_space<hbm>> -> memref<1x1x2x80xi32, #tpu.memory_space<hbm>>
        %dma_start3A_278 = tpu.memref_squeeze %dma_start3A_277 : memref<1x1x2x80xi32, #tpu.memory_space<hbm>> -> memref<2x80xi32, #tpu.memory_space<hbm>>
        %dma_start3A_279 = arith.constant 0 : i32
        %dma_start3A_280 = arith.constant 0 : i32
        %dma_start3A_281 = tpu.memref_slice %arg3[%add3A, %add3A_81, %dma_start3A_279, %dma_start3A_280] : memref<32x125x2x80xi32, #tpu.memory_space<hbm>> -> memref<1x1x2x80xi32, #tpu.memory_space<hbm>>
        %dma_start3A_282 = tpu.memref_squeeze %dma_start3A_281 : memref<1x1x2x80xi32, #tpu.memory_space<hbm>> -> memref<2x80xi32, #tpu.memory_space<hbm>>
        tpu.enqueue_dma source(%dma_start3A_282 : memref<2x80xi32, #tpu.memory_space<hbm>>) target(%arg9 : memref<2x80xi32, #tpu.memory_space<vmem>>) target_semaphore(%arg21 : memref<!tpu.dma_semaphore, #tpu.memory_space<semaphore_mem>>)
      } else {
      }
      %ge3A_95 = arith.constant 2 : i32
      %ge3A_96 = arith.cmpi sge, %add3A_81, %ge3A_95 : i32
      %lt3A_97 = arith.constant 127 : i32
      %lt3A_98 = arith.cmpi slt, %add3A_81, %lt3A_97 : i32
      %and3A_99 = arith.andi %ge3A_96, %lt3A_98 : i1
      %convert_element_type3A_100 = arith.extui %and3A_99 : i1 to i32
      %cond3A_101 = arith.constant 0 : i32
      %cond3A_102 = arith.cmpi ne, %convert_element_type3A_100, %cond3A_101 : i32
      scf.if %cond3A_102 {
        %sub3A = arith.constant 2 : i32
        %sub3A_276 = arith.subi %add3A_81, %sub3A : i32
        %dma_wait3A = arith.constant 0 : i32
        %dma_wait3A_277 = arith.constant 0 : i32
        %dma_wait3A_278 = tpu.memref_slice %arg3[%add3A, %sub3A_276, %dma_wait3A, %dma_wait3A_277] : memref<32x125x2x80xi32, #tpu.memory_space<hbm>> -> memref<1x1x2x80xi32, #tpu.memory_space<hbm>>
        %dma_wait3A_279 = tpu.memref_squeeze %dma_wait3A_278 : memref<1x1x2x80xi32, #tpu.memory_space<hbm>> -> memref<2x80xi32, #tpu.memory_space<hbm>>
        %dma_wait3A_280 = arith.constant 0 : i32
        %dma_wait3A_281 = arith.constant 0 : i32
        %dma_wait3A_282 = tpu.memref_slice %arg3[%add3A, %sub3A_276, %dma_wait3A_280, %dma_wait3A_281] : memref<32x125x2x80xi32, #tpu.memory_space<hbm>> -> memref<1x1x2x80xi32, #tpu.memory_space<hbm>>
        %dma_wait3A_283 = tpu.memref_squeeze %dma_wait3A_282 : memref<1x1x2x80xi32, #tpu.memory_space<hbm>> -> memref<2x80xi32, #tpu.memory_space<hbm>>
        tpu.wait_dma2 semaphore(%arg19 : memref<!tpu.dma_semaphore, #tpu.memory_space<semaphore_mem>>) src(%dma_wait3A_283 : memref<2x80xi32, #tpu.memory_space<hbm>>) dst(%arg7 : memref<2x80xi32, #tpu.memory_space<vmem>>)
        %dma_start3A = arith.constant 0 : i32
        %dma_start3A_284 = arith.constant 0 : i32
        %dma_start3A_285 = tpu.memref_slice %arg7[%dma_start3A, %dma_start3A_284] : memref<2x80xi32, #tpu.memory_space<vmem>> -> memref<1x80xi32, #tpu.memory_space<vmem>>
        %dma_start3A_286 = tpu.memref_squeeze %dma_start3A_285 : memref<1x80xi32, #tpu.memory_space<vmem>> -> memref<80xi32, #tpu.memory_space<vmem>>
        %dma_start3A_287 = arith.constant 0 : i32
        %dma_start3A_288 = arith.constant 0 : i32
        %dma_start3A_289 = tpu.memref_slice %arg2[%dma_start3A_287, %dma_start3A_288] : memref<10000x128xf32, #tpu.memory_space<hbm>> -> memref<10000x128xf32, #tpu.memory_space<hbm>>
        tpu.enqueue_indirect_dma source(%dma_start3A_289 : memref<10000x128xf32, #tpu.memory_space<hbm>>) target(%arg15 : memref<80x128xf32, #tpu.memory_space<vmem>>) offsets(%dma_start3A_286 : memref<80xi32, #tpu.memory_space<vmem>>) semaphore(%arg27 : memref<!tpu.dma_semaphore, #tpu.memory_space<semaphore_mem>>)
      } else {
      }
      %ge3A_103 = arith.constant 4 : i32
      %ge3A_104 = arith.cmpi sge, %add3A_81, %ge3A_103 : i32
      %lt3A_105 = arith.constant 129 : i32
      %lt3A_106 = arith.cmpi slt, %add3A_81, %lt3A_105 : i32
      %and3A_107 = arith.andi %ge3A_104, %lt3A_106 : i1
      %convert_element_type3A_108 = arith.extui %and3A_107 : i1 to i32
      %cond3A_109 = arith.constant 0 : i32
      %cond3A_110 = arith.cmpi ne, %convert_element_type3A_108, %cond3A_109 : i32
      scf.if %cond3A_110 {
        %dma_wait3A = arith.constant 0 : i32
        %dma_wait3A_276 = arith.constant 0 : i32
        %dma_wait3A_277 = tpu.memref_slice %arg13[%dma_wait3A, %dma_wait3A_276] : memref<2x80xi32, #tpu.memory_space<vmem>> -> memref<1x80xi32, #tpu.memory_space<vmem>>
        %dma_wait3A_278 = tpu.memref_squeeze %dma_wait3A_277 : memref<1x80xi32, #tpu.memory_space<vmem>> -> memref<80xi32, #tpu.memory_space<vmem>>
        %dma_wait3A_279 = arith.constant 0 : i32
        %dma_wait3A_280 = arith.constant 0 : i32
        %dma_wait3A_281 = tpu.memref_slice %arg2[%dma_wait3A_279, %dma_wait3A_280] : memref<10000x128xf32, #tpu.memory_space<hbm>> -> memref<10000x128xf32, #tpu.memory_space<hbm>>
        tpu.wait_indirect_dma semaphore(%arg29 : memref<!tpu.dma_semaphore, #tpu.memory_space<semaphore_mem>>) src(%dma_wait3A_281 : memref<10000x128xf32, #tpu.memory_space<hbm>>) dst(%arg17 : memref<80x128xf32, #tpu.memory_space<vmem>>)
        %dma_start3A = arith.constant 1 : i32
        %dma_start3A_282 = arith.constant 0 : i32
        %dma_start3A_283 = tpu.memref_slice %arg13[%dma_start3A, %dma_start3A_282] : memref<2x80xi32, #tpu.memory_space<vmem>> -> memref<1x80xi32, #tpu.memory_space<vmem>>
        %dma_start3A_284 = tpu.memref_squeeze %dma_start3A_283 : memref<1x80xi32, #tpu.memory_space<vmem>> -> memref<80xi32, #tpu.memory_space<vmem>>
        %dma_start3A_285 = arith.constant 0 : i32
        %dma_start3A_286 = arith.constant 0 : i32
        %dma_start3A_287 = tpu.memref_slice %arg6[%dma_start3A_285, %dma_start3A_286] : memref<10240x128xf32, #tpu.memory_space<vmem_shared>> -> memref<10240x128xf32, #tpu.memory_space<vmem_shared>>
        tpu.enqueue_indirect_dma source(%arg17 : memref<80x128xf32, #tpu.memory_space<vmem>>) target(%dma_start3A_287 : memref<10240x128xf32, #tpu.memory_space<vmem_shared>>) offsets(%dma_start3A_284 : memref<80xi32, #tpu.memory_space<vmem>>) semaphore(%arg33 : memref<!tpu.dma_semaphore, #tpu.memory_space<semaphore_mem>>) {add = true}
      } else {
      }
      %mul3A_111 = arith.constant 8 : i32
      %mul3A_112 = arith.muli %add3A_16, %mul3A_111 : i32
      %add3A_113 = arith.constant 3 : i32
      %add3A_114 = arith.addi %mul3A_112, %add3A_113 : i32
      %ge3A_115 = arith.constant 6 : i32
      %ge3A_116 = arith.cmpi sge, %add3A_114, %ge3A_115 : i32
      %lt3A_117 = arith.constant 131 : i32
      %lt3A_118 = arith.cmpi slt, %add3A_114, %lt3A_117 : i32
      %and3A_119 = arith.andi %ge3A_116, %lt3A_118 : i1
      %convert_element_type3A_120 = arith.extui %and3A_119 : i1 to i32
      %cond3A_121 = arith.constant 0 : i32
      %cond3A_122 = arith.cmpi ne, %convert_element_type3A_120, %cond3A_121 : i32
      scf.if %cond3A_122 {
        %dma_wait3A = arith.constant 1 : i32
        %dma_wait3A_276 = arith.constant 0 : i32
        %dma_wait3A_277 = tpu.memref_slice %arg12[%dma_wait3A, %dma_wait3A_276] : memref<2x80xi32, #tpu.memory_space<vmem>> -> memref<1x80xi32, #tpu.memory_space<vmem>>
        %dma_wait3A_278 = tpu.memref_squeeze %dma_wait3A_277 : memref<1x80xi32, #tpu.memory_space<vmem>> -> memref<80xi32, #tpu.memory_space<vmem>>
        %dma_wait3A_279 = arith.constant 0 : i32
        %dma_wait3A_280 = arith.constant 0 : i32
        %dma_wait3A_281 = tpu.memref_slice %arg6[%dma_wait3A_279, %dma_wait3A_280] : memref<10240x128xf32, #tpu.memory_space<vmem_shared>> -> memref<10240x128xf32, #tpu.memory_space<vmem_shared>>
        tpu.wait_indirect_dma semaphore(%arg32 : memref<!tpu.dma_semaphore, #tpu.memory_space<semaphore_mem>>) src(%arg16 : memref<80x128xf32, #tpu.memory_space<vmem>>) dst(%dma_wait3A_281 : memref<10240x128xf32, #tpu.memory_space<vmem_shared>>)
      } else {
      }
      %lt3A_123 = arith.constant 125 : i32
      %lt3A_124 = arith.cmpi slt, %add3A_114, %lt3A_123 : i32
      %convert_element_type3A_125 = arith.extui %lt3A_124 : i1 to i32
      %cond3A_126 = arith.constant 0 : i32
      %cond3A_127 = arith.cmpi ne, %convert_element_type3A_125, %cond3A_126 : i32
      scf.if %cond3A_127 {
        %dma_start3A = arith.constant 0 : i32
        %dma_start3A_276 = arith.constant 0 : i32
        %dma_start3A_277 = tpu.memref_slice %arg3[%add3A, %add3A_114, %dma_start3A, %dma_start3A_276] : memref<32x125x2x80xi32, #tpu.memory_space<hbm>> -> memref<1x1x2x80xi32, #tpu.memory_space<hbm>>
        %dma_start3A_278 = tpu.memref_squeeze %dma_start3A_277 : memref<1x1x2x80xi32, #tpu.memory_space<hbm>> -> memref<2x80xi32, #tpu.memory_space<hbm>>
        %dma_start3A_279 = arith.constant 0 : i32
        %dma_start3A_280 = arith.constant 0 : i32
        %dma_start3A_281 = tpu.memref_slice %arg3[%add3A, %add3A_114, %dma_start3A_279, %dma_start3A_280] : memref<32x125x2x80xi32, #tpu.memory_space<hbm>> -> memref<1x1x2x80xi32, #tpu.memory_space<hbm>>
        %dma_start3A_282 = tpu.memref_squeeze %dma_start3A_281 : memref<1x1x2x80xi32, #tpu.memory_space<hbm>> -> memref<2x80xi32, #tpu.memory_space<hbm>>
        tpu.enqueue_dma source(%dma_start3A_282 : memref<2x80xi32, #tpu.memory_space<hbm>>) target(%arg10 : memref<2x80xi32, #tpu.memory_space<vmem>>) target_semaphore(%arg22 : memref<!tpu.dma_semaphore, #tpu.memory_space<semaphore_mem>>)
      } else {
      }
      %ge3A_128 = arith.constant 2 : i32
      %ge3A_129 = arith.cmpi sge, %add3A_114, %ge3A_128 : i32
      %lt3A_130 = arith.constant 127 : i32
      %lt3A_131 = arith.cmpi slt, %add3A_114, %lt3A_130 : i32
      %and3A_132 = arith.andi %ge3A_129, %lt3A_131 : i1
      %convert_element_type3A_133 = arith.extui %and3A_132 : i1 to i32
      %cond3A_134 = arith.constant 0 : i32
      %cond3A_135 = arith.cmpi ne, %convert_element_type3A_133, %cond3A_134 : i32
      scf.if %cond3A_135 {
        %sub3A = arith.constant 2 : i32
        %sub3A_276 = arith.subi %add3A_114, %sub3A : i32
        %dma_wait3A = arith.constant 0 : i32
        %dma_wait3A_277 = arith.constant 0 : i32
        %dma_wait3A_278 = tpu.memref_slice %arg3[%add3A, %sub3A_276, %dma_wait3A, %dma_wait3A_277] : memref<32x125x2x80xi32, #tpu.memory_space<hbm>> -> memref<1x1x2x80xi32, #tpu.memory_space<hbm>>
        %dma_wait3A_279 = tpu.memref_squeeze %dma_wait3A_278 : memref<1x1x2x80xi32, #tpu.memory_space<hbm>> -> memref<2x80xi32, #tpu.memory_space<hbm>>
        %dma_wait3A_280 = arith.constant 0 : i32
        %dma_wait3A_281 = arith.constant 0 : i32
        %dma_wait3A_282 = tpu.memref_slice %arg3[%add3A, %sub3A_276, %dma_wait3A_280, %dma_wait3A_281] : memref<32x125x2x80xi32, #tpu.memory_space<hbm>> -> memref<1x1x2x80xi32, #tpu.memory_space<hbm>>
        %dma_wait3A_283 = tpu.memref_squeeze %dma_wait3A_282 : memref<1x1x2x80xi32, #tpu.memory_space<hbm>> -> memref<2x80xi32, #tpu.memory_space<hbm>>
        tpu.wait_dma2 semaphore(%arg20 : memref<!tpu.dma_semaphore, #tpu.memory_space<semaphore_mem>>) src(%dma_wait3A_283 : memref<2x80xi32, #tpu.memory_space<hbm>>) dst(%arg8 : memref<2x80xi32, #tpu.memory_space<vmem>>)
        %dma_start3A = arith.constant 0 : i32
        %dma_start3A_284 = arith.constant 0 : i32
        %dma_start3A_285 = tpu.memref_slice %arg8[%dma_start3A, %dma_start3A_284] : memref<2x80xi32, #tpu.memory_space<vmem>> -> memref<1x80xi32, #tpu.memory_space<vmem>>
        %dma_start3A_286 = tpu.memref_squeeze %dma_start3A_285 : memref<1x80xi32, #tpu.memory_space<vmem>> -> memref<80xi32, #tpu.memory_space<vmem>>
        %dma_start3A_287 = arith.constant 0 : i32
        %dma_start3A_288 = arith.constant 0 : i32
        %dma_start3A_289 = tpu.memref_slice %arg2[%dma_start3A_287, %dma_start3A_288] : memref<10000x128xf32, #tpu.memory_space<hbm>> -> memref<10000x128xf32, #tpu.memory_space<hbm>>
        tpu.enqueue_indirect_dma source(%dma_start3A_289 : memref<10000x128xf32, #tpu.memory_space<hbm>>) target(%arg16 : memref<80x128xf32, #tpu.memory_space<vmem>>) offsets(%dma_start3A_286 : memref<80xi32, #tpu.memory_space<vmem>>) semaphore(%arg28 : memref<!tpu.dma_semaphore, #tpu.memory_space<semaphore_mem>>)
      } else {
      }
      %ge3A_136 = arith.constant 4 : i32
      %ge3A_137 = arith.cmpi sge, %add3A_114, %ge3A_136 : i32
      %lt3A_138 = arith.constant 129 : i32
      %lt3A_139 = arith.cmpi slt, %add3A_114, %lt3A_138 : i32
      %and3A_140 = arith.andi %ge3A_137, %lt3A_139 : i1
      %convert_element_type3A_141 = arith.extui %and3A_140 : i1 to i32
      %cond3A_142 = arith.constant 0 : i32
      %cond3A_143 = arith.cmpi ne, %convert_element_type3A_141, %cond3A_142 : i32
      scf.if %cond3A_143 {
        %dma_wait3A = arith.constant 0 : i32
        %dma_wait3A_276 = arith.constant 0 : i32
        %dma_wait3A_277 = tpu.memref_slice %arg14[%dma_wait3A, %dma_wait3A_276] : memref<2x80xi32, #tpu.memory_space<vmem>> -> memref<1x80xi32, #tpu.memory_space<vmem>>
        %dma_wait3A_278 = tpu.memref_squeeze %dma_wait3A_277 : memref<1x80xi32, #tpu.memory_space<vmem>> -> memref<80xi32, #tpu.memory_space<vmem>>
        %dma_wait3A_279 = arith.constant 0 : i32
        %dma_wait3A_280 = arith.constant 0 : i32
        %dma_wait3A_281 = tpu.memref_slice %arg2[%dma_wait3A_279, %dma_wait3A_280] : memref<10000x128xf32, #tpu.memory_space<hbm>> -> memref<10000x128xf32, #tpu.memory_space<hbm>>
        tpu.wait_indirect_dma semaphore(%arg30 : memref<!tpu.dma_semaphore, #tpu.memory_space<semaphore_mem>>) src(%dma_wait3A_281 : memref<10000x128xf32, #tpu.memory_space<hbm>>) dst(%arg18 : memref<80x128xf32, #tpu.memory_space<vmem>>)
        %dma_start3A = arith.constant 1 : i32
        %dma_start3A_282 = arith.constant 0 : i32
        %dma_start3A_283 = tpu.memref_slice %arg14[%dma_start3A, %dma_start3A_282] : memref<2x80xi32, #tpu.memory_space<vmem>> -> memref<1x80xi32, #tpu.memory_space<vmem>>
        %dma_start3A_284 = tpu.memref_squeeze %dma_start3A_283 : memref<1x80xi32, #tpu.memory_space<vmem>> -> memref<80xi32, #tpu.memory_space<vmem>>
        %dma_start3A_285 = arith.constant 0 : i32
        %dma_start3A_286 = arith.constant 0 : i32
        %dma_start3A_287 = tpu.memref_slice %arg6[%dma_start3A_285, %dma_start3A_286] : memref<10240x128xf32, #tpu.memory_space<vmem_shared>> -> memref<10240x128xf32, #tpu.memory_space<vmem_shared>>
        tpu.enqueue_indirect_dma source(%arg18 : memref<80x128xf32, #tpu.memory_space<vmem>>) target(%dma_start3A_287 : memref<10240x128xf32, #tpu.memory_space<vmem_shared>>) offsets(%dma_start3A_284 : memref<80xi32, #tpu.memory_space<vmem>>) semaphore(%arg34 : memref<!tpu.dma_semaphore, #tpu.memory_space<semaphore_mem>>) {add = true}
      } else {
      }
      %mul3A_144 = arith.constant 8 : i32
      %mul3A_145 = arith.muli %add3A_16, %mul3A_144 : i32
      %add3A_146 = arith.constant 4 : i32
      %add3A_147 = arith.addi %mul3A_145, %add3A_146 : i32
      %ge3A_148 = arith.constant 6 : i32
      %ge3A_149 = arith.cmpi sge, %add3A_147, %ge3A_148 : i32
      %lt3A_150 = arith.constant 131 : i32
      %lt3A_151 = arith.cmpi slt, %add3A_147, %lt3A_150 : i32
      %and3A_152 = arith.andi %ge3A_149, %lt3A_151 : i1
      %convert_element_type3A_153 = arith.extui %and3A_152 : i1 to i32
      %cond3A_154 = arith.constant 0 : i32
      %cond3A_155 = arith.cmpi ne, %convert_element_type3A_153, %cond3A_154 : i32
      scf.if %cond3A_155 {
        %dma_wait3A = arith.constant 1 : i32
        %dma_wait3A_276 = arith.constant 0 : i32
        %dma_wait3A_277 = tpu.memref_slice %arg13[%dma_wait3A, %dma_wait3A_276] : memref<2x80xi32, #tpu.memory_space<vmem>> -> memref<1x80xi32, #tpu.memory_space<vmem>>
        %dma_wait3A_278 = tpu.memref_squeeze %dma_wait3A_277 : memref<1x80xi32, #tpu.memory_space<vmem>> -> memref<80xi32, #tpu.memory_space<vmem>>
        %dma_wait3A_279 = arith.constant 0 : i32
        %dma_wait3A_280 = arith.constant 0 : i32
        %dma_wait3A_281 = tpu.memref_slice %arg6[%dma_wait3A_279, %dma_wait3A_280] : memref<10240x128xf32, #tpu.memory_space<vmem_shared>> -> memref<10240x128xf32, #tpu.memory_space<vmem_shared>>
        tpu.wait_indirect_dma semaphore(%arg33 : memref<!tpu.dma_semaphore, #tpu.memory_space<semaphore_mem>>) src(%arg17 : memref<80x128xf32, #tpu.memory_space<vmem>>) dst(%dma_wait3A_281 : memref<10240x128xf32, #tpu.memory_space<vmem_shared>>)
      } else {
      }
      %lt3A_156 = arith.constant 125 : i32
      %lt3A_157 = arith.cmpi slt, %add3A_147, %lt3A_156 : i32
      %convert_element_type3A_158 = arith.extui %lt3A_157 : i1 to i32
      %cond3A_159 = arith.constant 0 : i32
      %cond3A_160 = arith.cmpi ne, %convert_element_type3A_158, %cond3A_159 : i32
      scf.if %cond3A_160 {
        %dma_start3A = arith.constant 0 : i32
        %dma_start3A_276 = arith.constant 0 : i32
        %dma_start3A_277 = tpu.memref_slice %arg3[%add3A, %add3A_147, %dma_start3A, %dma_start3A_276] : memref<32x125x2x80xi32, #tpu.memory_space<hbm>> -> memref<1x1x2x80xi32, #tpu.memory_space<hbm>>
        %dma_start3A_278 = tpu.memref_squeeze %dma_start3A_277 : memref<1x1x2x80xi32, #tpu.memory_space<hbm>> -> memref<2x80xi32, #tpu.memory_space<hbm>>
        %dma_start3A_279 = arith.constant 0 : i32
        %dma_start3A_280 = arith.constant 0 : i32
        %dma_start3A_281 = tpu.memref_slice %arg3[%add3A, %add3A_147, %dma_start3A_279, %dma_start3A_280] : memref<32x125x2x80xi32, #tpu.memory_space<hbm>> -> memref<1x1x2x80xi32, #tpu.memory_space<hbm>>
        %dma_start3A_282 = tpu.memref_squeeze %dma_start3A_281 : memref<1x1x2x80xi32, #tpu.memory_space<hbm>> -> memref<2x80xi32, #tpu.memory_space<hbm>>
        tpu.enqueue_dma source(%dma_start3A_282 : memref<2x80xi32, #tpu.memory_space<hbm>>) target(%arg11 : memref<2x80xi32, #tpu.memory_space<vmem>>) target_semaphore(%arg23 : memref<!tpu.dma_semaphore, #tpu.memory_space<semaphore_mem>>)
      } else {
      }
      %ge3A_161 = arith.constant 2 : i32
      %ge3A_162 = arith.cmpi sge, %add3A_147, %ge3A_161 : i32
      %lt3A_163 = arith.constant 127 : i32
      %lt3A_164 = arith.cmpi slt, %add3A_147, %lt3A_163 : i32
      %and3A_165 = arith.andi %ge3A_162, %lt3A_164 : i1
      %convert_element_type3A_166 = arith.extui %and3A_165 : i1 to i32
      %cond3A_167 = arith.constant 0 : i32
      %cond3A_168 = arith.cmpi ne, %convert_element_type3A_166, %cond3A_167 : i32
      scf.if %cond3A_168 {
        %sub3A = arith.constant 2 : i32
        %sub3A_276 = arith.subi %add3A_147, %sub3A : i32
        %dma_wait3A = arith.constant 0 : i32
        %dma_wait3A_277 = arith.constant 0 : i32
        %dma_wait3A_278 = tpu.memref_slice %arg3[%add3A, %sub3A_276, %dma_wait3A, %dma_wait3A_277] : memref<32x125x2x80xi32, #tpu.memory_space<hbm>> -> memref<1x1x2x80xi32, #tpu.memory_space<hbm>>
        %dma_wait3A_279 = tpu.memref_squeeze %dma_wait3A_278 : memref<1x1x2x80xi32, #tpu.memory_space<hbm>> -> memref<2x80xi32, #tpu.memory_space<hbm>>
        %dma_wait3A_280 = arith.constant 0 : i32
        %dma_wait3A_281 = arith.constant 0 : i32
        %dma_wait3A_282 = tpu.memref_slice %arg3[%add3A, %sub3A_276, %dma_wait3A_280, %dma_wait3A_281] : memref<32x125x2x80xi32, #tpu.memory_space<hbm>> -> memref<1x1x2x80xi32, #tpu.memory_space<hbm>>
        %dma_wait3A_283 = tpu.memref_squeeze %dma_wait3A_282 : memref<1x1x2x80xi32, #tpu.memory_space<hbm>> -> memref<2x80xi32, #tpu.memory_space<hbm>>
        tpu.wait_dma2 semaphore(%arg21 : memref<!tpu.dma_semaphore, #tpu.memory_space<semaphore_mem>>) src(%dma_wait3A_283 : memref<2x80xi32, #tpu.memory_space<hbm>>) dst(%arg9 : memref<2x80xi32, #tpu.memory_space<vmem>>)
        %dma_start3A = arith.constant 0 : i32
        %dma_start3A_284 = arith.constant 0 : i32
        %dma_start3A_285 = tpu.memref_slice %arg9[%dma_start3A, %dma_start3A_284] : memref<2x80xi32, #tpu.memory_space<vmem>> -> memref<1x80xi32, #tpu.memory_space<vmem>>
        %dma_start3A_286 = tpu.memref_squeeze %dma_start3A_285 : memref<1x80xi32, #tpu.memory_space<vmem>> -> memref<80xi32, #tpu.memory_space<vmem>>
        %dma_start3A_287 = arith.constant 0 : i32
        %dma_start3A_288 = arith.constant 0 : i32
        %dma_start3A_289 = tpu.memref_slice %arg2[%dma_start3A_287, %dma_start3A_288] : memref<10000x128xf32, #tpu.memory_space<hbm>> -> memref<10000x128xf32, #tpu.memory_space<hbm>>
        tpu.enqueue_indirect_dma source(%dma_start3A_289 : memref<10000x128xf32, #tpu.memory_space<hbm>>) target(%arg17 : memref<80x128xf32, #tpu.memory_space<vmem>>) offsets(%dma_start3A_286 : memref<80xi32, #tpu.memory_space<vmem>>) semaphore(%arg29 : memref<!tpu.dma_semaphore, #tpu.memory_space<semaphore_mem>>)
      } else {
      }
      %ge3A_169 = arith.constant 4 : i32
      %ge3A_170 = arith.cmpi sge, %add3A_147, %ge3A_169 : i32
      %lt3A_171 = arith.constant 129 : i32
      %lt3A_172 = arith.cmpi slt, %add3A_147, %lt3A_171 : i32
      %and3A_173 = arith.andi %ge3A_170, %lt3A_172 : i1
      %convert_element_type3A_174 = arith.extui %and3A_173 : i1 to i32
      %cond3A_175 = arith.constant 0 : i32
      %cond3A_176 = arith.cmpi ne, %convert_element_type3A_174, %cond3A_175 : i32
      scf.if %cond3A_176 {
        %dma_wait3A = arith.constant 0 : i32
        %dma_wait3A_276 = arith.constant 0 : i32
        %dma_wait3A_277 = tpu.memref_slice %arg7[%dma_wait3A, %dma_wait3A_276] : memref<2x80xi32, #tpu.memory_space<vmem>> -> memref<1x80xi32, #tpu.memory_space<vmem>>
        %dma_wait3A_278 = tpu.memref_squeeze %dma_wait3A_277 : memref<1x80xi32, #tpu.memory_space<vmem>> -> memref<80xi32, #tpu.memory_space<vmem>>
        %dma_wait3A_279 = arith.constant 0 : i32
        %dma_wait3A_280 = arith.constant 0 : i32
        %dma_wait3A_281 = tpu.memref_slice %arg2[%dma_wait3A_279, %dma_wait3A_280] : memref<10000x128xf32, #tpu.memory_space<hbm>> -> memref<10000x128xf32, #tpu.memory_space<hbm>>
        tpu.wait_indirect_dma semaphore(%arg27 : memref<!tpu.dma_semaphore, #tpu.memory_space<semaphore_mem>>) src(%dma_wait3A_281 : memref<10000x128xf32, #tpu.memory_space<hbm>>) dst(%arg15 : memref<80x128xf32, #tpu.memory_space<vmem>>)
        %dma_start3A = arith.constant 1 : i32
        %dma_start3A_282 = arith.constant 0 : i32
        %dma_start3A_283 = tpu.memref_slice %arg7[%dma_start3A, %dma_start3A_282] : memref<2x80xi32, #tpu.memory_space<vmem>> -> memref<1x80xi32, #tpu.memory_space<vmem>>
        %dma_start3A_284 = tpu.memref_squeeze %dma_start3A_283 : memref<1x80xi32, #tpu.memory_space<vmem>> -> memref<80xi32, #tpu.memory_space<vmem>>
        %dma_start3A_285 = arith.constant 0 : i32
        %dma_start3A_286 = arith.constant 0 : i32
        %dma_start3A_287 = tpu.memref_slice %arg6[%dma_start3A_285, %dma_start3A_286] : memref<10240x128xf32, #tpu.memory_space<vmem_shared>> -> memref<10240x128xf32, #tpu.memory_space<vmem_shared>>
        tpu.enqueue_indirect_dma source(%arg15 : memref<80x128xf32, #tpu.memory_space<vmem>>) target(%dma_start3A_287 : memref<10240x128xf32, #tpu.memory_space<vmem_shared>>) offsets(%dma_start3A_284 : memref<80xi32, #tpu.memory_space<vmem>>) semaphore(%arg31 : memref<!tpu.dma_semaphore, #tpu.memory_space<semaphore_mem>>) {add = true}
      } else {
      }
      %mul3A_177 = arith.constant 8 : i32
      %mul3A_178 = arith.muli %add3A_16, %mul3A_177 : i32
      %add3A_179 = arith.constant 5 : i32
      %add3A_180 = arith.addi %mul3A_178, %add3A_179 : i32
      %ge3A_181 = arith.constant 6 : i32
      %ge3A_182 = arith.cmpi sge, %add3A_180, %ge3A_181 : i32
      %lt3A_183 = arith.constant 131 : i32
      %lt3A_184 = arith.cmpi slt, %add3A_180, %lt3A_183 : i32
      %and3A_185 = arith.andi %ge3A_182, %lt3A_184 : i1
      %convert_element_type3A_186 = arith.extui %and3A_185 : i1 to i32
      %cond3A_187 = arith.constant 0 : i32
      %cond3A_188 = arith.cmpi ne, %convert_element_type3A_186, %cond3A_187 : i32
      scf.if %cond3A_188 {
        %dma_wait3A = arith.constant 1 : i32
        %dma_wait3A_276 = arith.constant 0 : i32
        %dma_wait3A_277 = tpu.memref_slice %arg14[%dma_wait3A, %dma_wait3A_276] : memref<2x80xi32, #tpu.memory_space<vmem>> -> memref<1x80xi32, #tpu.memory_space<vmem>>
        %dma_wait3A_278 = tpu.memref_squeeze %dma_wait3A_277 : memref<1x80xi32, #tpu.memory_space<vmem>> -> memref<80xi32, #tpu.memory_space<vmem>>
        %dma_wait3A_279 = arith.constant 0 : i32
        %dma_wait3A_280 = arith.constant 0 : i32
        %dma_wait3A_281 = tpu.memref_slice %arg6[%dma_wait3A_279, %dma_wait3A_280] : memref<10240x128xf32, #tpu.memory_space<vmem_shared>> -> memref<10240x128xf32, #tpu.memory_space<vmem_shared>>
        tpu.wait_indirect_dma semaphore(%arg34 : memref<!tpu.dma_semaphore, #tpu.memory_space<semaphore_mem>>) src(%arg18 : memref<80x128xf32, #tpu.memory_space<vmem>>) dst(%dma_wait3A_281 : memref<10240x128xf32, #tpu.memory_space<vmem_shared>>)
      } else {
      }
      %lt3A_189 = arith.constant 125 : i32
      %lt3A_190 = arith.cmpi slt, %add3A_180, %lt3A_189 : i32
      %convert_element_type3A_191 = arith.extui %lt3A_190 : i1 to i32
      %cond3A_192 = arith.constant 0 : i32
      %cond3A_193 = arith.cmpi ne, %convert_element_type3A_191, %cond3A_192 : i32
      scf.if %cond3A_193 {
        %dma_start3A = arith.constant 0 : i32
        %dma_start3A_276 = arith.constant 0 : i32
        %dma_start3A_277 = tpu.memref_slice %arg3[%add3A, %add3A_180, %dma_start3A, %dma_start3A_276] : memref<32x125x2x80xi32, #tpu.memory_space<hbm>> -> memref<1x1x2x80xi32, #tpu.memory_space<hbm>>
        %dma_start3A_278 = tpu.memref_squeeze %dma_start3A_277 : memref<1x1x2x80xi32, #tpu.memory_space<hbm>> -> memref<2x80xi32, #tpu.memory_space<hbm>>
        %dma_start3A_279 = arith.constant 0 : i32
        %dma_start3A_280 = arith.constant 0 : i32
        %dma_start3A_281 = tpu.memref_slice %arg3[%add3A, %add3A_180, %dma_start3A_279, %dma_start3A_280] : memref<32x125x2x80xi32, #tpu.memory_space<hbm>> -> memref<1x1x2x80xi32, #tpu.memory_space<hbm>>
        %dma_start3A_282 = tpu.memref_squeeze %dma_start3A_281 : memref<1x1x2x80xi32, #tpu.memory_space<hbm>> -> memref<2x80xi32, #tpu.memory_space<hbm>>
        tpu.enqueue_dma source(%dma_start3A_282 : memref<2x80xi32, #tpu.memory_space<hbm>>) target(%arg12 : memref<2x80xi32, #tpu.memory_space<vmem>>) target_semaphore(%arg24 : memref<!tpu.dma_semaphore, #tpu.memory_space<semaphore_mem>>)
      } else {
      }
      %ge3A_194 = arith.constant 2 : i32
      %ge3A_195 = arith.cmpi sge, %add3A_180, %ge3A_194 : i32
      %lt3A_196 = arith.constant 127 : i32
      %lt3A_197 = arith.cmpi slt, %add3A_180, %lt3A_196 : i32
      %and3A_198 = arith.andi %ge3A_195, %lt3A_197 : i1
      %convert_element_type3A_199 = arith.extui %and3A_198 : i1 to i32
      %cond3A_200 = arith.constant 0 : i32
      %cond3A_201 = arith.cmpi ne, %convert_element_type3A_199, %cond3A_200 : i32
      scf.if %cond3A_201 {
        %sub3A = arith.constant 2 : i32
        %sub3A_276 = arith.subi %add3A_180, %sub3A : i32
        %dma_wait3A = arith.constant 0 : i32
        %dma_wait3A_277 = arith.constant 0 : i32
        %dma_wait3A_278 = tpu.memref_slice %arg3[%add3A, %sub3A_276, %dma_wait3A, %dma_wait3A_277] : memref<32x125x2x80xi32, #tpu.memory_space<hbm>> -> memref<1x1x2x80xi32, #tpu.memory_space<hbm>>
        %dma_wait3A_279 = tpu.memref_squeeze %dma_wait3A_278 : memref<1x1x2x80xi32, #tpu.memory_space<hbm>> -> memref<2x80xi32, #tpu.memory_space<hbm>>
        %dma_wait3A_280 = arith.constant 0 : i32
        %dma_wait3A_281 = arith.constant 0 : i32
        %dma_wait3A_282 = tpu.memref_slice %arg3[%add3A, %sub3A_276, %dma_wait3A_280, %dma_wait3A_281] : memref<32x125x2x80xi32, #tpu.memory_space<hbm>> -> memref<1x1x2x80xi32, #tpu.memory_space<hbm>>
        %dma_wait3A_283 = tpu.memref_squeeze %dma_wait3A_282 : memref<1x1x2x80xi32, #tpu.memory_space<hbm>> -> memref<2x80xi32, #tpu.memory_space<hbm>>
        tpu.wait_dma2 semaphore(%arg22 : memref<!tpu.dma_semaphore, #tpu.memory_space<semaphore_mem>>) src(%dma_wait3A_283 : memref<2x80xi32, #tpu.memory_space<hbm>>) dst(%arg10 : memref<2x80xi32, #tpu.memory_space<vmem>>)
        %dma_start3A = arith.constant 0 : i32
        %dma_start3A_284 = arith.constant 0 : i32
        %dma_start3A_285 = tpu.memref_slice %arg10[%dma_start3A, %dma_start3A_284] : memref<2x80xi32, #tpu.memory_space<vmem>> -> memref<1x80xi32, #tpu.memory_space<vmem>>
        %dma_start3A_286 = tpu.memref_squeeze %dma_start3A_285 : memref<1x80xi32, #tpu.memory_space<vmem>> -> memref<80xi32, #tpu.memory_space<vmem>>
        %dma_start3A_287 = arith.constant 0 : i32
        %dma_start3A_288 = arith.constant 0 : i32
        %dma_start3A_289 = tpu.memref_slice %arg2[%dma_start3A_287, %dma_start3A_288] : memref<10000x128xf32, #tpu.memory_space<hbm>> -> memref<10000x128xf32, #tpu.memory_space<hbm>>
        tpu.enqueue_indirect_dma source(%dma_start3A_289 : memref<10000x128xf32, #tpu.memory_space<hbm>>) target(%arg18 : memref<80x128xf32, #tpu.memory_space<vmem>>) offsets(%dma_start3A_286 : memref<80xi32, #tpu.memory_space<vmem>>) semaphore(%arg30 : memref<!tpu.dma_semaphore, #tpu.memory_space<semaphore_mem>>)
      } else {
      }
      %ge3A_202 = arith.constant 4 : i32
      %ge3A_203 = arith.cmpi sge, %add3A_180, %ge3A_202 : i32
      %lt3A_204 = arith.constant 129 : i32
      %lt3A_205 = arith.cmpi slt, %add3A_180, %lt3A_204 : i32
      %and3A_206 = arith.andi %ge3A_203, %lt3A_205 : i1
      %convert_element_type3A_207 = arith.extui %and3A_206 : i1 to i32
      %cond3A_208 = arith.constant 0 : i32
      %cond3A_209 = arith.cmpi ne, %convert_element_type3A_207, %cond3A_208 : i32
      scf.if %cond3A_209 {
        %dma_wait3A = arith.constant 0 : i32
        %dma_wait3A_276 = arith.constant 0 : i32
        %dma_wait3A_277 = tpu.memref_slice %arg8[%dma_wait3A, %dma_wait3A_276] : memref<2x80xi32, #tpu.memory_space<vmem>> -> memref<1x80xi32, #tpu.memory_space<vmem>>
        %dma_wait3A_278 = tpu.memref_squeeze %dma_wait3A_277 : memref<1x80xi32, #tpu.memory_space<vmem>> -> memref<80xi32, #tpu.memory_space<vmem>>
        %dma_wait3A_279 = arith.constant 0 : i32
        %dma_wait3A_280 = arith.constant 0 : i32
        %dma_wait3A_281 = tpu.memref_slice %arg2[%dma_wait3A_279, %dma_wait3A_280] : memref<10000x128xf32, #tpu.memory_space<hbm>> -> memref<10000x128xf32, #tpu.memory_space<hbm>>
        tpu.wait_indirect_dma semaphore(%arg28 : memref<!tpu.dma_semaphore, #tpu.memory_space<semaphore_mem>>) src(%dma_wait3A_281 : memref<10000x128xf32, #tpu.memory_space<hbm>>) dst(%arg16 : memref<80x128xf32, #tpu.memory_space<vmem>>)
        %dma_start3A = arith.constant 1 : i32
        %dma_start3A_282 = arith.constant 0 : i32
        %dma_start3A_283 = tpu.memref_slice %arg8[%dma_start3A, %dma_start3A_282] : memref<2x80xi32, #tpu.memory_space<vmem>> -> memref<1x80xi32, #tpu.memory_space<vmem>>
        %dma_start3A_284 = tpu.memref_squeeze %dma_start3A_283 : memref<1x80xi32, #tpu.memory_space<vmem>> -> memref<80xi32, #tpu.memory_space<vmem>>
        %dma_start3A_285 = arith.constant 0 : i32
        %dma_start3A_286 = arith.constant 0 : i32
        %dma_start3A_287 = tpu.memref_slice %arg6[%dma_start3A_285, %dma_start3A_286] : memref<10240x128xf32, #tpu.memory_space<vmem_shared>> -> memref<10240x128xf32, #tpu.memory_space<vmem_shared>>
        tpu.enqueue_indirect_dma source(%arg16 : memref<80x128xf32, #tpu.memory_space<vmem>>) target(%dma_start3A_287 : memref<10240x128xf32, #tpu.memory_space<vmem_shared>>) offsets(%dma_start3A_284 : memref<80xi32, #tpu.memory_space<vmem>>) semaphore(%arg32 : memref<!tpu.dma_semaphore, #tpu.memory_space<semaphore_mem>>) {add = true}
      } else {
      }
      %mul3A_210 = arith.constant 8 : i32
      %mul3A_211 = arith.muli %add3A_16, %mul3A_210 : i32
      %add3A_212 = arith.constant 6 : i32
      %add3A_213 = arith.addi %mul3A_211, %add3A_212 : i32
      %ge3A_214 = arith.constant 6 : i32
      %ge3A_215 = arith.cmpi sge, %add3A_213, %ge3A_214 : i32
      %lt3A_216 = arith.constant 131 : i32
      %lt3A_217 = arith.cmpi slt, %add3A_213, %lt3A_216 : i32
      %and3A_218 = arith.andi %ge3A_215, %lt3A_217 : i1
      %convert_element_type3A_219 = arith.extui %and3A_218 : i1 to i32
      %cond3A_220 = arith.constant 0 : i32
      %cond3A_221 = arith.cmpi ne, %convert_element_type3A_219, %cond3A_220 : i32
      scf.if %cond3A_221 {
        %dma_wait3A = arith.constant 1 : i32
        %dma_wait3A_276 = arith.constant 0 : i32
        %dma_wait3A_277 = tpu.memref_slice %arg7[%dma_wait3A, %dma_wait3A_276] : memref<2x80xi32, #tpu.memory_space<vmem>> -> memref<1x80xi32, #tpu.memory_space<vmem>>
        %dma_wait3A_278 = tpu.memref_squeeze %dma_wait3A_277 : memref<1x80xi32, #tpu.memory_space<vmem>> -> memref<80xi32, #tpu.memory_space<vmem>>
        %dma_wait3A_279 = arith.constant 0 : i32
        %dma_wait3A_280 = arith.constant 0 : i32
        %dma_wait3A_281 = tpu.memref_slice %arg6[%dma_wait3A_279, %dma_wait3A_280] : memref<10240x128xf32, #tpu.memory_space<vmem_shared>> -> memref<10240x128xf32, #tpu.memory_space<vmem_shared>>
        tpu.wait_indirect_dma semaphore(%arg31 : memref<!tpu.dma_semaphore, #tpu.memory_space<semaphore_mem>>) src(%arg15 : memref<80x128xf32, #tpu.memory_space<vmem>>) dst(%dma_wait3A_281 : memref<10240x128xf32, #tpu.memory_space<vmem_shared>>)
      } else {
      }
      %lt3A_222 = arith.constant 125 : i32
      %lt3A_223 = arith.cmpi slt, %add3A_213, %lt3A_222 : i32
      %convert_element_type3A_224 = arith.extui %lt3A_223 : i1 to i32
      %cond3A_225 = arith.constant 0 : i32
      %cond3A_226 = arith.cmpi ne, %convert_element_type3A_224, %cond3A_225 : i32
      scf.if %cond3A_226 {
        %dma_start3A = arith.constant 0 : i32
        %dma_start3A_276 = arith.constant 0 : i32
        %dma_start3A_277 = tpu.memref_slice %arg3[%add3A, %add3A_213, %dma_start3A, %dma_start3A_276] : memref<32x125x2x80xi32, #tpu.memory_space<hbm>> -> memref<1x1x2x80xi32, #tpu.memory_space<hbm>>
        %dma_start3A_278 = tpu.memref_squeeze %dma_start3A_277 : memref<1x1x2x80xi32, #tpu.memory_space<hbm>> -> memref<2x80xi32, #tpu.memory_space<hbm>>
        %dma_start3A_279 = arith.constant 0 : i32
        %dma_start3A_280 = arith.constant 0 : i32
        %dma_start3A_281 = tpu.memref_slice %arg3[%add3A, %add3A_213, %dma_start3A_279, %dma_start3A_280] : memref<32x125x2x80xi32, #tpu.memory_space<hbm>> -> memref<1x1x2x80xi32, #tpu.memory_space<hbm>>
        %dma_start3A_282 = tpu.memref_squeeze %dma_start3A_281 : memref<1x1x2x80xi32, #tpu.memory_space<hbm>> -> memref<2x80xi32, #tpu.memory_space<hbm>>
        tpu.enqueue_dma source(%dma_start3A_282 : memref<2x80xi32, #tpu.memory_space<hbm>>) target(%arg13 : memref<2x80xi32, #tpu.memory_space<vmem>>) target_semaphore(%arg25 : memref<!tpu.dma_semaphore, #tpu.memory_space<semaphore_mem>>)
      } else {
      }
      %ge3A_227 = arith.constant 2 : i32
      %ge3A_228 = arith.cmpi sge, %add3A_213, %ge3A_227 : i32
      %lt3A_229 = arith.constant 127 : i32
      %lt3A_230 = arith.cmpi slt, %add3A_213, %lt3A_229 : i32
      %and3A_231 = arith.andi %ge3A_228, %lt3A_230 : i1
      %convert_element_type3A_232 = arith.extui %and3A_231 : i1 to i32
      %cond3A_233 = arith.constant 0 : i32
      %cond3A_234 = arith.cmpi ne, %convert_element_type3A_232, %cond3A_233 : i32
      scf.if %cond3A_234 {
        %sub3A = arith.constant 2 : i32
        %sub3A_276 = arith.subi %add3A_213, %sub3A : i32
        %dma_wait3A = arith.constant 0 : i32
        %dma_wait3A_277 = arith.constant 0 : i32
        %dma_wait3A_278 = tpu.memref_slice %arg3[%add3A, %sub3A_276, %dma_wait3A, %dma_wait3A_277] : memref<32x125x2x80xi32, #tpu.memory_space<hbm>> -> memref<1x1x2x80xi32, #tpu.memory_space<hbm>>
        %dma_wait3A_279 = tpu.memref_squeeze %dma_wait3A_278 : memref<1x1x2x80xi32, #tpu.memory_space<hbm>> -> memref<2x80xi32, #tpu.memory_space<hbm>>
        %dma_wait3A_280 = arith.constant 0 : i32
        %dma_wait3A_281 = arith.constant 0 : i32
        %dma_wait3A_282 = tpu.memref_slice %arg3[%add3A, %sub3A_276, %dma_wait3A_280, %dma_wait3A_281] : memref<32x125x2x80xi32, #tpu.memory_space<hbm>> -> memref<1x1x2x80xi32, #tpu.memory_space<hbm>>
        %dma_wait3A_283 = tpu.memref_squeeze %dma_wait3A_282 : memref<1x1x2x80xi32, #tpu.memory_space<hbm>> -> memref<2x80xi32, #tpu.memory_space<hbm>>
        tpu.wait_dma2 semaphore(%arg23 : memref<!tpu.dma_semaphore, #tpu.memory_space<semaphore_mem>>) src(%dma_wait3A_283 : memref<2x80xi32, #tpu.memory_space<hbm>>) dst(%arg11 : memref<2x80xi32, #tpu.memory_space<vmem>>)
        %dma_start3A = arith.constant 0 : i32
        %dma_start3A_284 = arith.constant 0 : i32
        %dma_start3A_285 = tpu.memref_slice %arg11[%dma_start3A, %dma_start3A_284] : memref<2x80xi32, #tpu.memory_space<vmem>> -> memref<1x80xi32, #tpu.memory_space<vmem>>
        %dma_start3A_286 = tpu.memref_squeeze %dma_start3A_285 : memref<1x80xi32, #tpu.memory_space<vmem>> -> memref<80xi32, #tpu.memory_space<vmem>>
        %dma_start3A_287 = arith.constant 0 : i32
        %dma_start3A_288 = arith.constant 0 : i32
        %dma_start3A_289 = tpu.memref_slice %arg2[%dma_start3A_287, %dma_start3A_288] : memref<10000x128xf32, #tpu.memory_space<hbm>> -> memref<10000x128xf32, #tpu.memory_space<hbm>>
        tpu.enqueue_indirect_dma source(%dma_start3A_289 : memref<10000x128xf32, #tpu.memory_space<hbm>>) target(%arg15 : memref<80x128xf32, #tpu.memory_space<vmem>>) offsets(%dma_start3A_286 : memref<80xi32, #tpu.memory_space<vmem>>) semaphore(%arg27 : memref<!tpu.dma_semaphore, #tpu.memory_space<semaphore_mem>>)
      } else {
      }
      %ge3A_235 = arith.constant 4 : i32
      %ge3A_236 = arith.cmpi sge, %add3A_213, %ge3A_235 : i32
      %lt3A_237 = arith.constant 129 : i32
      %lt3A_238 = arith.cmpi slt, %add3A_213, %lt3A_237 : i32
      %and3A_239 = arith.andi %ge3A_236, %lt3A_238 : i1
      %convert_element_type3A_240 = arith.extui %and3A_239 : i1 to i32
      %cond3A_241 = arith.constant 0 : i32
      %cond3A_242 = arith.cmpi ne, %convert_element_type3A_240, %cond3A_241 : i32
      scf.if %cond3A_242 {
        %dma_wait3A = arith.constant 0 : i32
        %dma_wait3A_276 = arith.constant 0 : i32
        %dma_wait3A_277 = tpu.memref_slice %arg9[%dma_wait3A, %dma_wait3A_276] : memref<2x80xi32, #tpu.memory_space<vmem>> -> memref<1x80xi32, #tpu.memory_space<vmem>>
        %dma_wait3A_278 = tpu.memref_squeeze %dma_wait3A_277 : memref<1x80xi32, #tpu.memory_space<vmem>> -> memref<80xi32, #tpu.memory_space<vmem>>
        %dma_wait3A_279 = arith.constant 0 : i32
        %dma_wait3A_280 = arith.constant 0 : i32
        %dma_wait3A_281 = tpu.memref_slice %arg2[%dma_wait3A_279, %dma_wait3A_280] : memref<10000x128xf32, #tpu.memory_space<hbm>> -> memref<10000x128xf32, #tpu.memory_space<hbm>>
        tpu.wait_indirect_dma semaphore(%arg29 : memref<!tpu.dma_semaphore, #tpu.memory_space<semaphore_mem>>) src(%dma_wait3A_281 : memref<10000x128xf32, #tpu.memory_space<hbm>>) dst(%arg17 : memref<80x128xf32, #tpu.memory_space<vmem>>)
        %dma_start3A = arith.constant 1 : i32
        %dma_start3A_282 = arith.constant 0 : i32
        %dma_start3A_283 = tpu.memref_slice %arg9[%dma_start3A, %dma_start3A_282] : memref<2x80xi32, #tpu.memory_space<vmem>> -> memref<1x80xi32, #tpu.memory_space<vmem>>
        %dma_start3A_284 = tpu.memref_squeeze %dma_start3A_283 : memref<1x80xi32, #tpu.memory_space<vmem>> -> memref<80xi32, #tpu.memory_space<vmem>>
        %dma_start3A_285 = arith.constant 0 : i32
        %dma_start3A_286 = arith.constant 0 : i32
        %dma_start3A_287 = tpu.memref_slice %arg6[%dma_start3A_285, %dma_start3A_286] : memref<10240x128xf32, #tpu.memory_space<vmem_shared>> -> memref<10240x128xf32, #tpu.memory_space<vmem_shared>>
        tpu.enqueue_indirect_dma source(%arg17 : memref<80x128xf32, #tpu.memory_space<vmem>>) target(%dma_start3A_287 : memref<10240x128xf32, #tpu.memory_space<vmem_shared>>) offsets(%dma_start3A_284 : memref<80xi32, #tpu.memory_space<vmem>>) semaphore(%arg33 : memref<!tpu.dma_semaphore, #tpu.memory_space<semaphore_mem>>) {add = true}
      } else {
      }
      %mul3A_243 = arith.constant 8 : i32
      %mul3A_244 = arith.muli %add3A_16, %mul3A_243 : i32
      %add3A_245 = arith.constant 7 : i32
      %add3A_246 = arith.addi %mul3A_244, %add3A_245 : i32
      %ge3A_247 = arith.constant 6 : i32
      %ge3A_248 = arith.cmpi sge, %add3A_246, %ge3A_247 : i32
      %lt3A_249 = arith.constant 131 : i32
      %lt3A_250 = arith.cmpi slt, %add3A_246, %lt3A_249 : i32
      %and3A_251 = arith.andi %ge3A_248, %lt3A_250 : i1
      %convert_element_type3A_252 = arith.extui %and3A_251 : i1 to i32
      %cond3A_253 = arith.constant 0 : i32
      %cond3A_254 = arith.cmpi ne, %convert_element_type3A_252, %cond3A_253 : i32
      scf.if %cond3A_254 {
        %dma_wait3A = arith.constant 1 : i32
        %dma_wait3A_276 = arith.constant 0 : i32
        %dma_wait3A_277 = tpu.memref_slice %arg8[%dma_wait3A, %dma_wait3A_276] : memref<2x80xi32, #tpu.memory_space<vmem>> -> memref<1x80xi32, #tpu.memory_space<vmem>>
        %dma_wait3A_278 = tpu.memref_squeeze %dma_wait3A_277 : memref<1x80xi32, #tpu.memory_space<vmem>> -> memref<80xi32, #tpu.memory_space<vmem>>
        %dma_wait3A_279 = arith.constant 0 : i32
        %dma_wait3A_280 = arith.constant 0 : i32
        %dma_wait3A_281 = tpu.memref_slice %arg6[%dma_wait3A_279, %dma_wait3A_280] : memref<10240x128xf32, #tpu.memory_space<vmem_shared>> -> memref<10240x128xf32, #tpu.memory_space<vmem_shared>>
        tpu.wait_indirect_dma semaphore(%arg32 : memref<!tpu.dma_semaphore, #tpu.memory_space<semaphore_mem>>) src(%arg16 : memref<80x128xf32, #tpu.memory_space<vmem>>) dst(%dma_wait3A_281 : memref<10240x128xf32, #tpu.memory_space<vmem_shared>>)
      } else {
      }
      %lt3A_255 = arith.constant 125 : i32
      %lt3A_256 = arith.cmpi slt, %add3A_246, %lt3A_255 : i32
      %convert_element_type3A_257 = arith.extui %lt3A_256 : i1 to i32
      %cond3A_258 = arith.constant 0 : i32
      %cond3A_259 = arith.cmpi ne, %convert_element_type3A_257, %cond3A_258 : i32
      scf.if %cond3A_259 {
        %dma_start3A = arith.constant 0 : i32
        %dma_start3A_276 = arith.constant 0 : i32
        %dma_start3A_277 = tpu.memref_slice %arg3[%add3A, %add3A_246, %dma_start3A, %dma_start3A_276] : memref<32x125x2x80xi32, #tpu.memory_space<hbm>> -> memref<1x1x2x80xi32, #tpu.memory_space<hbm>>
        %dma_start3A_278 = tpu.memref_squeeze %dma_start3A_277 : memref<1x1x2x80xi32, #tpu.memory_space<hbm>> -> memref<2x80xi32, #tpu.memory_space<hbm>>
        %dma_start3A_279 = arith.constant 0 : i32
        %dma_start3A_280 = arith.constant 0 : i32
        %dma_start3A_281 = tpu.memref_slice %arg3[%add3A, %add3A_246, %dma_start3A_279, %dma_start3A_280] : memref<32x125x2x80xi32, #tpu.memory_space<hbm>> -> memref<1x1x2x80xi32, #tpu.memory_space<hbm>>
        %dma_start3A_282 = tpu.memref_squeeze %dma_start3A_281 : memref<1x1x2x80xi32, #tpu.memory_space<hbm>> -> memref<2x80xi32, #tpu.memory_space<hbm>>
        tpu.enqueue_dma source(%dma_start3A_282 : memref<2x80xi32, #tpu.memory_space<hbm>>) target(%arg14 : memref<2x80xi32, #tpu.memory_space<vmem>>) target_semaphore(%arg26 : memref<!tpu.dma_semaphore, #tpu.memory_space<semaphore_mem>>)
      } else {
      }
      %ge3A_260 = arith.constant 2 : i32
      %ge3A_261 = arith.cmpi sge, %add3A_246, %ge3A_260 : i32
      %lt3A_262 = arith.constant 127 : i32
      %lt3A_263 = arith.cmpi slt, %add3A_246, %lt3A_262 : i32
      %and3A_264 = arith.andi %ge3A_261, %lt3A_263 : i1
      %convert_element_type3A_265 = arith.extui %and3A_264 : i1 to i32
      %cond3A_266 = arith.constant 0 : i32
      %cond3A_267 = arith.cmpi ne, %convert_element_type3A_265, %cond3A_266 : i32
      scf.if %cond3A_267 {
        %sub3A = arith.constant 2 : i32
        %sub3A_276 = arith.subi %add3A_246, %sub3A : i32
        %dma_wait3A = arith.constant 0 : i32
        %dma_wait3A_277 = arith.constant 0 : i32
        %dma_wait3A_278 = tpu.memref_slice %arg3[%add3A, %sub3A_276, %dma_wait3A, %dma_wait3A_277] : memref<32x125x2x80xi32, #tpu.memory_space<hbm>> -> memref<1x1x2x80xi32, #tpu.memory_space<hbm>>
        %dma_wait3A_279 = tpu.memref_squeeze %dma_wait3A_278 : memref<1x1x2x80xi32, #tpu.memory_space<hbm>> -> memref<2x80xi32, #tpu.memory_space<hbm>>
        %dma_wait3A_280 = arith.constant 0 : i32
        %dma_wait3A_281 = arith.constant 0 : i32
        %dma_wait3A_282 = tpu.memref_slice %arg3[%add3A, %sub3A_276, %dma_wait3A_280, %dma_wait3A_281] : memref<32x125x2x80xi32, #tpu.memory_space<hbm>> -> memref<1x1x2x80xi32, #tpu.memory_space<hbm>>
        %dma_wait3A_283 = tpu.memref_squeeze %dma_wait3A_282 : memref<1x1x2x80xi32, #tpu.memory_space<hbm>> -> memref<2x80xi32, #tpu.memory_space<hbm>>
        tpu.wait_dma2 semaphore(%arg24 : memref<!tpu.dma_semaphore, #tpu.memory_space<semaphore_mem>>) src(%dma_wait3A_283 : memref<2x80xi32, #tpu.memory_space<hbm>>) dst(%arg12 : memref<2x80xi32, #tpu.memory_space<vmem>>)
        %dma_start3A = arith.constant 0 : i32
        %dma_start3A_284 = arith.constant 0 : i32
        %dma_start3A_285 = tpu.memref_slice %arg12[%dma_start3A, %dma_start3A_284] : memref<2x80xi32, #tpu.memory_space<vmem>> -> memref<1x80xi32, #tpu.memory_space<vmem>>
        %dma_start3A_286 = tpu.memref_squeeze %dma_start3A_285 : memref<1x80xi32, #tpu.memory_space<vmem>> -> memref<80xi32, #tpu.memory_space<vmem>>
        %dma_start3A_287 = arith.constant 0 : i32
        %dma_start3A_288 = arith.constant 0 : i32
        %dma_start3A_289 = tpu.memref_slice %arg2[%dma_start3A_287, %dma_start3A_288] : memref<10000x128xf32, #tpu.memory_space<hbm>> -> memref<10000x128xf32, #tpu.memory_space<hbm>>
        tpu.enqueue_indirect_dma source(%dma_start3A_289 : memref<10000x128xf32, #tpu.memory_space<hbm>>) target(%arg16 : memref<80x128xf32, #tpu.memory_space<vmem>>) offsets(%dma_start3A_286 : memref<80xi32, #tpu.memory_space<vmem>>) semaphore(%arg28 : memref<!tpu.dma_semaphore, #tpu.memory_space<semaphore_mem>>)
      } else {
      }
      %ge3A_268 = arith.constant 4 : i32
      %ge3A_269 = arith.cmpi sge, %add3A_246, %ge3A_268 : i32
      %lt3A_270 = arith.constant 129 : i32
      %lt3A_271 = arith.cmpi slt, %add3A_246, %lt3A_270 : i32
      %and3A_272 = arith.andi %ge3A_269, %lt3A_271 : i1
      %convert_element_type3A_273 = arith.extui %and3A_272 : i1 to i32
      %cond3A_274 = arith.constant 0 : i32
      %cond3A_275 = arith.cmpi ne, %convert_element_type3A_273, %cond3A_274 : i32
      scf.if %cond3A_275 {
        %dma_wait3A = arith.constant 0 : i32
        %dma_wait3A_276 = arith.constant 0 : i32
        %dma_wait3A_277 = tpu.memref_slice %arg10[%dma_wait3A, %dma_wait3A_276] : memref<2x80xi32, #tpu.memory_space<vmem>> -> memref<1x80xi32, #tpu.memory_space<vmem>>
        %dma_wait3A_278 = tpu.memref_squeeze %dma_wait3A_277 : memref<1x80xi32, #tpu.memory_space<vmem>> -> memref<80xi32, #tpu.memory_space<vmem>>
        %dma_wait3A_279 = arith.constant 0 : i32
        %dma_wait3A_280 = arith.constant 0 : i32
        %dma_wait3A_281 = tpu.memref_slice %arg2[%dma_wait3A_279, %dma_wait3A_280] : memref<10000x128xf32, #tpu.memory_space<hbm>> -> memref<10000x128xf32, #tpu.memory_space<hbm>>
        tpu.wait_indirect_dma semaphore(%arg30 : memref<!tpu.dma_semaphore, #tpu.memory_space<semaphore_mem>>) src(%dma_wait3A_281 : memref<10000x128xf32, #tpu.memory_space<hbm>>) dst(%arg18 : memref<80x128xf32, #tpu.memory_space<vmem>>)
        %dma_start3A = arith.constant 1 : i32
        %dma_start3A_282 = arith.constant 0 : i32
        %dma_start3A_283 = tpu.memref_slice %arg10[%dma_start3A, %dma_start3A_282] : memref<2x80xi32, #tpu.memory_space<vmem>> -> memref<1x80xi32, #tpu.memory_space<vmem>>
        %dma_start3A_284 = tpu.memref_squeeze %dma_start3A_283 : memref<1x80xi32, #tpu.memory_space<vmem>> -> memref<80xi32, #tpu.memory_space<vmem>>
        %dma_start3A_285 = arith.constant 0 : i32
        %dma_start3A_286 = arith.constant 0 : i32
        %dma_start3A_287 = tpu.memref_slice %arg6[%dma_start3A_285, %dma_start3A_286] : memref<10240x128xf32, #tpu.memory_space<vmem_shared>> -> memref<10240x128xf32, #tpu.memory_space<vmem_shared>>
        tpu.enqueue_indirect_dma source(%arg18 : memref<80x128xf32, #tpu.memory_space<vmem>>) target(%dma_start3A_287 : memref<10240x128xf32, #tpu.memory_space<vmem_shared>>) offsets(%dma_start3A_284 : memref<80xi32, #tpu.memory_space<vmem>>) semaphore(%arg34 : memref<!tpu.dma_semaphore, #tpu.memory_space<semaphore_mem>>) {add = true}
      } else {
      }
    }
    %scan3A_6 = arith.constant 17 : i32
    %barrier3A_7 = arith.constant 0 : index
    tpu.barrier barrier_id(%barrier3A_7)
    %mul3A_8 = arith.constant 640 : i32
    %mul3A_9 = arith.muli %arg1, %mul3A_8 : i32
    %mul3A_10 = arith.constant 640 : i32
    %mul3A_11 = arith.muli %arg1, %mul3A_10 : i32
    "tpu.region"() ({
      %run_scoped3A = tpu.sem_alloc : memref<!tpu.dma_semaphore, #tpu.memory_space<semaphore_mem>>
      %dma_start3A = arith.constant 0 : i32
      %dma_start3A_12 = tpu.memref_slice %arg5[%arg0, %mul3A_11, %dma_start3A] : memref<2x10240x128xf32, #tpu.memory_space<hbm>> -> memref<1x640x128xf32, #tpu.memory_space<hbm>>
      %dma_start3A_13 = tpu.memref_squeeze %dma_start3A_12 : memref<1x640x128xf32, #tpu.memory_space<hbm>> -> memref<640x128xf32, #tpu.memory_space<hbm>>
      %dma_start3A_14 = arith.constant 0 : i32
      %dma_start3A_15 = tpu.memref_slice %arg6[%mul3A_9, %dma_start3A_14] : memref<10240x128xf32, #tpu.memory_space<vmem_shared>> -> memref<640x128xf32, #tpu.memory_space<vmem_shared>>
      tpu.enqueue_dma source(%dma_start3A_15 : memref<640x128xf32, #tpu.memory_space<vmem_shared>>) target(%dma_start3A_13 : memref<640x128xf32, #tpu.memory_space<hbm>>) target_semaphore(%run_scoped3A : memref<!tpu.dma_semaphore, #tpu.memory_space<semaphore_mem>>)
      %dma_wait3A = arith.constant 0 : i32
      %dma_wait3A_16 = tpu.memref_slice %arg5[%arg0, %mul3A_11, %dma_wait3A] : memref<2x10240x128xf32, #tpu.memory_space<hbm>> -> memref<1x640x128xf32, #tpu.memory_space<hbm>>
      %dma_wait3A_17 = tpu.memref_squeeze %dma_wait3A_16 : memref<1x640x128xf32, #tpu.memory_space<hbm>> -> memref<640x128xf32, #tpu.memory_space<hbm>>
      %dma_wait3A_18 = arith.constant 0 : i32
      %dma_wait3A_19 = tpu.memref_slice %arg6[%mul3A_9, %dma_wait3A_18] : memref<10240x128xf32, #tpu.memory_space<vmem_shared>> -> memref<640x128xf32, #tpu.memory_space<vmem_shared>>
      tpu.wait_dma2 semaphore(%run_scoped3A : memref<!tpu.dma_semaphore, #tpu.memory_space<semaphore_mem>>) src(%dma_wait3A_19 : memref<640x128xf32, #tpu.memory_space<vmem_shared>>) dst(%dma_wait3A_17 : memref<640x128xf32, #tpu.memory_space<hbm>>)
      tpu.yield
    }) : () -> ()
    return
  }
}

#map = affine_map<(d0, d1) -> (0, 0)>
#map1 = affine_map<(d0, d1) -> (0, 0, 0, 0)>
#map2 = affine_map<(d0, d1) -> (0, 0, 0)>
module attributes {stable_mosaic.version = 14 : i64} {
  func.func @_seg_sum_body(%arg0: i32, %arg1: i32, %arg2: memref<10000x128xf32, #tpu.memory_space<hbm>>, %arg3: memref<32x125x2x80xi32, #tpu.memory_space<hbm>>, %arg4: memref<640x128xf32, #tpu.memory_space<hbm>>, %arg5: memref<2x10240x128xf32, #tpu.memory_space<hbm>>, %arg6: memref<10240x128xf32, #tpu.memory_space<vmem_shared>>, %arg7: memref<2x80xi32, #tpu.memory_space<vmem>>, %arg8: memref<2x80xi32, #tpu.memory_space<vmem>>, %arg9: memref<2x80xi32, #tpu.memory_space<vmem>>, %arg10: memref<2x80xi32, #tpu.memory_space<vmem>>, %arg11: memref<2x80xi32, #tpu.memory_space<vmem>>, %arg12: memref<2x80xi32, #tpu.memory_space<vmem>>, %arg13: memref<2x80xi32, #tpu.memory_space<vmem>>, %arg14: memref<2x80xi32, #tpu.memory_space<vmem>>, %arg15: memref<80x128xf32, #tpu.memory_space<vmem>>, %arg16: memref<80x128xf32, #tpu.memory_space<vmem>>, %arg17: memref<80x128xf32, #tpu.memory_space<vmem>>, %arg18: memref<80x128xf32, #tpu.memory_space<vmem>>, %arg19: memref<!tpu.dma_semaphore, #tpu.memory_space<semaphore_mem>>, %arg20: memref<!tpu.dma_semaphore, #tpu.memory_space<semaphore_mem>>, %arg21: memref<!tpu.dma_semaphore, #tpu.memory_space<semaphore_mem>>, %arg22: memref<!tpu.dma_semaphore, #tpu.memory_space<semaphore_mem>>, %arg23: memref<!tpu.dma_semaphore, #tpu.memory_space<semaphore_mem>>, %arg24: memref<!tpu.dma_semaphore, #tpu.memory_space<semaphore_mem>>, %arg25: memref<!tpu.dma_semaphore, #tpu.memory_space<semaphore_mem>>, %arg26: memref<!tpu.dma_semaphore, #tpu.memory_space<semaphore_mem>>, %arg27: memref<!tpu.dma_semaphore, #tpu.memory_space<semaphore_mem>>, %arg28: memref<!tpu.dma_semaphore, #tpu.memory_space<semaphore_mem>>, %arg29: memref<!tpu.dma_semaphore, #tpu.memory_space<semaphore_mem>>, %arg30: memref<!tpu.dma_semaphore, #tpu.memory_space<semaphore_mem>>, %arg31: memref<!tpu.dma_semaphore, #tpu.memory_space<semaphore_mem>>, %arg32: memref<!tpu.dma_semaphore, #tpu.memory_space<semaphore_mem>>, %arg33: memref<!tpu.dma_semaphore, #tpu.memory_space<semaphore_mem>>, %arg34: memref<!tpu.dma_semaphore, #tpu.memory_space<semaphore_mem>>) attributes {dimension_semantics = [#tpu.dimension_semantics<core_parallel>, #tpu.dimension_semantics<subcore_parallel>], iteration_bounds = array<i64: 2, 16>, scalar_prefetch = 0 : i64, scratch_operands = 29 : i64, tpu.core_type = #tpu.core_type<sc_vector_subcore>, window_params = [{transform_indices = #map}, {transform_indices = #map1}, {transform_indices = #map}, {transform_indices = #map2}]} {
    %mul3A = arith.constant 16 : i32
    %mul3A_0 = arith.muli %arg0, %mul3A : i32
    %add3A = arith.addi %mul3A_0, %arg1 : i32
    %mul3A_1 = arith.constant 640 : i32
    %mul3A_2 = arith.muli %arg1, %mul3A_1 : i32
    "tpu.region"() ({
      %run_scoped3A = tpu.sem_alloc : memref<!tpu.dma_semaphore, #tpu.memory_space<semaphore_mem>>
      %dma_start3A = arith.constant 0 : i32
      %dma_start3A_12 = tpu.memref_slice %arg6[%mul3A_2, %dma_start3A] : memref<10240x128xf32, #tpu.memory_space<vmem_shared>> -> memref<640x128xf32, #tpu.memory_space<vmem_shared>>
      tpu.enqueue_dma source(%arg4 : memref<640x128xf32, #tpu.memory_space<hbm>>) target(%dma_start3A_12 : memref<640x128xf32, #tpu.memory_space<vmem_shared>>) target_semaphore(%run_scoped3A : memref<!tpu.dma_semaphore, #tpu.memory_space<semaphore_mem>>)
      %dma_wait3A = arith.constant 0 : i32
      %dma_wait3A_13 = tpu.memref_slice %arg6[%mul3A_2, %dma_wait3A] : memref<10240x128xf32, #tpu.memory_space<vmem_shared>> -> memref<640x128xf32, #tpu.memory_space<vmem_shared>>
      tpu.wait_dma2 semaphore(%run_scoped3A : memref<!tpu.dma_semaphore, #tpu.memory_space<semaphore_mem>>) src(%arg4 : memref<640x128xf32, #tpu.memory_space<hbm>>) dst(%dma_wait3A_13 : memref<640x128xf32, #tpu.memory_space<vmem_shared>>)
      tpu.yield
    }) : () -> ()
    %barrier3A = arith.constant 0 : index
    tpu.barrier barrier_id(%barrier3A)
    %scan3A = arith.constant 0 : i32
    %scan3A_3 = arith.constant 17 : i32
    %scan3A_4 = arith.addi %scan3A, %scan3A_3 : i32
    %scan3A_5 = arith.constant 1 : i32
    scf.for %scan3A_12 = %scan3A to %scan3A_4 step %scan3A_5  : i32 {
      %mul3A_13 = arith.constant 1 : i32
      %mul3A_14 = arith.muli %scan3A_12, %mul3A_13 : i32
      %add3A_15 = arith.constant 0 : i32
      %add3A_16 = arith.addi %add3A_15, %mul3A_14 : i32
      %mul3A_17 = arith.constant 8 : i32
      %mul3A_18 = arith.muli %add3A_16, %mul3A_17 : i32
      %add3A_19 = arith.constant 0 : i32
      %add3A_20 = arith.addi %mul3A_18, %add3A_19 : i32
      %ge3A = arith.constant 6 : i32
      %ge3A_21 = arith.cmpi sge, %add3A_20, %ge3A : i32
      %lt3A = arith.constant 131 : i32
      %lt3A_22 = arith.cmpi slt, %add3A_20, %lt3A : i32
      %and3A = arith.andi %ge3A_21, %lt3A_22 : i1
      %convert_element_type3A = arith.extui %and3A : i1 to i32
      %cond3A = arith.constant 0 : i32
      %cond3A_23 = arith.cmpi ne, %convert_element_type3A, %cond3A : i32
      scf.if %cond3A_23 {
        %dma_wait3A = arith.constant 1 : i32
        %dma_wait3A_276 = arith.constant 0 : i32
        %dma_wait3A_277 = tpu.memref_slice %arg9[%dma_wait3A, %dma_wait3A_276] : memref<2x80xi32, #tpu.memory_space<vmem>> -> memref<1x80xi32, #tpu.memory_space<vmem>>
        %dma_wait3A_278 = tpu.memref_squeeze %dma_wait3A_277 : memref<1x80xi32, #tpu.memory_space<vmem>> -> memref<80xi32, #tpu.memory_space<vmem>>
        %dma_wait3A_279 = arith.constant 0 : i32
        %dma_wait3A_280 = arith.constant 0 : i32
        %dma_wait3A_281 = tpu.memref_slice %arg6[%dma_wait3A_279, %dma_wait3A_280] : memref<10240x128xf32, #tpu.memory_space<vmem_shared>> -> memref<10240x128xf32, #tpu.memory_space<vmem_shared>>
        tpu.wait_indirect_dma semaphore(%arg33 : memref<!tpu.dma_semaphore, #tpu.memory_space<semaphore_mem>>) src(%arg17 : memref<80x128xf32, #tpu.memory_space<vmem>>) dst(%dma_wait3A_281 : memref<10240x128xf32, #tpu.memory_space<vmem_shared>>)
      } else {
      }
      %lt3A_24 = arith.constant 125 : i32
      %lt3A_25 = arith.cmpi slt, %add3A_20, %lt3A_24 : i32
      %convert_element_type3A_26 = arith.extui %lt3A_25 : i1 to i32
      %cond3A_27 = arith.constant 0 : i32
      %cond3A_28 = arith.cmpi ne, %convert_element_type3A_26, %cond3A_27 : i32
      scf.if %cond3A_28 {
        %dma_start3A = arith.constant 0 : i32
        %dma_start3A_276 = arith.constant 0 : i32
        %dma_start3A_277 = tpu.memref_slice %arg3[%add3A, %add3A_20, %dma_start3A, %dma_start3A_276] : memref<32x125x2x80xi32, #tpu.memory_space<hbm>> -> memref<1x1x2x80xi32, #tpu.memory_space<hbm>>
        %dma_start3A_278 = tpu.memref_squeeze %dma_start3A_277 : memref<1x1x2x80xi32, #tpu.memory_space<hbm>> -> memref<2x80xi32, #tpu.memory_space<hbm>>
        %dma_start3A_279 = arith.constant 0 : i32
        %dma_start3A_280 = arith.constant 0 : i32
        %dma_start3A_281 = tpu.memref_slice %arg3[%add3A, %add3A_20, %dma_start3A_279, %dma_start3A_280] : memref<32x125x2x80xi32, #tpu.memory_space<hbm>> -> memref<1x1x2x80xi32, #tpu.memory_space<hbm>>
        %dma_start3A_282 = tpu.memref_squeeze %dma_start3A_281 : memref<1x1x2x80xi32, #tpu.memory_space<hbm>> -> memref<2x80xi32, #tpu.memory_space<hbm>>
        tpu.enqueue_dma source(%dma_start3A_282 : memref<2x80xi32, #tpu.memory_space<hbm>>) target(%arg7 : memref<2x80xi32, #tpu.memory_space<vmem>>) target_semaphore(%arg19 : memref<!tpu.dma_semaphore, #tpu.memory_space<semaphore_mem>>)
      } else {
      }
      %ge3A_29 = arith.constant 2 : i32
      %ge3A_30 = arith.cmpi sge, %add3A_20, %ge3A_29 : i32
      %lt3A_31 = arith.constant 127 : i32
      %lt3A_32 = arith.cmpi slt, %add3A_20, %lt3A_31 : i32
      %and3A_33 = arith.andi %ge3A_30, %lt3A_32 : i1
      %convert_element_type3A_34 = arith.extui %and3A_33 : i1 to i32
      %cond3A_35 = arith.constant 0 : i32
      %cond3A_36 = arith.cmpi ne, %convert_element_type3A_34, %cond3A_35 : i32
      scf.if %cond3A_36 {
        %sub3A = arith.constant 2 : i32
        %sub3A_276 = arith.subi %add3A_20, %sub3A : i32
        %dma_wait3A = arith.constant 0 : i32
        %dma_wait3A_277 = arith.constant 0 : i32
        %dma_wait3A_278 = tpu.memref_slice %arg3[%add3A, %sub3A_276, %dma_wait3A, %dma_wait3A_277] : memref<32x125x2x80xi32, #tpu.memory_space<hbm>> -> memref<1x1x2x80xi32, #tpu.memory_space<hbm>>
        %dma_wait3A_279 = tpu.memref_squeeze %dma_wait3A_278 : memref<1x1x2x80xi32, #tpu.memory_space<hbm>> -> memref<2x80xi32, #tpu.memory_space<hbm>>
        %dma_wait3A_280 = arith.constant 0 : i32
        %dma_wait3A_281 = arith.constant 0 : i32
        %dma_wait3A_282 = tpu.memref_slice %arg3[%add3A, %sub3A_276, %dma_wait3A_280, %dma_wait3A_281] : memref<32x125x2x80xi32, #tpu.memory_space<hbm>> -> memref<1x1x2x80xi32, #tpu.memory_space<hbm>>
        %dma_wait3A_283 = tpu.memref_squeeze %dma_wait3A_282 : memref<1x1x2x80xi32, #tpu.memory_space<hbm>> -> memref<2x80xi32, #tpu.memory_space<hbm>>
        tpu.wait_dma2 semaphore(%arg25 : memref<!tpu.dma_semaphore, #tpu.memory_space<semaphore_mem>>) src(%dma_wait3A_283 : memref<2x80xi32, #tpu.memory_space<hbm>>) dst(%arg13 : memref<2x80xi32, #tpu.memory_space<vmem>>)
        %dma_start3A = arith.constant 0 : i32
        %dma_start3A_284 = arith.constant 0 : i32
        %dma_start3A_285 = tpu.memref_slice %arg13[%dma_start3A, %dma_start3A_284] : memref<2x80xi32, #tpu.memory_space<vmem>> -> memref<1x80xi32, #tpu.memory_space<vmem>>
        %dma_start3A_286 = tpu.memref_squeeze %dma_start3A_285 : memref<1x80xi32, #tpu.memory_space<vmem>> -> memref<80xi32, #tpu.memory_space<vmem>>
        %dma_start3A_287 = arith.constant 0 : i32
        %dma_start3A_288 = arith.constant 0 : i32
        %dma_start3A_289 = tpu.memref_slice %arg2[%dma_start3A_287, %dma_start3A_288] : memref<10000x128xf32, #tpu.memory_space<hbm>> -> memref<10000x128xf32, #tpu.memory_space<hbm>>
        tpu.enqueue_indirect_dma source(%dma_start3A_289 : memref<10000x128xf32, #tpu.memory_space<hbm>>) target(%arg17 : memref<80x128xf32, #tpu.memory_space<vmem>>) offsets(%dma_start3A_286 : memref<80xi32, #tpu.memory_space<vmem>>) semaphore(%arg29 : memref<!tpu.dma_semaphore, #tpu.memory_space<semaphore_mem>>)
      } else {
      }
      %ge3A_37 = arith.constant 4 : i32
      %ge3A_38 = arith.cmpi sge, %add3A_20, %ge3A_37 : i32
      %lt3A_39 = arith.constant 129 : i32
      %lt3A_40 = arith.cmpi slt, %add3A_20, %lt3A_39 : i32
      %and3A_41 = arith.andi %ge3A_38, %lt3A_40 : i1
      %convert_element_type3A_42 = arith.extui %and3A_41 : i1 to i32
      %cond3A_43 = arith.constant 0 : i32
      %cond3A_44 = arith.cmpi ne, %convert_element_type3A_42, %cond3A_43 : i32
      scf.if %cond3A_44 {
        %dma_wait3A = arith.constant 0 : i32
        %dma_wait3A_276 = arith.constant 0 : i32
        %dma_wait3A_277 = tpu.memref_slice %arg11[%dma_wait3A, %dma_wait3A_276] : memref<2x80xi32, #tpu.memory_space<vmem>> -> memref<1x80xi32, #tpu.memory_space<vmem>>
        %dma_wait3A_278 = tpu.memref_squeeze %dma_wait3A_277 : memref<1x80xi32, #tpu.memory_space<vmem>> -> memref<80xi32, #tpu.memory_space<vmem>>
        %dma_wait3A_279 = arith.constant 0 : i32
        %dma_wait3A_280 = arith.constant 0 : i32
        %dma_wait3A_281 = tpu.memref_slice %arg2[%dma_wait3A_279, %dma_wait3A_280] : memref<10000x128xf32, #tpu.memory_space<hbm>> -> memref<10000x128xf32, #tpu.memory_space<hbm>>
        tpu.wait_indirect_dma semaphore(%arg27 : memref<!tpu.dma_semaphore, #tpu.memory_space<semaphore_mem>>) src(%dma_wait3A_281 : memref<10000x128xf32, #tpu.memory_space<hbm>>) dst(%arg15 : memref<80x128xf32, #tpu.memory_space<vmem>>)
        %dma_start3A = arith.constant 1 : i32
        %dma_start3A_282 = arith.constant 0 : i32
        %dma_start3A_283 = tpu.memref_slice %arg11[%dma_start3A, %dma_start3A_282] : memref<2x80xi32, #tpu.memory_space<vmem>> -> memref<1x80xi32, #tpu.memory_space<vmem>>
        %dma_start3A_284 = tpu.memref_squeeze %dma_start3A_283 : memref<1x80xi32, #tpu.memory_space<vmem>> -> memref<80xi32, #tpu.memory_space<vmem>>
        %dma_start3A_285 = arith.constant 0 : i32
        %dma_start3A_286 = arith.constant 0 : i32
        %dma_start3A_287 = tpu.memref_slice %arg6[%dma_start3A_285, %dma_start3A_286] : memref<10240x128xf32, #tpu.memory_space<vmem_shared>> -> memref<10240x128xf32, #tpu.memory_space<vmem_shared>>
        tpu.enqueue_indirect_dma source(%arg15 : memref<80x128xf32, #tpu.memory_space<vmem>>) target(%dma_start3A_287 : memref<10240x128xf32, #tpu.memory_space<vmem_shared>>) offsets(%dma_start3A_284 : memref<80xi32, #tpu.memory_space<vmem>>) semaphore(%arg31 : memref<!tpu.dma_semaphore, #tpu.memory_space<semaphore_mem>>) {add = true}
      } else {
      }
      %mul3A_45 = arith.constant 8 : i32
      %mul3A_46 = arith.muli %add3A_16, %mul3A_45 : i32
      %add3A_47 = arith.constant 1 : i32
      %add3A_48 = arith.addi %mul3A_46, %add3A_47 : i32
      %ge3A_49 = arith.constant 6 : i32
      %ge3A_50 = arith.cmpi sge, %add3A_48, %ge3A_49 : i32
      %lt3A_51 = arith.constant 131 : i32
      %lt3A_52 = arith.cmpi slt, %add3A_48, %lt3A_51 : i32
      %and3A_53 = arith.andi %ge3A_50, %lt3A_52 : i1
      %convert_element_type3A_54 = arith.extui %and3A_53 : i1 to i32
      %cond3A_55 = arith.constant 0 : i32
      %cond3A_56 = arith.cmpi ne, %convert_element_type3A_54, %cond3A_55 : i32
      scf.if %cond3A_56 {
        %dma_wait3A = arith.constant 1 : i32
        %dma_wait3A_276 = arith.constant 0 : i32
        %dma_wait3A_277 = tpu.memref_slice %arg10[%dma_wait3A, %dma_wait3A_276] : memref<2x80xi32, #tpu.memory_space<vmem>> -> memref<1x80xi32, #tpu.memory_space<vmem>>
        %dma_wait3A_278 = tpu.memref_squeeze %dma_wait3A_277 : memref<1x80xi32, #tpu.memory_space<vmem>> -> memref<80xi32, #tpu.memory_space<vmem>>
        %dma_wait3A_279 = arith.constant 0 : i32
        %dma_wait3A_280 = arith.constant 0 : i32
        %dma_wait3A_281 = tpu.memref_slice %arg6[%dma_wait3A_279, %dma_wait3A_280] : memref<10240x128xf32, #tpu.memory_space<vmem_shared>> -> memref<10240x128xf32, #tpu.memory_space<vmem_shared>>
        tpu.wait_indirect_dma semaphore(%arg34 : memref<!tpu.dma_semaphore, #tpu.memory_space<semaphore_mem>>) src(%arg18 : memref<80x128xf32, #tpu.memory_space<vmem>>) dst(%dma_wait3A_281 : memref<10240x128xf32, #tpu.memory_space<vmem_shared>>)
      } else {
      }
      %lt3A_57 = arith.constant 125 : i32
      %lt3A_58 = arith.cmpi slt, %add3A_48, %lt3A_57 : i32
      %convert_element_type3A_59 = arith.extui %lt3A_58 : i1 to i32
      %cond3A_60 = arith.constant 0 : i32
      %cond3A_61 = arith.cmpi ne, %convert_element_type3A_59, %cond3A_60 : i32
      scf.if %cond3A_61 {
        %dma_start3A = arith.constant 0 : i32
        %dma_start3A_276 = arith.constant 0 : i32
        %dma_start3A_277 = tpu.memref_slice %arg3[%add3A, %add3A_48, %dma_start3A, %dma_start3A_276] : memref<32x125x2x80xi32, #tpu.memory_space<hbm>> -> memref<1x1x2x80xi32, #tpu.memory_space<hbm>>
        %dma_start3A_278 = tpu.memref_squeeze %dma_start3A_277 : memref<1x1x2x80xi32, #tpu.memory_space<hbm>> -> memref<2x80xi32, #tpu.memory_space<hbm>>
        %dma_start3A_279 = arith.constant 0 : i32
        %dma_start3A_280 = arith.constant 0 : i32
        %dma_start3A_281 = tpu.memref_slice %arg3[%add3A, %add3A_48, %dma_start3A_279, %dma_start3A_280] : memref<32x125x2x80xi32, #tpu.memory_space<hbm>> -> memref<1x1x2x80xi32, #tpu.memory_space<hbm>>
        %dma_start3A_282 = tpu.memref_squeeze %dma_start3A_281 : memref<1x1x2x80xi32, #tpu.memory_space<hbm>> -> memref<2x80xi32, #tpu.memory_space<hbm>>
        tpu.enqueue_dma source(%dma_start3A_282 : memref<2x80xi32, #tpu.memory_space<hbm>>) target(%arg8 : memref<2x80xi32, #tpu.memory_space<vmem>>) target_semaphore(%arg20 : memref<!tpu.dma_semaphore, #tpu.memory_space<semaphore_mem>>)
      } else {
      }
      %ge3A_62 = arith.constant 2 : i32
      %ge3A_63 = arith.cmpi sge, %add3A_48, %ge3A_62 : i32
      %lt3A_64 = arith.constant 127 : i32
      %lt3A_65 = arith.cmpi slt, %add3A_48, %lt3A_64 : i32
      %and3A_66 = arith.andi %ge3A_63, %lt3A_65 : i1
      %convert_element_type3A_67 = arith.extui %and3A_66 : i1 to i32
      %cond3A_68 = arith.constant 0 : i32
      %cond3A_69 = arith.cmpi ne, %convert_element_type3A_67, %cond3A_68 : i32
      scf.if %cond3A_69 {
        %sub3A = arith.constant 2 : i32
        %sub3A_276 = arith.subi %add3A_48, %sub3A : i32
        %dma_wait3A = arith.constant 0 : i32
        %dma_wait3A_277 = arith.constant 0 : i32
        %dma_wait3A_278 = tpu.memref_slice %arg3[%add3A, %sub3A_276, %dma_wait3A, %dma_wait3A_277] : memref<32x125x2x80xi32, #tpu.memory_space<hbm>> -> memref<1x1x2x80xi32, #tpu.memory_space<hbm>>
        %dma_wait3A_279 = tpu.memref_squeeze %dma_wait3A_278 : memref<1x1x2x80xi32, #tpu.memory_space<hbm>> -> memref<2x80xi32, #tpu.memory_space<hbm>>
        %dma_wait3A_280 = arith.constant 0 : i32
        %dma_wait3A_281 = arith.constant 0 : i32
        %dma_wait3A_282 = tpu.memref_slice %arg3[%add3A, %sub3A_276, %dma_wait3A_280, %dma_wait3A_281] : memref<32x125x2x80xi32, #tpu.memory_space<hbm>> -> memref<1x1x2x80xi32, #tpu.memory_space<hbm>>
        %dma_wait3A_283 = tpu.memref_squeeze %dma_wait3A_282 : memref<1x1x2x80xi32, #tpu.memory_space<hbm>> -> memref<2x80xi32, #tpu.memory_space<hbm>>
        tpu.wait_dma2 semaphore(%arg26 : memref<!tpu.dma_semaphore, #tpu.memory_space<semaphore_mem>>) src(%dma_wait3A_283 : memref<2x80xi32, #tpu.memory_space<hbm>>) dst(%arg14 : memref<2x80xi32, #tpu.memory_space<vmem>>)
        %dma_start3A = arith.constant 0 : i32
        %dma_start3A_284 = arith.constant 0 : i32
        %dma_start3A_285 = tpu.memref_slice %arg14[%dma_start3A, %dma_start3A_284] : memref<2x80xi32, #tpu.memory_space<vmem>> -> memref<1x80xi32, #tpu.memory_space<vmem>>
        %dma_start3A_286 = tpu.memref_squeeze %dma_start3A_285 : memref<1x80xi32, #tpu.memory_space<vmem>> -> memref<80xi32, #tpu.memory_space<vmem>>
        %dma_start3A_287 = arith.constant 0 : i32
        %dma_start3A_288 = arith.constant 0 : i32
        %dma_start3A_289 = tpu.memref_slice %arg2[%dma_start3A_287, %dma_start3A_288] : memref<10000x128xf32, #tpu.memory_space<hbm>> -> memref<10000x128xf32, #tpu.memory_space<hbm>>
        tpu.enqueue_indirect_dma source(%dma_start3A_289 : memref<10000x128xf32, #tpu.memory_space<hbm>>) target(%arg18 : memref<80x128xf32, #tpu.memory_space<vmem>>) offsets(%dma_start3A_286 : memref<80xi32, #tpu.memory_space<vmem>>) semaphore(%arg30 : memref<!tpu.dma_semaphore, #tpu.memory_space<semaphore_mem>>)
      } else {
      }
      %ge3A_70 = arith.constant 4 : i32
      %ge3A_71 = arith.cmpi sge, %add3A_48, %ge3A_70 : i32
      %lt3A_72 = arith.constant 129 : i32
      %lt3A_73 = arith.cmpi slt, %add3A_48, %lt3A_72 : i32
      %and3A_74 = arith.andi %ge3A_71, %lt3A_73 : i1
      %convert_element_type3A_75 = arith.extui %and3A_74 : i1 to i32
      %cond3A_76 = arith.constant 0 : i32
      %cond3A_77 = arith.cmpi ne, %convert_element_type3A_75, %cond3A_76 : i32
      scf.if %cond3A_77 {
        %dma_wait3A = arith.constant 0 : i32
        %dma_wait3A_276 = arith.constant 0 : i32
        %dma_wait3A_277 = tpu.memref_slice %arg12[%dma_wait3A, %dma_wait3A_276] : memref<2x80xi32, #tpu.memory_space<vmem>> -> memref<1x80xi32, #tpu.memory_space<vmem>>
        %dma_wait3A_278 = tpu.memref_squeeze %dma_wait3A_277 : memref<1x80xi32, #tpu.memory_space<vmem>> -> memref<80xi32, #tpu.memory_space<vmem>>
        %dma_wait3A_279 = arith.constant 0 : i32
        %dma_wait3A_280 = arith.constant 0 : i32
        %dma_wait3A_281 = tpu.memref_slice %arg2[%dma_wait3A_279, %dma_wait3A_280] : memref<10000x128xf32, #tpu.memory_space<hbm>> -> memref<10000x128xf32, #tpu.memory_space<hbm>>
        tpu.wait_indirect_dma semaphore(%arg28 : memref<!tpu.dma_semaphore, #tpu.memory_space<semaphore_mem>>) src(%dma_wait3A_281 : memref<10000x128xf32, #tpu.memory_space<hbm>>) dst(%arg16 : memref<80x128xf32, #tpu.memory_space<vmem>>)
        %dma_start3A = arith.constant 1 : i32
        %dma_start3A_282 = arith.constant 0 : i32
        %dma_start3A_283 = tpu.memref_slice %arg12[%dma_start3A, %dma_start3A_282] : memref<2x80xi32, #tpu.memory_space<vmem>> -> memref<1x80xi32, #tpu.memory_space<vmem>>
        %dma_start3A_284 = tpu.memref_squeeze %dma_start3A_283 : memref<1x80xi32, #tpu.memory_space<vmem>> -> memref<80xi32, #tpu.memory_space<vmem>>
        %dma_start3A_285 = arith.constant 0 : i32
        %dma_start3A_286 = arith.constant 0 : i32
        %dma_start3A_287 = tpu.memref_slice %arg6[%dma_start3A_285, %dma_start3A_286] : memref<10240x128xf32, #tpu.memory_space<vmem_shared>> -> memref<10240x128xf32, #tpu.memory_space<vmem_shared>>
        tpu.enqueue_indirect_dma source(%arg16 : memref<80x128xf32, #tpu.memory_space<vmem>>) target(%dma_start3A_287 : memref<10240x128xf32, #tpu.memory_space<vmem_shared>>) offsets(%dma_start3A_284 : memref<80xi32, #tpu.memory_space<vmem>>) semaphore(%arg32 : memref<!tpu.dma_semaphore, #tpu.memory_space<semaphore_mem>>) {add = true}
      } else {
      }
      %mul3A_78 = arith.constant 8 : i32
      %mul3A_79 = arith.muli %add3A_16, %mul3A_78 : i32
      %add3A_80 = arith.constant 2 : i32
      %add3A_81 = arith.addi %mul3A_79, %add3A_80 : i32
      %ge3A_82 = arith.constant 6 : i32
      %ge3A_83 = arith.cmpi sge, %add3A_81, %ge3A_82 : i32
      %lt3A_84 = arith.constant 131 : i32
      %lt3A_85 = arith.cmpi slt, %add3A_81, %lt3A_84 : i32
      %and3A_86 = arith.andi %ge3A_83, %lt3A_85 : i1
      %convert_element_type3A_87 = arith.extui %and3A_86 : i1 to i32
      %cond3A_88 = arith.constant 0 : i32
      %cond3A_89 = arith.cmpi ne, %convert_element_type3A_87, %cond3A_88 : i32
      scf.if %cond3A_89 {
        %dma_wait3A = arith.constant 1 : i32
        %dma_wait3A_276 = arith.constant 0 : i32
        %dma_wait3A_277 = tpu.memref_slice %arg11[%dma_wait3A, %dma_wait3A_276] : memref<2x80xi32, #tpu.memory_space<vmem>> -> memref<1x80xi32, #tpu.memory_space<vmem>>
        %dma_wait3A_278 = tpu.memref_squeeze %dma_wait3A_277 : memref<1x80xi32, #tpu.memory_space<vmem>> -> memref<80xi32, #tpu.memory_space<vmem>>
        %dma_wait3A_279 = arith.constant 0 : i32
        %dma_wait3A_280 = arith.constant 0 : i32
        %dma_wait3A_281 = tpu.memref_slice %arg6[%dma_wait3A_279, %dma_wait3A_280] : memref<10240x128xf32, #tpu.memory_space<vmem_shared>> -> memref<10240x128xf32, #tpu.memory_space<vmem_shared>>
        tpu.wait_indirect_dma semaphore(%arg31 : memref<!tpu.dma_semaphore, #tpu.memory_space<semaphore_mem>>) src(%arg15 : memref<80x128xf32, #tpu.memory_space<vmem>>) dst(%dma_wait3A_281 : memref<10240x128xf32, #tpu.memory_space<vmem_shared>>)
      } else {
      }
      %lt3A_90 = arith.constant 125 : i32
      %lt3A_91 = arith.cmpi slt, %add3A_81, %lt3A_90 : i32
      %convert_element_type3A_92 = arith.extui %lt3A_91 : i1 to i32
      %cond3A_93 = arith.constant 0 : i32
      %cond3A_94 = arith.cmpi ne, %convert_element_type3A_92, %cond3A_93 : i32
      scf.if %cond3A_94 {
        %dma_start3A = arith.constant 0 : i32
        %dma_start3A_276 = arith.constant 0 : i32
        %dma_start3A_277 = tpu.memref_slice %arg3[%add3A, %add3A_81, %dma_start3A, %dma_start3A_276] : memref<32x125x2x80xi32, #tpu.memory_space<hbm>> -> memref<1x1x2x80xi32, #tpu.memory_space<hbm>>
        %dma_start3A_278 = tpu.memref_squeeze %dma_start3A_277 : memref<1x1x2x80xi32, #tpu.memory_space<hbm>> -> memref<2x80xi32, #tpu.memory_space<hbm>>
        %dma_start3A_279 = arith.constant 0 : i32
        %dma_start3A_280 = arith.constant 0 : i32
        %dma_start3A_281 = tpu.memref_slice %arg3[%add3A, %add3A_81, %dma_start3A_279, %dma_start3A_280] : memref<32x125x2x80xi32, #tpu.memory_space<hbm>> -> memref<1x1x2x80xi32, #tpu.memory_space<hbm>>
        %dma_start3A_282 = tpu.memref_squeeze %dma_start3A_281 : memref<1x1x2x80xi32, #tpu.memory_space<hbm>> -> memref<2x80xi32, #tpu.memory_space<hbm>>
        tpu.enqueue_dma source(%dma_start3A_282 : memref<2x80xi32, #tpu.memory_space<hbm>>) target(%arg9 : memref<2x80xi32, #tpu.memory_space<vmem>>) target_semaphore(%arg21 : memref<!tpu.dma_semaphore, #tpu.memory_space<semaphore_mem>>)
      } else {
      }
      %ge3A_95 = arith.constant 2 : i32
      %ge3A_96 = arith.cmpi sge, %add3A_81, %ge3A_95 : i32
      %lt3A_97 = arith.constant 127 : i32
      %lt3A_98 = arith.cmpi slt, %add3A_81, %lt3A_97 : i32
      %and3A_99 = arith.andi %ge3A_96, %lt3A_98 : i1
      %convert_element_type3A_100 = arith.extui %and3A_99 : i1 to i32
      %cond3A_101 = arith.constant 0 : i32
      %cond3A_102 = arith.cmpi ne, %convert_element_type3A_100, %cond3A_101 : i32
      scf.if %cond3A_102 {
        %sub3A = arith.constant 2 : i32
        %sub3A_276 = arith.subi %add3A_81, %sub3A : i32
        %dma_wait3A = arith.constant 0 : i32
        %dma_wait3A_277 = arith.constant 0 : i32
        %dma_wait3A_278 = tpu.memref_slice %arg3[%add3A, %sub3A_276, %dma_wait3A, %dma_wait3A_277] : memref<32x125x2x80xi32, #tpu.memory_space<hbm>> -> memref<1x1x2x80xi32, #tpu.memory_space<hbm>>
        %dma_wait3A_279 = tpu.memref_squeeze %dma_wait3A_278 : memref<1x1x2x80xi32, #tpu.memory_space<hbm>> -> memref<2x80xi32, #tpu.memory_space<hbm>>
        %dma_wait3A_280 = arith.constant 0 : i32
        %dma_wait3A_281 = arith.constant 0 : i32
        %dma_wait3A_282 = tpu.memref_slice %arg3[%add3A, %sub3A_276, %dma_wait3A_280, %dma_wait3A_281] : memref<32x125x2x80xi32, #tpu.memory_space<hbm>> -> memref<1x1x2x80xi32, #tpu.memory_space<hbm>>
        %dma_wait3A_283 = tpu.memref_squeeze %dma_wait3A_282 : memref<1x1x2x80xi32, #tpu.memory_space<hbm>> -> memref<2x80xi32, #tpu.memory_space<hbm>>
        tpu.wait_dma2 semaphore(%arg19 : memref<!tpu.dma_semaphore, #tpu.memory_space<semaphore_mem>>) src(%dma_wait3A_283 : memref<2x80xi32, #tpu.memory_space<hbm>>) dst(%arg7 : memref<2x80xi32, #tpu.memory_space<vmem>>)
        %dma_start3A = arith.constant 0 : i32
        %dma_start3A_284 = arith.constant 0 : i32
        %dma_start3A_285 = tpu.memref_slice %arg7[%dma_start3A, %dma_start3A_284] : memref<2x80xi32, #tpu.memory_space<vmem>> -> memref<1x80xi32, #tpu.memory_space<vmem>>
        %dma_start3A_286 = tpu.memref_squeeze %dma_start3A_285 : memref<1x80xi32, #tpu.memory_space<vmem>> -> memref<80xi32, #tpu.memory_space<vmem>>
        %dma_start3A_287 = arith.constant 0 : i32
        %dma_start3A_288 = arith.constant 0 : i32
        %dma_start3A_289 = tpu.memref_slice %arg2[%dma_start3A_287, %dma_start3A_288] : memref<10000x128xf32, #tpu.memory_space<hbm>> -> memref<10000x128xf32, #tpu.memory_space<hbm>>
        tpu.enqueue_indirect_dma source(%dma_start3A_289 : memref<10000x128xf32, #tpu.memory_space<hbm>>) target(%arg15 : memref<80x128xf32, #tpu.memory_space<vmem>>) offsets(%dma_start3A_286 : memref<80xi32, #tpu.memory_space<vmem>>) semaphore(%arg27 : memref<!tpu.dma_semaphore, #tpu.memory_space<semaphore_mem>>)
      } else {
      }
      %ge3A_103 = arith.constant 4 : i32
      %ge3A_104 = arith.cmpi sge, %add3A_81, %ge3A_103 : i32
      %lt3A_105 = arith.constant 129 : i32
      %lt3A_106 = arith.cmpi slt, %add3A_81, %lt3A_105 : i32
      %and3A_107 = arith.andi %ge3A_104, %lt3A_106 : i1
      %convert_element_type3A_108 = arith.extui %and3A_107 : i1 to i32
      %cond3A_109 = arith.constant 0 : i32
      %cond3A_110 = arith.cmpi ne, %convert_element_type3A_108, %cond3A_109 : i32
      scf.if %cond3A_110 {
        %dma_wait3A = arith.constant 0 : i32
        %dma_wait3A_276 = arith.constant 0 : i32
        %dma_wait3A_277 = tpu.memref_slice %arg13[%dma_wait3A, %dma_wait3A_276] : memref<2x80xi32, #tpu.memory_space<vmem>> -> memref<1x80xi32, #tpu.memory_space<vmem>>
        %dma_wait3A_278 = tpu.memref_squeeze %dma_wait3A_277 : memref<1x80xi32, #tpu.memory_space<vmem>> -> memref<80xi32, #tpu.memory_space<vmem>>
        %dma_wait3A_279 = arith.constant 0 : i32
        %dma_wait3A_280 = arith.constant 0 : i32
        %dma_wait3A_281 = tpu.memref_slice %arg2[%dma_wait3A_279, %dma_wait3A_280] : memref<10000x128xf32, #tpu.memory_space<hbm>> -> memref<10000x128xf32, #tpu.memory_space<hbm>>
        tpu.wait_indirect_dma semaphore(%arg29 : memref<!tpu.dma_semaphore, #tpu.memory_space<semaphore_mem>>) src(%dma_wait3A_281 : memref<10000x128xf32, #tpu.memory_space<hbm>>) dst(%arg17 : memref<80x128xf32, #tpu.memory_space<vmem>>)
        %dma_start3A = arith.constant 1 : i32
        %dma_start3A_282 = arith.constant 0 : i32
        %dma_start3A_283 = tpu.memref_slice %arg13[%dma_start3A, %dma_start3A_282] : memref<2x80xi32, #tpu.memory_space<vmem>> -> memref<1x80xi32, #tpu.memory_space<vmem>>
        %dma_start3A_284 = tpu.memref_squeeze %dma_start3A_283 : memref<1x80xi32, #tpu.memory_space<vmem>> -> memref<80xi32, #tpu.memory_space<vmem>>
        %dma_start3A_285 = arith.constant 0 : i32
        %dma_start3A_286 = arith.constant 0 : i32
        %dma_start3A_287 = tpu.memref_slice %arg6[%dma_start3A_285, %dma_start3A_286] : memref<10240x128xf32, #tpu.memory_space<vmem_shared>> -> memref<10240x128xf32, #tpu.memory_space<vmem_shared>>
        tpu.enqueue_indirect_dma source(%arg17 : memref<80x128xf32, #tpu.memory_space<vmem>>) target(%dma_start3A_287 : memref<10240x128xf32, #tpu.memory_space<vmem_shared>>) offsets(%dma_start3A_284 : memref<80xi32, #tpu.memory_space<vmem>>) semaphore(%arg33 : memref<!tpu.dma_semaphore, #tpu.memory_space<semaphore_mem>>) {add = true}
      } else {
      }
      %mul3A_111 = arith.constant 8 : i32
      %mul3A_112 = arith.muli %add3A_16, %mul3A_111 : i32
      %add3A_113 = arith.constant 3 : i32
      %add3A_114 = arith.addi %mul3A_112, %add3A_113 : i32
      %ge3A_115 = arith.constant 6 : i32
      %ge3A_116 = arith.cmpi sge, %add3A_114, %ge3A_115 : i32
      %lt3A_117 = arith.constant 131 : i32
      %lt3A_118 = arith.cmpi slt, %add3A_114, %lt3A_117 : i32
      %and3A_119 = arith.andi %ge3A_116, %lt3A_118 : i1
      %convert_element_type3A_120 = arith.extui %and3A_119 : i1 to i32
      %cond3A_121 = arith.constant 0 : i32
      %cond3A_122 = arith.cmpi ne, %convert_element_type3A_120, %cond3A_121 : i32
      scf.if %cond3A_122 {
        %dma_wait3A = arith.constant 1 : i32
        %dma_wait3A_276 = arith.constant 0 : i32
        %dma_wait3A_277 = tpu.memref_slice %arg12[%dma_wait3A, %dma_wait3A_276] : memref<2x80xi32, #tpu.memory_space<vmem>> -> memref<1x80xi32, #tpu.memory_space<vmem>>
        %dma_wait3A_278 = tpu.memref_squeeze %dma_wait3A_277 : memref<1x80xi32, #tpu.memory_space<vmem>> -> memref<80xi32, #tpu.memory_space<vmem>>
        %dma_wait3A_279 = arith.constant 0 : i32
        %dma_wait3A_280 = arith.constant 0 : i32
        %dma_wait3A_281 = tpu.memref_slice %arg6[%dma_wait3A_279, %dma_wait3A_280] : memref<10240x128xf32, #tpu.memory_space<vmem_shared>> -> memref<10240x128xf32, #tpu.memory_space<vmem_shared>>
        tpu.wait_indirect_dma semaphore(%arg32 : memref<!tpu.dma_semaphore, #tpu.memory_space<semaphore_mem>>) src(%arg16 : memref<80x128xf32, #tpu.memory_space<vmem>>) dst(%dma_wait3A_281 : memref<10240x128xf32, #tpu.memory_space<vmem_shared>>)
      } else {
      }
      %lt3A_123 = arith.constant 125 : i32
      %lt3A_124 = arith.cmpi slt, %add3A_114, %lt3A_123 : i32
      %convert_element_type3A_125 = arith.extui %lt3A_124 : i1 to i32
      %cond3A_126 = arith.constant 0 : i32
      %cond3A_127 = arith.cmpi ne, %convert_element_type3A_125, %cond3A_126 : i32
      scf.if %cond3A_127 {
        %dma_start3A = arith.constant 0 : i32
        %dma_start3A_276 = arith.constant 0 : i32
        %dma_start3A_277 = tpu.memref_slice %arg3[%add3A, %add3A_114, %dma_start3A, %dma_start3A_276] : memref<32x125x2x80xi32, #tpu.memory_space<hbm>> -> memref<1x1x2x80xi32, #tpu.memory_space<hbm>>
        %dma_start3A_278 = tpu.memref_squeeze %dma_start3A_277 : memref<1x1x2x80xi32, #tpu.memory_space<hbm>> -> memref<2x80xi32, #tpu.memory_space<hbm>>
        %dma_start3A_279 = arith.constant 0 : i32
        %dma_start3A_280 = arith.constant 0 : i32
        %dma_start3A_281 = tpu.memref_slice %arg3[%add3A, %add3A_114, %dma_start3A_279, %dma_start3A_280] : memref<32x125x2x80xi32, #tpu.memory_space<hbm>> -> memref<1x1x2x80xi32, #tpu.memory_space<hbm>>
        %dma_start3A_282 = tpu.memref_squeeze %dma_start3A_281 : memref<1x1x2x80xi32, #tpu.memory_space<hbm>> -> memref<2x80xi32, #tpu.memory_space<hbm>>
        tpu.enqueue_dma source(%dma_start3A_282 : memref<2x80xi32, #tpu.memory_space<hbm>>) target(%arg10 : memref<2x80xi32, #tpu.memory_space<vmem>>) target_semaphore(%arg22 : memref<!tpu.dma_semaphore, #tpu.memory_space<semaphore_mem>>)
      } else {
      }
      %ge3A_128 = arith.constant 2 : i32
      %ge3A_129 = arith.cmpi sge, %add3A_114, %ge3A_128 : i32
      %lt3A_130 = arith.constant 127 : i32
      %lt3A_131 = arith.cmpi slt, %add3A_114, %lt3A_130 : i32
      %and3A_132 = arith.andi %ge3A_129, %lt3A_131 : i1
      %convert_element_type3A_133 = arith.extui %and3A_132 : i1 to i32
      %cond3A_134 = arith.constant 0 : i32
      %cond3A_135 = arith.cmpi ne, %convert_element_type3A_133, %cond3A_134 : i32
      scf.if %cond3A_135 {
        %sub3A = arith.constant 2 : i32
        %sub3A_276 = arith.subi %add3A_114, %sub3A : i32
        %dma_wait3A = arith.constant 0 : i32
        %dma_wait3A_277 = arith.constant 0 : i32
        %dma_wait3A_278 = tpu.memref_slice %arg3[%add3A, %sub3A_276, %dma_wait3A, %dma_wait3A_277] : memref<32x125x2x80xi32, #tpu.memory_space<hbm>> -> memref<1x1x2x80xi32, #tpu.memory_space<hbm>>
        %dma_wait3A_279 = tpu.memref_squeeze %dma_wait3A_278 : memref<1x1x2x80xi32, #tpu.memory_space<hbm>> -> memref<2x80xi32, #tpu.memory_space<hbm>>
        %dma_wait3A_280 = arith.constant 0 : i32
        %dma_wait3A_281 = arith.constant 0 : i32
        %dma_wait3A_282 = tpu.memref_slice %arg3[%add3A, %sub3A_276, %dma_wait3A_280, %dma_wait3A_281] : memref<32x125x2x80xi32, #tpu.memory_space<hbm>> -> memref<1x1x2x80xi32, #tpu.memory_space<hbm>>
        %dma_wait3A_283 = tpu.memref_squeeze %dma_wait3A_282 : memref<1x1x2x80xi32, #tpu.memory_space<hbm>> -> memref<2x80xi32, #tpu.memory_space<hbm>>
        tpu.wait_dma2 semaphore(%arg20 : memref<!tpu.dma_semaphore, #tpu.memory_space<semaphore_mem>>) src(%dma_wait3A_283 : memref<2x80xi32, #tpu.memory_space<hbm>>) dst(%arg8 : memref<2x80xi32, #tpu.memory_space<vmem>>)
        %dma_start3A = arith.constant 0 : i32
        %dma_start3A_284 = arith.constant 0 : i32
        %dma_start3A_285 = tpu.memref_slice %arg8[%dma_start3A, %dma_start3A_284] : memref<2x80xi32, #tpu.memory_space<vmem>> -> memref<1x80xi32, #tpu.memory_space<vmem>>
        %dma_start3A_286 = tpu.memref_squeeze %dma_start3A_285 : memref<1x80xi32, #tpu.memory_space<vmem>> -> memref<80xi32, #tpu.memory_space<vmem>>
        %dma_start3A_287 = arith.constant 0 : i32
        %dma_start3A_288 = arith.constant 0 : i32
        %dma_start3A_289 = tpu.memref_slice %arg2[%dma_start3A_287, %dma_start3A_288] : memref<10000x128xf32, #tpu.memory_space<hbm>> -> memref<10000x128xf32, #tpu.memory_space<hbm>>
        tpu.enqueue_indirect_dma source(%dma_start3A_289 : memref<10000x128xf32, #tpu.memory_space<hbm>>) target(%arg16 : memref<80x128xf32, #tpu.memory_space<vmem>>) offsets(%dma_start3A_286 : memref<80xi32, #tpu.memory_space<vmem>>) semaphore(%arg28 : memref<!tpu.dma_semaphore, #tpu.memory_space<semaphore_mem>>)
      } else {
      }
      %ge3A_136 = arith.constant 4 : i32
      %ge3A_137 = arith.cmpi sge, %add3A_114, %ge3A_136 : i32
      %lt3A_138 = arith.constant 129 : i32
      %lt3A_139 = arith.cmpi slt, %add3A_114, %lt3A_138 : i32
      %and3A_140 = arith.andi %ge3A_137, %lt3A_139 : i1
      %convert_element_type3A_141 = arith.extui %and3A_140 : i1 to i32
      %cond3A_142 = arith.constant 0 : i32
      %cond3A_143 = arith.cmpi ne, %convert_element_type3A_141, %cond3A_142 : i32
      scf.if %cond3A_143 {
        %dma_wait3A = arith.constant 0 : i32
        %dma_wait3A_276 = arith.constant 0 : i32
        %dma_wait3A_277 = tpu.memref_slice %arg14[%dma_wait3A, %dma_wait3A_276] : memref<2x80xi32, #tpu.memory_space<vmem>> -> memref<1x80xi32, #tpu.memory_space<vmem>>
        %dma_wait3A_278 = tpu.memref_squeeze %dma_wait3A_277 : memref<1x80xi32, #tpu.memory_space<vmem>> -> memref<80xi32, #tpu.memory_space<vmem>>
        %dma_wait3A_279 = arith.constant 0 : i32
        %dma_wait3A_280 = arith.constant 0 : i32
        %dma_wait3A_281 = tpu.memref_slice %arg2[%dma_wait3A_279, %dma_wait3A_280] : memref<10000x128xf32, #tpu.memory_space<hbm>> -> memref<10000x128xf32, #tpu.memory_space<hbm>>
        tpu.wait_indirect_dma semaphore(%arg30 : memref<!tpu.dma_semaphore, #tpu.memory_space<semaphore_mem>>) src(%dma_wait3A_281 : memref<10000x128xf32, #tpu.memory_space<hbm>>) dst(%arg18 : memref<80x128xf32, #tpu.memory_space<vmem>>)
        %dma_start3A = arith.constant 1 : i32
        %dma_start3A_282 = arith.constant 0 : i32
        %dma_start3A_283 = tpu.memref_slice %arg14[%dma_start3A, %dma_start3A_282] : memref<2x80xi32, #tpu.memory_space<vmem>> -> memref<1x80xi32, #tpu.memory_space<vmem>>
        %dma_start3A_284 = tpu.memref_squeeze %dma_start3A_283 : memref<1x80xi32, #tpu.memory_space<vmem>> -> memref<80xi32, #tpu.memory_space<vmem>>
        %dma_start3A_285 = arith.constant 0 : i32
        %dma_start3A_286 = arith.constant 0 : i32
        %dma_start3A_287 = tpu.memref_slice %arg6[%dma_start3A_285, %dma_start3A_286] : memref<10240x128xf32, #tpu.memory_space<vmem_shared>> -> memref<10240x128xf32, #tpu.memory_space<vmem_shared>>
        tpu.enqueue_indirect_dma source(%arg18 : memref<80x128xf32, #tpu.memory_space<vmem>>) target(%dma_start3A_287 : memref<10240x128xf32, #tpu.memory_space<vmem_shared>>) offsets(%dma_start3A_284 : memref<80xi32, #tpu.memory_space<vmem>>) semaphore(%arg34 : memref<!tpu.dma_semaphore, #tpu.memory_space<semaphore_mem>>) {add = true}
      } else {
      }
      %mul3A_144 = arith.constant 8 : i32
      %mul3A_145 = arith.muli %add3A_16, %mul3A_144 : i32
      %add3A_146 = arith.constant 4 : i32
      %add3A_147 = arith.addi %mul3A_145, %add3A_146 : i32
      %ge3A_148 = arith.constant 6 : i32
      %ge3A_149 = arith.cmpi sge, %add3A_147, %ge3A_148 : i32
      %lt3A_150 = arith.constant 131 : i32
      %lt3A_151 = arith.cmpi slt, %add3A_147, %lt3A_150 : i32
      %and3A_152 = arith.andi %ge3A_149, %lt3A_151 : i1
      %convert_element_type3A_153 = arith.extui %and3A_152 : i1 to i32
      %cond3A_154 = arith.constant 0 : i32
      %cond3A_155 = arith.cmpi ne, %convert_element_type3A_153, %cond3A_154 : i32
      scf.if %cond3A_155 {
        %dma_wait3A = arith.constant 1 : i32
        %dma_wait3A_276 = arith.constant 0 : i32
        %dma_wait3A_277 = tpu.memref_slice %arg13[%dma_wait3A, %dma_wait3A_276] : memref<2x80xi32, #tpu.memory_space<vmem>> -> memref<1x80xi32, #tpu.memory_space<vmem>>
        %dma_wait3A_278 = tpu.memref_squeeze %dma_wait3A_277 : memref<1x80xi32, #tpu.memory_space<vmem>> -> memref<80xi32, #tpu.memory_space<vmem>>
        %dma_wait3A_279 = arith.constant 0 : i32
        %dma_wait3A_280 = arith.constant 0 : i32
        %dma_wait3A_281 = tpu.memref_slice %arg6[%dma_wait3A_279, %dma_wait3A_280] : memref<10240x128xf32, #tpu.memory_space<vmem_shared>> -> memref<10240x128xf32, #tpu.memory_space<vmem_shared>>
        tpu.wait_indirect_dma semaphore(%arg33 : memref<!tpu.dma_semaphore, #tpu.memory_space<semaphore_mem>>) src(%arg17 : memref<80x128xf32, #tpu.memory_space<vmem>>) dst(%dma_wait3A_281 : memref<10240x128xf32, #tpu.memory_space<vmem_shared>>)
      } else {
      }
      %lt3A_156 = arith.constant 125 : i32
      %lt3A_157 = arith.cmpi slt, %add3A_147, %lt3A_156 : i32
      %convert_element_type3A_158 = arith.extui %lt3A_157 : i1 to i32
      %cond3A_159 = arith.constant 0 : i32
      %cond3A_160 = arith.cmpi ne, %convert_element_type3A_158, %cond3A_159 : i32
      scf.if %cond3A_160 {
        %dma_start3A = arith.constant 0 : i32
        %dma_start3A_276 = arith.constant 0 : i32
        %dma_start3A_277 = tpu.memref_slice %arg3[%add3A, %add3A_147, %dma_start3A, %dma_start3A_276] : memref<32x125x2x80xi32, #tpu.memory_space<hbm>> -> memref<1x1x2x80xi32, #tpu.memory_space<hbm>>
        %dma_start3A_278 = tpu.memref_squeeze %dma_start3A_277 : memref<1x1x2x80xi32, #tpu.memory_space<hbm>> -> memref<2x80xi32, #tpu.memory_space<hbm>>
        %dma_start3A_279 = arith.constant 0 : i32
        %dma_start3A_280 = arith.constant 0 : i32
        %dma_start3A_281 = tpu.memref_slice %arg3[%add3A, %add3A_147, %dma_start3A_279, %dma_start3A_280] : memref<32x125x2x80xi32, #tpu.memory_space<hbm>> -> memref<1x1x2x80xi32, #tpu.memory_space<hbm>>
        %dma_start3A_282 = tpu.memref_squeeze %dma_start3A_281 : memref<1x1x2x80xi32, #tpu.memory_space<hbm>> -> memref<2x80xi32, #tpu.memory_space<hbm>>
        tpu.enqueue_dma source(%dma_start3A_282 : memref<2x80xi32, #tpu.memory_space<hbm>>) target(%arg11 : memref<2x80xi32, #tpu.memory_space<vmem>>) target_semaphore(%arg23 : memref<!tpu.dma_semaphore, #tpu.memory_space<semaphore_mem>>)
      } else {
      }
      %ge3A_161 = arith.constant 2 : i32
      %ge3A_162 = arith.cmpi sge, %add3A_147, %ge3A_161 : i32
      %lt3A_163 = arith.constant 127 : i32
      %lt3A_164 = arith.cmpi slt, %add3A_147, %lt3A_163 : i32
      %and3A_165 = arith.andi %ge3A_162, %lt3A_164 : i1
      %convert_element_type3A_166 = arith.extui %and3A_165 : i1 to i32
      %cond3A_167 = arith.constant 0 : i32
      %cond3A_168 = arith.cmpi ne, %convert_element_type3A_166, %cond3A_167 : i32
      scf.if %cond3A_168 {
        %sub3A = arith.constant 2 : i32
        %sub3A_276 = arith.subi %add3A_147, %sub3A : i32
        %dma_wait3A = arith.constant 0 : i32
        %dma_wait3A_277 = arith.constant 0 : i32
        %dma_wait3A_278 = tpu.memref_slice %arg3[%add3A, %sub3A_276, %dma_wait3A, %dma_wait3A_277] : memref<32x125x2x80xi32, #tpu.memory_space<hbm>> -> memref<1x1x2x80xi32, #tpu.memory_space<hbm>>
        %dma_wait3A_279 = tpu.memref_squeeze %dma_wait3A_278 : memref<1x1x2x80xi32, #tpu.memory_space<hbm>> -> memref<2x80xi32, #tpu.memory_space<hbm>>
        %dma_wait3A_280 = arith.constant 0 : i32
        %dma_wait3A_281 = arith.constant 0 : i32
        %dma_wait3A_282 = tpu.memref_slice %arg3[%add3A, %sub3A_276, %dma_wait3A_280, %dma_wait3A_281] : memref<32x125x2x80xi32, #tpu.memory_space<hbm>> -> memref<1x1x2x80xi32, #tpu.memory_space<hbm>>
        %dma_wait3A_283 = tpu.memref_squeeze %dma_wait3A_282 : memref<1x1x2x80xi32, #tpu.memory_space<hbm>> -> memref<2x80xi32, #tpu.memory_space<hbm>>
        tpu.wait_dma2 semaphore(%arg21 : memref<!tpu.dma_semaphore, #tpu.memory_space<semaphore_mem>>) src(%dma_wait3A_283 : memref<2x80xi32, #tpu.memory_space<hbm>>) dst(%arg9 : memref<2x80xi32, #tpu.memory_space<vmem>>)
        %dma_start3A = arith.constant 0 : i32
        %dma_start3A_284 = arith.constant 0 : i32
        %dma_start3A_285 = tpu.memref_slice %arg9[%dma_start3A, %dma_start3A_284] : memref<2x80xi32, #tpu.memory_space<vmem>> -> memref<1x80xi32, #tpu.memory_space<vmem>>
        %dma_start3A_286 = tpu.memref_squeeze %dma_start3A_285 : memref<1x80xi32, #tpu.memory_space<vmem>> -> memref<80xi32, #tpu.memory_space<vmem>>
        %dma_start3A_287 = arith.constant 0 : i32
        %dma_start3A_288 = arith.constant 0 : i32
        %dma_start3A_289 = tpu.memref_slice %arg2[%dma_start3A_287, %dma_start3A_288] : memref<10000x128xf32, #tpu.memory_space<hbm>> -> memref<10000x128xf32, #tpu.memory_space<hbm>>
        tpu.enqueue_indirect_dma source(%dma_start3A_289 : memref<10000x128xf32, #tpu.memory_space<hbm>>) target(%arg17 : memref<80x128xf32, #tpu.memory_space<vmem>>) offsets(%dma_start3A_286 : memref<80xi32, #tpu.memory_space<vmem>>) semaphore(%arg29 : memref<!tpu.dma_semaphore, #tpu.memory_space<semaphore_mem>>)
      } else {
      }
      %ge3A_169 = arith.constant 4 : i32
      %ge3A_170 = arith.cmpi sge, %add3A_147, %ge3A_169 : i32
      %lt3A_171 = arith.constant 129 : i32
      %lt3A_172 = arith.cmpi slt, %add3A_147, %lt3A_171 : i32
      %and3A_173 = arith.andi %ge3A_170, %lt3A_172 : i1
      %convert_element_type3A_174 = arith.extui %and3A_173 : i1 to i32
      %cond3A_175 = arith.constant 0 : i32
      %cond3A_176 = arith.cmpi ne, %convert_element_type3A_174, %cond3A_175 : i32
      scf.if %cond3A_176 {
        %dma_wait3A = arith.constant 0 : i32
        %dma_wait3A_276 = arith.constant 0 : i32
        %dma_wait3A_277 = tpu.memref_slice %arg7[%dma_wait3A, %dma_wait3A_276] : memref<2x80xi32, #tpu.memory_space<vmem>> -> memref<1x80xi32, #tpu.memory_space<vmem>>
        %dma_wait3A_278 = tpu.memref_squeeze %dma_wait3A_277 : memref<1x80xi32, #tpu.memory_space<vmem>> -> memref<80xi32, #tpu.memory_space<vmem>>
        %dma_wait3A_279 = arith.constant 0 : i32
        %dma_wait3A_280 = arith.constant 0 : i32
        %dma_wait3A_281 = tpu.memref_slice %arg2[%dma_wait3A_279, %dma_wait3A_280] : memref<10000x128xf32, #tpu.memory_space<hbm>> -> memref<10000x128xf32, #tpu.memory_space<hbm>>
        tpu.wait_indirect_dma semaphore(%arg27 : memref<!tpu.dma_semaphore, #tpu.memory_space<semaphore_mem>>) src(%dma_wait3A_281 : memref<10000x128xf32, #tpu.memory_space<hbm>>) dst(%arg15 : memref<80x128xf32, #tpu.memory_space<vmem>>)
        %dma_start3A = arith.constant 1 : i32
        %dma_start3A_282 = arith.constant 0 : i32
        %dma_start3A_283 = tpu.memref_slice %arg7[%dma_start3A, %dma_start3A_282] : memref<2x80xi32, #tpu.memory_space<vmem>> -> memref<1x80xi32, #tpu.memory_space<vmem>>
        %dma_start3A_284 = tpu.memref_squeeze %dma_start3A_283 : memref<1x80xi32, #tpu.memory_space<vmem>> -> memref<80xi32, #tpu.memory_space<vmem>>
        %dma_start3A_285 = arith.constant 0 : i32
        %dma_start3A_286 = arith.constant 0 : i32
        %dma_start3A_287 = tpu.memref_slice %arg6[%dma_start3A_285, %dma_start3A_286] : memref<10240x128xf32, #tpu.memory_space<vmem_shared>> -> memref<10240x128xf32, #tpu.memory_space<vmem_shared>>
        tpu.enqueue_indirect_dma source(%arg15 : memref<80x128xf32, #tpu.memory_space<vmem>>) target(%dma_start3A_287 : memref<10240x128xf32, #tpu.memory_space<vmem_shared>>) offsets(%dma_start3A_284 : memref<80xi32, #tpu.memory_space<vmem>>) semaphore(%arg31 : memref<!tpu.dma_semaphore, #tpu.memory_space<semaphore_mem>>) {add = true}
      } else {
      }
      %mul3A_177 = arith.constant 8 : i32
      %mul3A_178 = arith.muli %add3A_16, %mul3A_177 : i32
      %add3A_179 = arith.constant 5 : i32
      %add3A_180 = arith.addi %mul3A_178, %add3A_179 : i32
      %ge3A_181 = arith.constant 6 : i32
      %ge3A_182 = arith.cmpi sge, %add3A_180, %ge3A_181 : i32
      %lt3A_183 = arith.constant 131 : i32
      %lt3A_184 = arith.cmpi slt, %add3A_180, %lt3A_183 : i32
      %and3A_185 = arith.andi %ge3A_182, %lt3A_184 : i1
      %convert_element_type3A_186 = arith.extui %and3A_185 : i1 to i32
      %cond3A_187 = arith.constant 0 : i32
      %cond3A_188 = arith.cmpi ne, %convert_element_type3A_186, %cond3A_187 : i32
      scf.if %cond3A_188 {
        %dma_wait3A = arith.constant 1 : i32
        %dma_wait3A_276 = arith.constant 0 : i32
        %dma_wait3A_277 = tpu.memref_slice %arg14[%dma_wait3A, %dma_wait3A_276] : memref<2x80xi32, #tpu.memory_space<vmem>> -> memref<1x80xi32, #tpu.memory_space<vmem>>
        %dma_wait3A_278 = tpu.memref_squeeze %dma_wait3A_277 : memref<1x80xi32, #tpu.memory_space<vmem>> -> memref<80xi32, #tpu.memory_space<vmem>>
        %dma_wait3A_279 = arith.constant 0 : i32
        %dma_wait3A_280 = arith.constant 0 : i32
        %dma_wait3A_281 = tpu.memref_slice %arg6[%dma_wait3A_279, %dma_wait3A_280] : memref<10240x128xf32, #tpu.memory_space<vmem_shared>> -> memref<10240x128xf32, #tpu.memory_space<vmem_shared>>
        tpu.wait_indirect_dma semaphore(%arg34 : memref<!tpu.dma_semaphore, #tpu.memory_space<semaphore_mem>>) src(%arg18 : memref<80x128xf32, #tpu.memory_space<vmem>>) dst(%dma_wait3A_281 : memref<10240x128xf32, #tpu.memory_space<vmem_shared>>)
      } else {
      }
      %lt3A_189 = arith.constant 125 : i32
      %lt3A_190 = arith.cmpi slt, %add3A_180, %lt3A_189 : i32
      %convert_element_type3A_191 = arith.extui %lt3A_190 : i1 to i32
      %cond3A_192 = arith.constant 0 : i32
      %cond3A_193 = arith.cmpi ne, %convert_element_type3A_191, %cond3A_192 : i32
      scf.if %cond3A_193 {
        %dma_start3A = arith.constant 0 : i32
        %dma_start3A_276 = arith.constant 0 : i32
        %dma_start3A_277 = tpu.memref_slice %arg3[%add3A, %add3A_180, %dma_start3A, %dma_start3A_276] : memref<32x125x2x80xi32, #tpu.memory_space<hbm>> -> memref<1x1x2x80xi32, #tpu.memory_space<hbm>>
        %dma_start3A_278 = tpu.memref_squeeze %dma_start3A_277 : memref<1x1x2x80xi32, #tpu.memory_space<hbm>> -> memref<2x80xi32, #tpu.memory_space<hbm>>
        %dma_start3A_279 = arith.constant 0 : i32
        %dma_start3A_280 = arith.constant 0 : i32
        %dma_start3A_281 = tpu.memref_slice %arg3[%add3A, %add3A_180, %dma_start3A_279, %dma_start3A_280] : memref<32x125x2x80xi32, #tpu.memory_space<hbm>> -> memref<1x1x2x80xi32, #tpu.memory_space<hbm>>
        %dma_start3A_282 = tpu.memref_squeeze %dma_start3A_281 : memref<1x1x2x80xi32, #tpu.memory_space<hbm>> -> memref<2x80xi32, #tpu.memory_space<hbm>>
        tpu.enqueue_dma source(%dma_start3A_282 : memref<2x80xi32, #tpu.memory_space<hbm>>) target(%arg12 : memref<2x80xi32, #tpu.memory_space<vmem>>) target_semaphore(%arg24 : memref<!tpu.dma_semaphore, #tpu.memory_space<semaphore_mem>>)
      } else {
      }
      %ge3A_194 = arith.constant 2 : i32
      %ge3A_195 = arith.cmpi sge, %add3A_180, %ge3A_194 : i32
      %lt3A_196 = arith.constant 127 : i32
      %lt3A_197 = arith.cmpi slt, %add3A_180, %lt3A_196 : i32
      %and3A_198 = arith.andi %ge3A_195, %lt3A_197 : i1
      %convert_element_type3A_199 = arith.extui %and3A_198 : i1 to i32
      %cond3A_200 = arith.constant 0 : i32
      %cond3A_201 = arith.cmpi ne, %convert_element_type3A_199, %cond3A_200 : i32
      scf.if %cond3A_201 {
        %sub3A = arith.constant 2 : i32
        %sub3A_276 = arith.subi %add3A_180, %sub3A : i32
        %dma_wait3A = arith.constant 0 : i32
        %dma_wait3A_277 = arith.constant 0 : i32
        %dma_wait3A_278 = tpu.memref_slice %arg3[%add3A, %sub3A_276, %dma_wait3A, %dma_wait3A_277] : memref<32x125x2x80xi32, #tpu.memory_space<hbm>> -> memref<1x1x2x80xi32, #tpu.memory_space<hbm>>
        %dma_wait3A_279 = tpu.memref_squeeze %dma_wait3A_278 : memref<1x1x2x80xi32, #tpu.memory_space<hbm>> -> memref<2x80xi32, #tpu.memory_space<hbm>>
        %dma_wait3A_280 = arith.constant 0 : i32
        %dma_wait3A_281 = arith.constant 0 : i32
        %dma_wait3A_282 = tpu.memref_slice %arg3[%add3A, %sub3A_276, %dma_wait3A_280, %dma_wait3A_281] : memref<32x125x2x80xi32, #tpu.memory_space<hbm>> -> memref<1x1x2x80xi32, #tpu.memory_space<hbm>>
        %dma_wait3A_283 = tpu.memref_squeeze %dma_wait3A_282 : memref<1x1x2x80xi32, #tpu.memory_space<hbm>> -> memref<2x80xi32, #tpu.memory_space<hbm>>
        tpu.wait_dma2 semaphore(%arg22 : memref<!tpu.dma_semaphore, #tpu.memory_space<semaphore_mem>>) src(%dma_wait3A_283 : memref<2x80xi32, #tpu.memory_space<hbm>>) dst(%arg10 : memref<2x80xi32, #tpu.memory_space<vmem>>)
        %dma_start3A = arith.constant 0 : i32
        %dma_start3A_284 = arith.constant 0 : i32
        %dma_start3A_285 = tpu.memref_slice %arg10[%dma_start3A, %dma_start3A_284] : memref<2x80xi32, #tpu.memory_space<vmem>> -> memref<1x80xi32, #tpu.memory_space<vmem>>
        %dma_start3A_286 = tpu.memref_squeeze %dma_start3A_285 : memref<1x80xi32, #tpu.memory_space<vmem>> -> memref<80xi32, #tpu.memory_space<vmem>>
        %dma_start3A_287 = arith.constant 0 : i32
        %dma_start3A_288 = arith.constant 0 : i32
        %dma_start3A_289 = tpu.memref_slice %arg2[%dma_start3A_287, %dma_start3A_288] : memref<10000x128xf32, #tpu.memory_space<hbm>> -> memref<10000x128xf32, #tpu.memory_space<hbm>>
        tpu.enqueue_indirect_dma source(%dma_start3A_289 : memref<10000x128xf32, #tpu.memory_space<hbm>>) target(%arg18 : memref<80x128xf32, #tpu.memory_space<vmem>>) offsets(%dma_start3A_286 : memref<80xi32, #tpu.memory_space<vmem>>) semaphore(%arg30 : memref<!tpu.dma_semaphore, #tpu.memory_space<semaphore_mem>>)
      } else {
      }
      %ge3A_202 = arith.constant 4 : i32
      %ge3A_203 = arith.cmpi sge, %add3A_180, %ge3A_202 : i32
      %lt3A_204 = arith.constant 129 : i32
      %lt3A_205 = arith.cmpi slt, %add3A_180, %lt3A_204 : i32
      %and3A_206 = arith.andi %ge3A_203, %lt3A_205 : i1
      %convert_element_type3A_207 = arith.extui %and3A_206 : i1 to i32
      %cond3A_208 = arith.constant 0 : i32
      %cond3A_209 = arith.cmpi ne, %convert_element_type3A_207, %cond3A_208 : i32
      scf.if %cond3A_209 {
        %dma_wait3A = arith.constant 0 : i32
        %dma_wait3A_276 = arith.constant 0 : i32
        %dma_wait3A_277 = tpu.memref_slice %arg8[%dma_wait3A, %dma_wait3A_276] : memref<2x80xi32, #tpu.memory_space<vmem>> -> memref<1x80xi32, #tpu.memory_space<vmem>>
        %dma_wait3A_278 = tpu.memref_squeeze %dma_wait3A_277 : memref<1x80xi32, #tpu.memory_space<vmem>> -> memref<80xi32, #tpu.memory_space<vmem>>
        %dma_wait3A_279 = arith.constant 0 : i32
        %dma_wait3A_280 = arith.constant 0 : i32
        %dma_wait3A_281 = tpu.memref_slice %arg2[%dma_wait3A_279, %dma_wait3A_280] : memref<10000x128xf32, #tpu.memory_space<hbm>> -> memref<10000x128xf32, #tpu.memory_space<hbm>>
        tpu.wait_indirect_dma semaphore(%arg28 : memref<!tpu.dma_semaphore, #tpu.memory_space<semaphore_mem>>) src(%dma_wait3A_281 : memref<10000x128xf32, #tpu.memory_space<hbm>>) dst(%arg16 : memref<80x128xf32, #tpu.memory_space<vmem>>)
        %dma_start3A = arith.constant 1 : i32
        %dma_start3A_282 = arith.constant 0 : i32
        %dma_start3A_283 = tpu.memref_slice %arg8[%dma_start3A, %dma_start3A_282] : memref<2x80xi32, #tpu.memory_space<vmem>> -> memref<1x80xi32, #tpu.memory_space<vmem>>
        %dma_start3A_284 = tpu.memref_squeeze %dma_start3A_283 : memref<1x80xi32, #tpu.memory_space<vmem>> -> memref<80xi32, #tpu.memory_space<vmem>>
        %dma_start3A_285 = arith.constant 0 : i32
        %dma_start3A_286 = arith.constant 0 : i32
        %dma_start3A_287 = tpu.memref_slice %arg6[%dma_start3A_285, %dma_start3A_286] : memref<10240x128xf32, #tpu.memory_space<vmem_shared>> -> memref<10240x128xf32, #tpu.memory_space<vmem_shared>>
        tpu.enqueue_indirect_dma source(%arg16 : memref<80x128xf32, #tpu.memory_space<vmem>>) target(%dma_start3A_287 : memref<10240x128xf32, #tpu.memory_space<vmem_shared>>) offsets(%dma_start3A_284 : memref<80xi32, #tpu.memory_space<vmem>>) semaphore(%arg32 : memref<!tpu.dma_semaphore, #tpu.memory_space<semaphore_mem>>) {add = true}
      } else {
      }
      %mul3A_210 = arith.constant 8 : i32
      %mul3A_211 = arith.muli %add3A_16, %mul3A_210 : i32
      %add3A_212 = arith.constant 6 : i32
      %add3A_213 = arith.addi %mul3A_211, %add3A_212 : i32
      %ge3A_214 = arith.constant 6 : i32
      %ge3A_215 = arith.cmpi sge, %add3A_213, %ge3A_214 : i32
      %lt3A_216 = arith.constant 131 : i32
      %lt3A_217 = arith.cmpi slt, %add3A_213, %lt3A_216 : i32
      %and3A_218 = arith.andi %ge3A_215, %lt3A_217 : i1
      %convert_element_type3A_219 = arith.extui %and3A_218 : i1 to i32
      %cond3A_220 = arith.constant 0 : i32
      %cond3A_221 = arith.cmpi ne, %convert_element_type3A_219, %cond3A_220 : i32
      scf.if %cond3A_221 {
        %dma_wait3A = arith.constant 1 : i32
        %dma_wait3A_276 = arith.constant 0 : i32
        %dma_wait3A_277 = tpu.memref_slice %arg7[%dma_wait3A, %dma_wait3A_276] : memref<2x80xi32, #tpu.memory_space<vmem>> -> memref<1x80xi32, #tpu.memory_space<vmem>>
        %dma_wait3A_278 = tpu.memref_squeeze %dma_wait3A_277 : memref<1x80xi32, #tpu.memory_space<vmem>> -> memref<80xi32, #tpu.memory_space<vmem>>
        %dma_wait3A_279 = arith.constant 0 : i32
        %dma_wait3A_280 = arith.constant 0 : i32
        %dma_wait3A_281 = tpu.memref_slice %arg6[%dma_wait3A_279, %dma_wait3A_280] : memref<10240x128xf32, #tpu.memory_space<vmem_shared>> -> memref<10240x128xf32, #tpu.memory_space<vmem_shared>>
        tpu.wait_indirect_dma semaphore(%arg31 : memref<!tpu.dma_semaphore, #tpu.memory_space<semaphore_mem>>) src(%arg15 : memref<80x128xf32, #tpu.memory_space<vmem>>) dst(%dma_wait3A_281 : memref<10240x128xf32, #tpu.memory_space<vmem_shared>>)
      } else {
      }
      %lt3A_222 = arith.constant 125 : i32
      %lt3A_223 = arith.cmpi slt, %add3A_213, %lt3A_222 : i32
      %convert_element_type3A_224 = arith.extui %lt3A_223 : i1 to i32
      %cond3A_225 = arith.constant 0 : i32
      %cond3A_226 = arith.cmpi ne, %convert_element_type3A_224, %cond3A_225 : i32
      scf.if %cond3A_226 {
        %dma_start3A = arith.constant 0 : i32
        %dma_start3A_276 = arith.constant 0 : i32
        %dma_start3A_277 = tpu.memref_slice %arg3[%add3A, %add3A_213, %dma_start3A, %dma_start3A_276] : memref<32x125x2x80xi32, #tpu.memory_space<hbm>> -> memref<1x1x2x80xi32, #tpu.memory_space<hbm>>
        %dma_start3A_278 = tpu.memref_squeeze %dma_start3A_277 : memref<1x1x2x80xi32, #tpu.memory_space<hbm>> -> memref<2x80xi32, #tpu.memory_space<hbm>>
        %dma_start3A_279 = arith.constant 0 : i32
        %dma_start3A_280 = arith.constant 0 : i32
        %dma_start3A_281 = tpu.memref_slice %arg3[%add3A, %add3A_213, %dma_start3A_279, %dma_start3A_280] : memref<32x125x2x80xi32, #tpu.memory_space<hbm>> -> memref<1x1x2x80xi32, #tpu.memory_space<hbm>>
        %dma_start3A_282 = tpu.memref_squeeze %dma_start3A_281 : memref<1x1x2x80xi32, #tpu.memory_space<hbm>> -> memref<2x80xi32, #tpu.memory_space<hbm>>
        tpu.enqueue_dma source(%dma_start3A_282 : memref<2x80xi32, #tpu.memory_space<hbm>>) target(%arg13 : memref<2x80xi32, #tpu.memory_space<vmem>>) target_semaphore(%arg25 : memref<!tpu.dma_semaphore, #tpu.memory_space<semaphore_mem>>)
      } else {
      }
      %ge3A_227 = arith.constant 2 : i32
      %ge3A_228 = arith.cmpi sge, %add3A_213, %ge3A_227 : i32
      %lt3A_229 = arith.constant 127 : i32
      %lt3A_230 = arith.cmpi slt, %add3A_213, %lt3A_229 : i32
      %and3A_231 = arith.andi %ge3A_228, %lt3A_230 : i1
      %convert_element_type3A_232 = arith.extui %and3A_231 : i1 to i32
      %cond3A_233 = arith.constant 0 : i32
      %cond3A_234 = arith.cmpi ne, %convert_element_type3A_232, %cond3A_233 : i32
      scf.if %cond3A_234 {
        %sub3A = arith.constant 2 : i32
        %sub3A_276 = arith.subi %add3A_213, %sub3A : i32
        %dma_wait3A = arith.constant 0 : i32
        %dma_wait3A_277 = arith.constant 0 : i32
        %dma_wait3A_278 = tpu.memref_slice %arg3[%add3A, %sub3A_276, %dma_wait3A, %dma_wait3A_277] : memref<32x125x2x80xi32, #tpu.memory_space<hbm>> -> memref<1x1x2x80xi32, #tpu.memory_space<hbm>>
        %dma_wait3A_279 = tpu.memref_squeeze %dma_wait3A_278 : memref<1x1x2x80xi32, #tpu.memory_space<hbm>> -> memref<2x80xi32, #tpu.memory_space<hbm>>
        %dma_wait3A_280 = arith.constant 0 : i32
        %dma_wait3A_281 = arith.constant 0 : i32
        %dma_wait3A_282 = tpu.memref_slice %arg3[%add3A, %sub3A_276, %dma_wait3A_280, %dma_wait3A_281] : memref<32x125x2x80xi32, #tpu.memory_space<hbm>> -> memref<1x1x2x80xi32, #tpu.memory_space<hbm>>
        %dma_wait3A_283 = tpu.memref_squeeze %dma_wait3A_282 : memref<1x1x2x80xi32, #tpu.memory_space<hbm>> -> memref<2x80xi32, #tpu.memory_space<hbm>>
        tpu.wait_dma2 semaphore(%arg23 : memref<!tpu.dma_semaphore, #tpu.memory_space<semaphore_mem>>) src(%dma_wait3A_283 : memref<2x80xi32, #tpu.memory_space<hbm>>) dst(%arg11 : memref<2x80xi32, #tpu.memory_space<vmem>>)
        %dma_start3A = arith.constant 0 : i32
        %dma_start3A_284 = arith.constant 0 : i32
        %dma_start3A_285 = tpu.memref_slice %arg11[%dma_start3A, %dma_start3A_284] : memref<2x80xi32, #tpu.memory_space<vmem>> -> memref<1x80xi32, #tpu.memory_space<vmem>>
        %dma_start3A_286 = tpu.memref_squeeze %dma_start3A_285 : memref<1x80xi32, #tpu.memory_space<vmem>> -> memref<80xi32, #tpu.memory_space<vmem>>
        %dma_start3A_287 = arith.constant 0 : i32
        %dma_start3A_288 = arith.constant 0 : i32
        %dma_start3A_289 = tpu.memref_slice %arg2[%dma_start3A_287, %dma_start3A_288] : memref<10000x128xf32, #tpu.memory_space<hbm>> -> memref<10000x128xf32, #tpu.memory_space<hbm>>
        tpu.enqueue_indirect_dma source(%dma_start3A_289 : memref<10000x128xf32, #tpu.memory_space<hbm>>) target(%arg15 : memref<80x128xf32, #tpu.memory_space<vmem>>) offsets(%dma_start3A_286 : memref<80xi32, #tpu.memory_space<vmem>>) semaphore(%arg27 : memref<!tpu.dma_semaphore, #tpu.memory_space<semaphore_mem>>)
      } else {
      }
      %ge3A_235 = arith.constant 4 : i32
      %ge3A_236 = arith.cmpi sge, %add3A_213, %ge3A_235 : i32
      %lt3A_237 = arith.constant 129 : i32
      %lt3A_238 = arith.cmpi slt, %add3A_213, %lt3A_237 : i32
      %and3A_239 = arith.andi %ge3A_236, %lt3A_238 : i1
      %convert_element_type3A_240 = arith.extui %and3A_239 : i1 to i32
      %cond3A_241 = arith.constant 0 : i32
      %cond3A_242 = arith.cmpi ne, %convert_element_type3A_240, %cond3A_241 : i32
      scf.if %cond3A_242 {
        %dma_wait3A = arith.constant 0 : i32
        %dma_wait3A_276 = arith.constant 0 : i32
        %dma_wait3A_277 = tpu.memref_slice %arg9[%dma_wait3A, %dma_wait3A_276] : memref<2x80xi32, #tpu.memory_space<vmem>> -> memref<1x80xi32, #tpu.memory_space<vmem>>
        %dma_wait3A_278 = tpu.memref_squeeze %dma_wait3A_277 : memref<1x80xi32, #tpu.memory_space<vmem>> -> memref<80xi32, #tpu.memory_space<vmem>>
        %dma_wait3A_279 = arith.constant 0 : i32
        %dma_wait3A_280 = arith.constant 0 : i32
        %dma_wait3A_281 = tpu.memref_slice %arg2[%dma_wait3A_279, %dma_wait3A_280] : memref<10000x128xf32, #tpu.memory_space<hbm>> -> memref<10000x128xf32, #tpu.memory_space<hbm>>
        tpu.wait_indirect_dma semaphore(%arg29 : memref<!tpu.dma_semaphore, #tpu.memory_space<semaphore_mem>>) src(%dma_wait3A_281 : memref<10000x128xf32, #tpu.memory_space<hbm>>) dst(%arg17 : memref<80x128xf32, #tpu.memory_space<vmem>>)
        %dma_start3A = arith.constant 1 : i32
        %dma_start3A_282 = arith.constant 0 : i32
        %dma_start3A_283 = tpu.memref_slice %arg9[%dma_start3A, %dma_start3A_282] : memref<2x80xi32, #tpu.memory_space<vmem>> -> memref<1x80xi32, #tpu.memory_space<vmem>>
        %dma_start3A_284 = tpu.memref_squeeze %dma_start3A_283 : memref<1x80xi32, #tpu.memory_space<vmem>> -> memref<80xi32, #tpu.memory_space<vmem>>
        %dma_start3A_285 = arith.constant 0 : i32
        %dma_start3A_286 = arith.constant 0 : i32
        %dma_start3A_287 = tpu.memref_slice %arg6[%dma_start3A_285, %dma_start3A_286] : memref<10240x128xf32, #tpu.memory_space<vmem_shared>> -> memref<10240x128xf32, #tpu.memory_space<vmem_shared>>
        tpu.enqueue_indirect_dma source(%arg17 : memref<80x128xf32, #tpu.memory_space<vmem>>) target(%dma_start3A_287 : memref<10240x128xf32, #tpu.memory_space<vmem_shared>>) offsets(%dma_start3A_284 : memref<80xi32, #tpu.memory_space<vmem>>) semaphore(%arg33 : memref<!tpu.dma_semaphore, #tpu.memory_space<semaphore_mem>>) {add = true}
      } else {
      }
      %mul3A_243 = arith.constant 8 : i32
      %mul3A_244 = arith.muli %add3A_16, %mul3A_243 : i32
      %add3A_245 = arith.constant 7 : i32
      %add3A_246 = arith.addi %mul3A_244, %add3A_245 : i32
      %ge3A_247 = arith.constant 6 : i32
      %ge3A_248 = arith.cmpi sge, %add3A_246, %ge3A_247 : i32
      %lt3A_249 = arith.constant 131 : i32
      %lt3A_250 = arith.cmpi slt, %add3A_246, %lt3A_249 : i32
      %and3A_251 = arith.andi %ge3A_248, %lt3A_250 : i1
      %convert_element_type3A_252 = arith.extui %and3A_251 : i1 to i32
      %cond3A_253 = arith.constant 0 : i32
      %cond3A_254 = arith.cmpi ne, %convert_element_type3A_252, %cond3A_253 : i32
      scf.if %cond3A_254 {
        %dma_wait3A = arith.constant 1 : i32
        %dma_wait3A_276 = arith.constant 0 : i32
        %dma_wait3A_277 = tpu.memref_slice %arg8[%dma_wait3A, %dma_wait3A_276] : memref<2x80xi32, #tpu.memory_space<vmem>> -> memref<1x80xi32, #tpu.memory_space<vmem>>
        %dma_wait3A_278 = tpu.memref_squeeze %dma_wait3A_277 : memref<1x80xi32, #tpu.memory_space<vmem>> -> memref<80xi32, #tpu.memory_space<vmem>>
        %dma_wait3A_279 = arith.constant 0 : i32
        %dma_wait3A_280 = arith.constant 0 : i32
        %dma_wait3A_281 = tpu.memref_slice %arg6[%dma_wait3A_279, %dma_wait3A_280] : memref<10240x128xf32, #tpu.memory_space<vmem_shared>> -> memref<10240x128xf32, #tpu.memory_space<vmem_shared>>
        tpu.wait_indirect_dma semaphore(%arg32 : memref<!tpu.dma_semaphore, #tpu.memory_space<semaphore_mem>>) src(%arg16 : memref<80x128xf32, #tpu.memory_space<vmem>>) dst(%dma_wait3A_281 : memref<10240x128xf32, #tpu.memory_space<vmem_shared>>)
      } else {
      }
      %lt3A_255 = arith.constant 125 : i32
      %lt3A_256 = arith.cmpi slt, %add3A_246, %lt3A_255 : i32
      %convert_element_type3A_257 = arith.extui %lt3A_256 : i1 to i32
      %cond3A_258 = arith.constant 0 : i32
      %cond3A_259 = arith.cmpi ne, %convert_element_type3A_257, %cond3A_258 : i32
      scf.if %cond3A_259 {
        %dma_start3A = arith.constant 0 : i32
        %dma_start3A_276 = arith.constant 0 : i32
        %dma_start3A_277 = tpu.memref_slice %arg3[%add3A, %add3A_246, %dma_start3A, %dma_start3A_276] : memref<32x125x2x80xi32, #tpu.memory_space<hbm>> -> memref<1x1x2x80xi32, #tpu.memory_space<hbm>>
        %dma_start3A_278 = tpu.memref_squeeze %dma_start3A_277 : memref<1x1x2x80xi32, #tpu.memory_space<hbm>> -> memref<2x80xi32, #tpu.memory_space<hbm>>
        %dma_start3A_279 = arith.constant 0 : i32
        %dma_start3A_280 = arith.constant 0 : i32
        %dma_start3A_281 = tpu.memref_slice %arg3[%add3A, %add3A_246, %dma_start3A_279, %dma_start3A_280] : memref<32x125x2x80xi32, #tpu.memory_space<hbm>> -> memref<1x1x2x80xi32, #tpu.memory_space<hbm>>
        %dma_start3A_282 = tpu.memref_squeeze %dma_start3A_281 : memref<1x1x2x80xi32, #tpu.memory_space<hbm>> -> memref<2x80xi32, #tpu.memory_space<hbm>>
        tpu.enqueue_dma source(%dma_start3A_282 : memref<2x80xi32, #tpu.memory_space<hbm>>) target(%arg14 : memref<2x80xi32, #tpu.memory_space<vmem>>) target_semaphore(%arg26 : memref<!tpu.dma_semaphore, #tpu.memory_space<semaphore_mem>>)
      } else {
      }
      %ge3A_260 = arith.constant 2 : i32
      %ge3A_261 = arith.cmpi sge, %add3A_246, %ge3A_260 : i32
      %lt3A_262 = arith.constant 127 : i32
      %lt3A_263 = arith.cmpi slt, %add3A_246, %lt3A_262 : i32
      %and3A_264 = arith.andi %ge3A_261, %lt3A_263 : i1
      %convert_element_type3A_265 = arith.extui %and3A_264 : i1 to i32
      %cond3A_266 = arith.constant 0 : i32
      %cond3A_267 = arith.cmpi ne, %convert_element_type3A_265, %cond3A_266 : i32
      scf.if %cond3A_267 {
        %sub3A = arith.constant 2 : i32
        %sub3A_276 = arith.subi %add3A_246, %sub3A : i32
        %dma_wait3A = arith.constant 0 : i32
        %dma_wait3A_277 = arith.constant 0 : i32
        %dma_wait3A_278 = tpu.memref_slice %arg3[%add3A, %sub3A_276, %dma_wait3A, %dma_wait3A_277] : memref<32x125x2x80xi32, #tpu.memory_space<hbm>> -> memref<1x1x2x80xi32, #tpu.memory_space<hbm>>
        %dma_wait3A_279 = tpu.memref_squeeze %dma_wait3A_278 : memref<1x1x2x80xi32, #tpu.memory_space<hbm>> -> memref<2x80xi32, #tpu.memory_space<hbm>>
        %dma_wait3A_280 = arith.constant 0 : i32
        %dma_wait3A_281 = arith.constant 0 : i32
        %dma_wait3A_282 = tpu.memref_slice %arg3[%add3A, %sub3A_276, %dma_wait3A_280, %dma_wait3A_281] : memref<32x125x2x80xi32, #tpu.memory_space<hbm>> -> memref<1x1x2x80xi32, #tpu.memory_space<hbm>>
        %dma_wait3A_283 = tpu.memref_squeeze %dma_wait3A_282 : memref<1x1x2x80xi32, #tpu.memory_space<hbm>> -> memref<2x80xi32, #tpu.memory_space<hbm>>
        tpu.wait_dma2 semaphore(%arg24 : memref<!tpu.dma_semaphore, #tpu.memory_space<semaphore_mem>>) src(%dma_wait3A_283 : memref<2x80xi32, #tpu.memory_space<hbm>>) dst(%arg12 : memref<2x80xi32, #tpu.memory_space<vmem>>)
        %dma_start3A = arith.constant 0 : i32
        %dma_start3A_284 = arith.constant 0 : i32
        %dma_start3A_285 = tpu.memref_slice %arg12[%dma_start3A, %dma_start3A_284] : memref<2x80xi32, #tpu.memory_space<vmem>> -> memref<1x80xi32, #tpu.memory_space<vmem>>
        %dma_start3A_286 = tpu.memref_squeeze %dma_start3A_285 : memref<1x80xi32, #tpu.memory_space<vmem>> -> memref<80xi32, #tpu.memory_space<vmem>>
        %dma_start3A_287 = arith.constant 0 : i32
        %dma_start3A_288 = arith.constant 0 : i32
        %dma_start3A_289 = tpu.memref_slice %arg2[%dma_start3A_287, %dma_start3A_288] : memref<10000x128xf32, #tpu.memory_space<hbm>> -> memref<10000x128xf32, #tpu.memory_space<hbm>>
        tpu.enqueue_indirect_dma source(%dma_start3A_289 : memref<10000x128xf32, #tpu.memory_space<hbm>>) target(%arg16 : memref<80x128xf32, #tpu.memory_space<vmem>>) offsets(%dma_start3A_286 : memref<80xi32, #tpu.memory_space<vmem>>) semaphore(%arg28 : memref<!tpu.dma_semaphore, #tpu.memory_space<semaphore_mem>>)
      } else {
      }
      %ge3A_268 = arith.constant 4 : i32
      %ge3A_269 = arith.cmpi sge, %add3A_246, %ge3A_268 : i32
      %lt3A_270 = arith.constant 129 : i32
      %lt3A_271 = arith.cmpi slt, %add3A_246, %lt3A_270 : i32
      %and3A_272 = arith.andi %ge3A_269, %lt3A_271 : i1
      %convert_element_type3A_273 = arith.extui %and3A_272 : i1 to i32
      %cond3A_274 = arith.constant 0 : i32
      %cond3A_275 = arith.cmpi ne, %convert_element_type3A_273, %cond3A_274 : i32
      scf.if %cond3A_275 {
        %dma_wait3A = arith.constant 0 : i32
        %dma_wait3A_276 = arith.constant 0 : i32
        %dma_wait3A_277 = tpu.memref_slice %arg10[%dma_wait3A, %dma_wait3A_276] : memref<2x80xi32, #tpu.memory_space<vmem>> -> memref<1x80xi32, #tpu.memory_space<vmem>>
        %dma_wait3A_278 = tpu.memref_squeeze %dma_wait3A_277 : memref<1x80xi32, #tpu.memory_space<vmem>> -> memref<80xi32, #tpu.memory_space<vmem>>
        %dma_wait3A_279 = arith.constant 0 : i32
        %dma_wait3A_280 = arith.constant 0 : i32
        %dma_wait3A_281 = tpu.memref_slice %arg2[%dma_wait3A_279, %dma_wait3A_280] : memref<10000x128xf32, #tpu.memory_space<hbm>> -> memref<10000x128xf32, #tpu.memory_space<hbm>>
        tpu.wait_indirect_dma semaphore(%arg30 : memref<!tpu.dma_semaphore, #tpu.memory_space<semaphore_mem>>) src(%dma_wait3A_281 : memref<10000x128xf32, #tpu.memory_space<hbm>>) dst(%arg18 : memref<80x128xf32, #tpu.memory_space<vmem>>)
        %dma_start3A = arith.constant 1 : i32
        %dma_start3A_282 = arith.constant 0 : i32
        %dma_start3A_283 = tpu.memref_slice %arg10[%dma_start3A, %dma_start3A_282] : memref<2x80xi32, #tpu.memory_space<vmem>> -> memref<1x80xi32, #tpu.memory_space<vmem>>
        %dma_start3A_284 = tpu.memref_squeeze %dma_start3A_283 : memref<1x80xi32, #tpu.memory_space<vmem>> -> memref<80xi32, #tpu.memory_space<vmem>>
        %dma_start3A_285 = arith.constant 0 : i32
        %dma_start3A_286 = arith.constant 0 : i32
        %dma_start3A_287 = tpu.memref_slice %arg6[%dma_start3A_285, %dma_start3A_286] : memref<10240x128xf32, #tpu.memory_space<vmem_shared>> -> memref<10240x128xf32, #tpu.memory_space<vmem_shared>>
        tpu.enqueue_indirect_dma source(%arg18 : memref<80x128xf32, #tpu.memory_space<vmem>>) target(%dma_start3A_287 : memref<10240x128xf32, #tpu.memory_space<vmem_shared>>) offsets(%dma_start3A_284 : memref<80xi32, #tpu.memory_space<vmem>>) semaphore(%arg34 : memref<!tpu.dma_semaphore, #tpu.memory_space<semaphore_mem>>) {add = true}
      } else {
      }
    }
    %scan3A_6 = arith.constant 17 : i32
    %barrier3A_7 = arith.constant 0 : index
    tpu.barrier barrier_id(%barrier3A_7)
    %mul3A_8 = arith.constant 640 : i32
    %mul3A_9 = arith.muli %arg1, %mul3A_8 : i32
    %mul3A_10 = arith.constant 640 : i32
    %mul3A_11 = arith.muli %arg1, %mul3A_10 : i32
    "tpu.region"() ({
      %run_scoped3A = tpu.sem_alloc : memref<!tpu.dma_semaphore, #tpu.memory_space<semaphore_mem>>
      %dma_start3A = arith.constant 0 : i32
      %dma_start3A_12 = tpu.memref_slice %arg5[%arg0, %mul3A_11, %dma_start3A] : memref<2x10240x128xf32, #tpu.memory_space<hbm>> -> memref<1x640x128xf32, #tpu.memory_space<hbm>>
      %dma_start3A_13 = tpu.memref_squeeze %dma_start3A_12 : memref<1x640x128xf32, #tpu.memory_space<hbm>> -> memref<640x128xf32, #tpu.memory_space<hbm>>
      %dma_start3A_14 = arith.constant 0 : i32
      %dma_start3A_15 = tpu.memref_slice %arg6[%mul3A_9, %dma_start3A_14] : memref<10240x128xf32, #tpu.memory_space<vmem_shared>> -> memref<640x128xf32, #tpu.memory_space<vmem_shared>>
      tpu.enqueue_dma source(%dma_start3A_15 : memref<640x128xf32, #tpu.memory_space<vmem_shared>>) target(%dma_start3A_13 : memref<640x128xf32, #tpu.memory_space<hbm>>) target_semaphore(%run_scoped3A : memref<!tpu.dma_semaphore, #tpu.memory_space<semaphore_mem>>)
      %dma_wait3A = arith.constant 0 : i32
      %dma_wait3A_16 = tpu.memref_slice %arg5[%arg0, %mul3A_11, %dma_wait3A] : memref<2x10240x128xf32, #tpu.memory_space<hbm>> -> memref<1x640x128xf32, #tpu.memory_space<hbm>>
      %dma_wait3A_17 = tpu.memref_squeeze %dma_wait3A_16 : memref<1x640x128xf32, #tpu.memory_space<hbm>> -> memref<640x128xf32, #tpu.memory_space<hbm>>
      %dma_wait3A_18 = arith.constant 0 : i32
      %dma_wait3A_19 = tpu.memref_slice %arg6[%mul3A_9, %dma_wait3A_18] : memref<10240x128xf32, #tpu.memory_space<vmem_shared>> -> memref<640x128xf32, #tpu.memory_space<vmem_shared>>
      tpu.wait_dma2 semaphore(%run_scoped3A : memref<!tpu.dma_semaphore, #tpu.memory_space<semaphore_mem>>) src(%dma_wait3A_19 : memref<640x128xf32, #tpu.memory_space<vmem_shared>>) dst(%dma_wait3A_17 : memref<640x128xf32, #tpu.memory_space<hbm>>)
      tpu.yield
    }) : () -> ()
    return
  }
}

module attributes {stable_mosaic.version = 14 : i64} {
  func.func @_mlp1_body(%arg0: memref<1x1xf32, #tpu.memory_space<smem>>, %arg1: memref<10000x128xf32, #tpu.memory_space<vmem>>, %arg2: memref<2x10240x128xf32, #tpu.memory_space<vmem>>, %arg3: memref<128x128xf32, #tpu.memory_space<vmem>>, %arg4: memref<1x128xf32, #tpu.memory_space<vmem>>, %arg5: memref<10000x128xf32, #tpu.memory_space<vmem>>) attributes {dimension_semantics = [], scalar_prefetch = 0 : i64, scratch_operands = 0 : i64, tpu.core_type = #tpu.core_type<tc>} {
    %get3A = arith.constant 0 : index
    %get3A_0 = arith.constant 0 : index
    %get3A_1 = memref.load %arg0[%get3A, %get3A_0] : memref<1x1xf32, #tpu.memory_space<smem>>
    %get3A_2 = arith.constant 0 : index
    %get3A_3 = arith.constant 0 : index
    %get3A_4 = vector.load %arg1[%get3A_2, %get3A_3] : memref<10000x128xf32, #tpu.memory_space<vmem>>, vector<10000x128xf32>
    %mul3A = vector.broadcast %get3A_1 : f32 to vector<10000x128xf32>
    %mul3A_5 = arith.mulf %mul3A, %get3A_4 : vector<10000x128xf32>
    %get3A_6 = arith.constant 0 : index
    %get3A_7 = arith.constant 0 : index
    %get3A_8 = arith.constant 0 : index
    %get3A_9 = vector.load %arg2[%get3A_6, %get3A_7, %get3A_8] : memref<2x10240x128xf32, #tpu.memory_space<vmem>>, vector<1x10000x128xf32>
    %get3A_10 = vector.shape_cast %get3A_9 : vector<1x10000x128xf32> to vector<10000x128xf32>
    %add3A = arith.addf %mul3A_5, %get3A_10 : vector<10000x128xf32>
    %get3A_11 = arith.constant 1 : index
    %get3A_12 = arith.constant 0 : index
    %get3A_13 = arith.constant 0 : index
    %get3A_14 = vector.load %arg2[%get3A_11, %get3A_12, %get3A_13] : memref<2x10240x128xf32, #tpu.memory_space<vmem>>, vector<1x10000x128xf32>
    %get3A_15 = vector.shape_cast %get3A_14 : vector<1x10000x128xf32> to vector<10000x128xf32>
    %add3A_16 = arith.addf %add3A, %get3A_15 : vector<10000x128xf32>
    %get3A_17 = arith.constant 0 : index
    %get3A_18 = arith.constant 0 : index
    %get3A_19 = vector.load %arg3[%get3A_17, %get3A_18] : memref<128x128xf32, #tpu.memory_space<vmem>>, vector<128x128xf32>
    %dot_general3A = arith.constant dense<0.000000e+00> : vector<10000x128xf32>
    %dot_general3A_20 = tpu.matmul %add3A_16, %get3A_19, %dot_general3A {dimension_numbers = #tpu.dot_dimension_numbers<[1], [0], [0], [1], [0, 0, 1, 1], [], []>, transpose_lhs_hint = false} : vector<10000x128xf32>, vector<128x128xf32>, vector<10000x128xf32> -> vector<10000x128xf32>
    %get3A_21 = arith.constant 0 : index
    %get3A_22 = arith.constant 0 : index
    %get3A_23 = vector.load %arg4[%get3A_21, %get3A_22] : memref<1x128xf32, #tpu.memory_space<vmem>>, vector<1x128xf32>
    %add3A_24 = vector.broadcast %get3A_23 : vector<1x128xf32> to vector<10000x128xf32>
    %add3A_25 = arith.addf %dot_general3A_20, %add3A_24 : vector<10000x128xf32>
    %swap3A = arith.constant 0 : index
    %swap3A_26 = arith.constant 0 : index
    %swap3A_27 = vector.load %arg5[%swap3A, %swap3A_26] : memref<10000x128xf32, #tpu.memory_space<vmem>>, vector<10000x128xf32>
    tpu.vector_store %arg5[%swap3A, %swap3A_26], %add3A_25 {strides = array<i32>} : memref<10000x128xf32, #tpu.memory_space<vmem>>, vector<10000x128xf32>,
    return
  }
}

module attributes {stable_mosaic.version = 14 : i64} {
  func.func @_mlp2_body(%arg0: memref<1x1xf32, #tpu.memory_space<smem>>, %arg1: memref<10000x128xf32, #tpu.memory_space<vmem>>, %arg2: memref<2x10240x128xf32, #tpu.memory_space<vmem>>, %arg3: memref<128x128xf32, #tpu.memory_space<vmem>>, %arg4: memref<1x128xf32, #tpu.memory_space<vmem>>, %arg5: memref<128x128xf32, #tpu.memory_space<vmem>>, %arg6: memref<1x128xf32, #tpu.memory_space<vmem>>, %arg7: memref<10000x128xf32, #tpu.memory_space<vmem>>) attributes {dimension_semantics = [], scalar_prefetch = 0 : i64, scratch_operands = 0 : i64, tpu.core_type = #tpu.core_type<tc>} {
    %get3A = arith.constant 0 : index
    %get3A_0 = arith.constant 0 : index
    %get3A_1 = memref.load %arg0[%get3A, %get3A_0] : memref<1x1xf32, #tpu.memory_space<smem>>
    %get3A_2 = arith.constant 0 : index
    %get3A_3 = arith.constant 0 : index
    %get3A_4 = vector.load %arg1[%get3A_2, %get3A_3] : memref<10000x128xf32, #tpu.memory_space<vmem>>, vector<10000x128xf32>
    %mul3A = vector.broadcast %get3A_1 : f32 to vector<10000x128xf32>
    %mul3A_5 = arith.mulf %mul3A, %get3A_4 : vector<10000x128xf32>
    %get3A_6 = arith.constant 0 : index
    %get3A_7 = arith.constant 0 : index
    %get3A_8 = arith.constant 0 : index
    %get3A_9 = vector.load %arg2[%get3A_6, %get3A_7, %get3A_8] : memref<2x10240x128xf32, #tpu.memory_space<vmem>>, vector<1x10000x128xf32>
    %get3A_10 = vector.shape_cast %get3A_9 : vector<1x10000x128xf32> to vector<10000x128xf32>
    %add3A = arith.addf %mul3A_5, %get3A_10 : vector<10000x128xf32>
    %get3A_11 = arith.constant 1 : index
    %get3A_12 = arith.constant 0 : index
    %get3A_13 = arith.constant 0 : index
    %get3A_14 = vector.load %arg2[%get3A_11, %get3A_12, %get3A_13] : memref<2x10240x128xf32, #tpu.memory_space<vmem>>, vector<1x10000x128xf32>
    %get3A_15 = vector.shape_cast %get3A_14 : vector<1x10000x128xf32> to vector<10000x128xf32>
    %add3A_16 = arith.addf %add3A, %get3A_15 : vector<10000x128xf32>
    %get3A_17 = arith.constant 0 : index
    %get3A_18 = arith.constant 0 : index
    %get3A_19 = vector.load %arg3[%get3A_17, %get3A_18] : memref<128x128xf32, #tpu.memory_space<vmem>>, vector<128x128xf32>
    %dot_general3A = arith.constant dense<0.000000e+00> : vector<10000x128xf32>
    %dot_general3A_20 = tpu.matmul %add3A_16, %get3A_19, %dot_general3A {dimension_numbers = #tpu.dot_dimension_numbers<[1], [0], [0], [1], [0, 0, 1, 1], [], []>, transpose_lhs_hint = false} : vector<10000x128xf32>, vector<128x128xf32>, vector<10000x128xf32> -> vector<10000x128xf32>
    %get3A_21 = arith.constant 0 : index
    %get3A_22 = arith.constant 0 : index
    %get3A_23 = vector.load %arg4[%get3A_21, %get3A_22] : memref<1x128xf32, #tpu.memory_space<vmem>>, vector<1x128xf32>
    %add3A_24 = vector.broadcast %get3A_23 : vector<1x128xf32> to vector<10000x128xf32>
    %add3A_25 = arith.addf %dot_general3A_20, %add3A_24 : vector<10000x128xf32>
    %get3A_26 = arith.constant 0 : index
    %get3A_27 = arith.constant 0 : index
    %get3A_28 = vector.load %arg5[%get3A_26, %get3A_27] : memref<128x128xf32, #tpu.memory_space<vmem>>, vector<128x128xf32>
    %dot_general3A_29 = arith.constant dense<0.000000e+00> : vector<10000x128xf32>
    %dot_general3A_30 = tpu.matmul %add3A_25, %get3A_28, %dot_general3A_29 {dimension_numbers = #tpu.dot_dimension_numbers<[1], [0], [0], [1], [0, 0, 1, 1], [], []>, transpose_lhs_hint = false} : vector<10000x128xf32>, vector<128x128xf32>, vector<10000x128xf32> -> vector<10000x128xf32>
    %get3A_31 = arith.constant 0 : index
    %get3A_32 = arith.constant 0 : index
    %get3A_33 = vector.load %arg6[%get3A_31, %get3A_32] : memref<1x128xf32, #tpu.memory_space<vmem>>, vector<1x128xf32>
    %add3A_34 = vector.broadcast %get3A_33 : vector<1x128xf32> to vector<10000x128xf32>
    %add3A_35 = arith.addf %dot_general3A_30, %add3A_34 : vector<10000x128xf32>
    %swap3A = arith.constant 0 : index
    %swap3A_36 = arith.constant 0 : index
    %swap3A_37 = vector.load %arg7[%swap3A, %swap3A_36] : memref<10000x128xf32, #tpu.memory_space<vmem>>, vector<10000x128xf32>
    tpu.vector_store %arg7[%swap3A, %swap3A_36], %add3A_35 {strides = array<i32>} : memref<10000x128xf32, #tpu.memory_space<vmem>>, vector<10000x128xf32>,
    return
  }
}

</mosaic_0001>

<sc_bundles>
// kernel: kernel.6.cloned.1.call-start
scs
__scs_entry_jumppad:
0x0: {  	(pc) =	sbr.rel $0x88, $3  }
0x1: {  	(tag) =	ssettag $0x0;
	lr =	simm.s32 $0x1  }
0x2: {  	[smem:$0x3F97] =	sst lr;
	_ =	strace $0xD0000000  }
0x3: {  	_ = 	snop  }
0x4: {  	_ = 	snop  }
0x5: {  	_ = 	snop  }
0x6: {  	_ = 	snop  }
0x7: {  	_ = 	snop  }
__scs_overlays_trampoline_lowered:
0x8: {  	[smem:$0x3FA6] =	sst s0  }
0x9: {  	[smem:$0x3FA7] =	sst s1  }
0xa: {  	[smem:$0x3FA8] =	sst s2  }
0xb: {  	[smem:$0x3FA9] =	sst s3  }
0xc: {  	[smem:$0x3FAA] =	sst s4  }
0xd: {  	[smem:$0x3FAB] =	sst s5  }
0xe: {  	[smem:$0x3FAC] =	sst s6  }
0xf: {  	[smem:$0x3FAD] =	sst s7  }
0x10: {  	[smem:$0x3FAE] =	sst s8  }
0x11: {  	[smem:$0x3FAF] =	sst s9;
	s0 =	simm.s32 @!p0 $0x0  }
0x12: {  	s1 =	sld [smem:$0x3F95];
	s0 =	simm.s32 @p0 $0x1  }
0x13: {  	[smem:$0x3FB0] =	sst s0;
	s0 =	simm.s32 @!p1 $0x0  }
0x14: {  	s2 =	sld [smem:$0x3F94];
	s0 =	simm.s32 @p1 $0x1  }
0x15: {  	[smem:$0x3FB1] =	sst s0;
	s0 =	simm.s32 @!p2 $0x0  }
0x16: {  	s3 =	sld [smem:$0x3FDB];
	s0 =	simm.s32 @p2 $0x1  }
0x17: {  	s4 =	simm.s32 $0x1BF5;
	[smem:$0x3FB3] =	sst s0  }
0x18: {  	s0 =	sld [smem:$0x3F96];
	_ =	swait.ge [sflag:s4], $0x0  }
0x19: {  	s7 =	sld [smem:$0x3F97]  }
0x1a: {  	s8 =	sadd.s32 $0xFFFFE003, lr  }
0x1b: {  	s9 =	sadd.s32 $0xFFFFFEF7, lr;
	s5 =	simm.s32 $0xFFFFFFFF;
	p2 =	slt.u32 s8, $0xFFFFF086  }
0x1c: {  	p1 =	slt.u32 s9, $0xF7A;
	s5 =	simm.s32 @!p2 $0x0  }
0x1d: {  	s5 =	simm.s32 @p1 $0x1;
	p0 =	seq.s32 s7, s2  }
0x1e: {  	s7 =	smul.u32 @!p0 $0xF7A, s2;
	p2 =	seq.s32 @!p0 s5, $0x0  }
0x1f: {  	s9 =	smul.u32 $0xF7A, s1;
	s8 =	simm.s32 @!p0 $0x1BF5;
	p2 =	por !p2, p0  }
0x20: {  	[sflag:s8] =	ssyncset.s32 @!p0 $0xFFFFF086;
	s6 =	sadd.s32 @!p0 s3, s7;
	s7 =	simm.s32 @!p0 $0x108  }
0x21: {  	s3 =	sadd.s32 s3, s9;
	s6 =	sadd.s32 @!p0 $0x88, s6;
	s7 =	simm.s32 @p2 $0x1082  }
0x22: {  	[simem:s7], [sflag:s8] =	dma.local @!p0 [hbm:s6], $0xF7A  }
0x23: {  	s9 =	sor.u32 $0xD0000000, s2;
	s6 =	simm.s32 $0x108;
	_ =	swait.ge @!p0 [sflag:s8], $0x0  }
0x24: {  	s3 =	sadd.s32 $0x88, s3;
	s6 =	simm.s32 @!p1 $0x1082;
	[sflag:s4] =	ssyncset.s32 $0xFFFFF086  }
0x25: {  	[simem:s6], [sflag:s4] =	dma.local [hbm:s3], $0xF7A  }
0x26: {  	[smem:$0x3F97] =	sst s1;
	(tag) =	ssettag s2;
	_ =	strace s9  }
0x27: {  	s1 =	sld [smem:$0x3FA7]  }
0x28: {  	s2 =	sld [smem:$0x3FA8]  }
0x29: {  	s4 =	sld [smem:$0x3FAA]  }
0x2a: {  	p0 =	seq.s32 s5, $0x0;
	s5 =	sld [smem:$0x3FAB]  }
0x2b: {  	s6 =	sld [smem:$0x3FAC]  }
0x2c: {  	s7 =	sld [smem:$0x3FAD]  }
0x2d: {  	s3 =	simm.s32 $0x108;
	s8 =	sld [smem:$0x3FAE]  }
0x2e: {  	s3 =	simm.s32 @!p0 $0x1082;
	s9 =	sld [smem:$0x3FAF]  }
0x2f: {  	lr =	sadd.s32 s0, s3;
	s0 =	sld [smem:$0x3FA6]  }
0x30: {  	s3 =	sld [smem:$0x3FA9]  }
0x31: {  	[smem:$0x3FB2] =	sst s10  }
0x32: {  	s10 =	sld [smem:$0x3FB0];
	_ =	sdelay $0x3  }
0x33: {  	p0 =	seq.s32 s10, $0x1;
	s10 =	sld [smem:$0x3FB2];
	_ =	sdelay $0x3  }
0x34: {  	[smem:$0x3FB2] =	sst s10  }
0x35: {  	s10 =	sld [smem:$0x3FB1];
	_ =	sdelay $0x3  }
0x36: {  	p1 =	seq.s32 s10, $0x1;
	s10 =	sld [smem:$0x3FB2];
	_ =	sdelay $0x3  }
0x37: {  	[smem:$0x3FB2] =	sst s10  }
0x38: {  	s10 =	sld [smem:$0x3FB3]  }
0x39: {  	_ = 	snop;
	(pc) =	sbr.ind lr, $3  }
0x3a: {  	_ = 	snop  }
0x3b: {  	_ = 	snop  }
0x3c: {  	p2 =	seq.s32 s10, $0x1;
	s10 =	sld [smem:$0x3FB2]  }
0x3d: {  	_ =	shalt  }
0x3e: {  	_ =	shalt  }
0x3f: {  	_ =	shalt  }
0x40: {  	_ =	shalt  }
0x41: {  	_ =	shalt  }
0x42: {  	_ =	shalt  }
0x43: {  	_ =	shalt  }
0x44: {  	_ =	shalt  }
0x45: {  	_ =	shalt  }
0x46: {  	_ =	shalt  }
0x47: {  	_ =	shalt  }
0x48: {  	_ =	shalt  }
0x49: {  	_ =	shalt  }
0x4a: {  	_ =	shalt  }
0x4b: {  	_ =	shalt  }
0x4c: {  	_ =	shalt  }
0x4d: {  	_ =	shalt  }
0x4e: {  	_ =	shalt  }
0x4f: {  	_ =	shalt  }
0x50: {  	_ =	shalt  }
0x51: {  	_ =	shalt  }
0x52: {  	_ =	shalt  }
0x53: {  	_ =	shalt  }
0x54: {  	_ =	shalt  }
0x55: {  	_ =	shalt  }
0x56: {  	_ =	shalt  }
0x57: {  	_ =	shalt  }
0x58: {  	_ =	shalt  }
0x59: {  	_ =	shalt  }
0x5a: {  	_ =	shalt  }
0x5b: {  	_ =	shalt  }
0x5c: {  	_ =	shalt  }
0x5d: {  	_ =	shalt  }
0x5e: {  	_ =	shalt  }
0x5f: {  	_ =	shalt  }
0x60: {  	_ =	shalt  }
0x61: {  	_ =	shalt  }
0x62: {  	_ =	shalt  }
0x63: {  	_ =	shalt  }
0x64: {  	_ =	shalt  }
0x65: {  	_ =	shalt  }
0x66: {  	_ =	shalt  }
0x67: {  	_ =	shalt  }
0x68: {  	_ =	shalt  }
0x69: {  	_ =	shalt  }
0x6a: {  	_ =	shalt  }
0x6b: {  	_ =	shalt  }
0x6c: {  	_ =	shalt  }
0x6d: {  	_ =	shalt  }
0x6e: {  	_ =	shalt  }
0x6f: {  	_ =	shalt  }
0x70: {  	_ =	shalt  }
0x71: {  	_ =	shalt  }
0x72: {  	_ =	shalt  }
0x73: {  	_ =	shalt  }
0x74: {  	_ =	shalt  }
0x75: {  	_ =	shalt  }
0x76: {  	_ =	shalt  }
0x77: {  	_ =	shalt  }
0x78: {  	_ =	shalt  }
0x79: {  	_ =	shalt  }
0x7a: {  	_ =	shalt  }
0x7b: {  	_ =	shalt  }
0x7c: {  	_ =	shalt  }
0x7d: {  	_ =	shalt  }
0x7e: {  	_ =	shalt  }
0x7f: {  	_ =	shalt  }
0x80: {  	_ =	shalt  }
0x81: {  	_ =	shalt  }
0x82: {  	_ =	shalt  }
0x83: {  	_ =	shalt  }
0x84: {  	_ =	shalt  }
0x85: {  	_ =	shalt  }
0x86: {  	_ =	shalt  }
0x87: {  	_ =	shalt  }
.Lfunc_end0:
.L_simem_size_0:
called_computation_lowered:
.L_overlay_start_0:
0x88: {  	s2 =	sld [smem:$0x3FD9]  }
0x89: {  	s3 =	sld [smem:$0x3FFE];
	_ =	sdelay $0x1  }
0x8a: {  	s1 =	srdreg.scid  }
0x8b: {  	s0 =	sand.u32 $0x1, s1  }
0x8c: {  	s17 =	sshll.u32 s0, $0xA;
	s2 =	sadd.s32 s3, s2  }
0x8d: {  	s2 =	sadd.s32 s2, s17  }
0x8e: {  	[smem:$0x3FBE] =	sst s2  }
0x8f: {  	_ = 	snop  }
0x90: {  	s2 =	sld [smem:$0x3FC9];
	(tm) =	ssettm $0x1  }
0x91: {  	s18 =	sld [smem:$0x3FFB];
	_ =	sdelay $0x3  }
0x92: {  	_ =	strace s18  }
0x93: {  	s3 =	sld [smem:$0x3FFC];
	_ =	sdelay $0x3  }
0x94: {  	_ =	strace s3  }
0x95: {  	s3 =	sld [smem:$0x3FFD];
	_ =	sdelay $0x3  }
0x96: {  	_ =	strace s3  }
0x97: {  	_ =	strace $0x8FFFFFFF  }
0x98: {  	s19 =	sld [smem:$0x3FDB];
	_ =	sdelay $0x1  }
0x99: {  	s4 =	simm.s32 $_scs_section_size  }
0x9a: {  	s5 =	simm.s32 $_size__tile_overlayer_lowered;
	s6 =	simm.s32 $_tile_overlayer_lowered  }
0x9b: {  	s22 =	simm.s32 $0x1BFF;
	s21 =	sshll.u32 s6, $0x1;
	s3 =	sadd.s32 s4, s19  }
0x9c: {  	s7 =	simm.s32 $0x0;
	s20 =	sshll.u32 s5, $0x1;
	s5 =	sadd.s32 s21, s3  }
0x9d: {  	[timem:s7], [sflag:s22] =	dma.local [hbm:s5], s20  }
0x9e: {  	_ =	swait.ge [sflag:s22], s20  }
0x9f: {  	s4 =	ssub.s32 $0x0, s20;
	[sflag:s22] =	ssyncset.done $0x0  }
0xa0: {  	[sflag:s22] =	ssyncadd.s32 s4;
	_ =	sdelay $0x1  }
0xa1: {  	s23 =	simm.s32 $0x1B8B  }
0xa2: {  	_ =	swait.ge [sflag:s23], $0x1  }
0xa3: {  	[sflag:s23] =	ssyncset.done $0x0  }
0xa4: {  	s25 =	simm.s32 $0x1B8E;
	s24 =	sld [smem:$0x3FFE];
	[sflag:s23] =	ssyncadd.s32 $0xFFFFFFFF  }
0xa5: {  	s26 =	simm.s32 $execute0_lowered;
	[smem:$0x3FD2] =	sst s25  }
0xa6: {  	s5 =	sshll.u32 s26, $0x1;
	_ =	strace $0x80000046;
	[dreg:$0x1] =	wrdreg $0xFFFFFFFF  }
0xa7: {  	s28 =	simm.s32 $_size_execute0_lowered;
	s3 =	sadd.s32 s3, s5;
	[dreg:$0x0] =	wrdreg $0x0  }
0xa8: {  	s5 =	sshll.u32 s28, $0x1;
	[dreg:$0x2] =	wrdreg s3  }
0xa9: {  	[dreg:$0x3] =	wrdreg s5  }
0xaa: {  	[dreg:$0x4] =	wrdreg $0xC0  }
0xab: {  	_ =	task [dreg:s7], $0x5FFFF  }
0xac: {  	[dreg:$0x1] =	wrdreg $0xFFFFFFFF  }
0xad: {  	[dreg:$0x0] =	wrdreg $0x60  }
0xae: {  	[dreg:$0x2] =	wrdreg s2  }
0xaf: {  	[dreg:$0x3] =	wrdreg s24  }
0xb0: {  	[dreg:$0x4] =	wrdreg $0x0  }
0xb1: {  	[dreg:$0x5] =	wrdreg $0x9  }
0xb2: {  	_ =	task.clear_ibuf [dreg:s7], $0x6FFFF;
	_ =	strace $0x90000046  }
0xb3: {  	s29 =	simm.s32 $0x9;
	_ =	strace $0x80000048  }
0xb4: {  	_ =	swait.ge [sflag:s29], $0x1  }
0xb5: {  	[sflag:s29] =	ssyncadd.s32 $0xFFFFFFFF  }
0xb6: {  	_ =	strace $0x90000048  }
0xb7: {  	_ =	sfence  }
0xb8: {  	s30 =	sld [smem:$0x0];
	_ =	sdelay $0x2  }
0xb9: {  	s31 =	sshll.u32 s1, $0xD;
	s1 =	sshrl.u32 s1, $0x2  }
0xba: {  	s3 =	sand.u32 $0x4000, s31;
	s1 =	sadd.s32 s1, s30  }
0xbb: {  	s0 =	sor.u32 s3, s0;
	s1 =	sshll.u32 s1, $0x11  }
0xbc: {  	s0 =	sor.u32 s1, s0  }
0xbd: {  	s0 =	sadd.s32 $0x8F2B, s0  }
0xbe: {  	[sflag:s0] =	ssyncadd.remote.s32 $0x1  }
0xbf: {  	_ =	sfence.sel $0xFFFF  }
0xc0: {  	[dreg:$0x0] =	wrdreg $0xFFFFFFFF;
	(pc) =	sbr.abs _section_cstart, $3  }
0xc1: {  	[dreg:$0x1] =	wrdreg $0xFFFFFFFF  }
0xc2: {  	_ =	task.clear_ibuf [dreg:s7], $0x2FFFF;
	_ =	strace $0x9FFFFFFF  }
0xc3: {  	(tm) =	ssettm $0x7FFFFFFF  }
tec
execute0_lowered:
.L_overlay_start_1:
0x0: {  	(tag) =	ssettag $0x1  }
0x1: {  	s1 =	rddreg [dreg:$0x0]  }
0x2: {  	s0 =	rddreg [dreg:$0x1]  }
0x3: {  	s2 =	rddreg [dreg:$0x2];
	s4 =	simm.s32 $0x0;
	s3 =	srdreg.scid  }
0x4: {  	s10 =	stileid.u32;
	s28 =	simm.s32 $0x14300;
	s29 =	simm.s32 $0x2  }
0x5: {  	s31 =	simm.s32 $0x17000;
	s11 =	simm.s32 $0xD;
	s30 =	simm.s32 $0x6  }
0x6: {  	[smem:$0x7FF] =	sst s4;
	s3 =	sand.u32 $0x1, s3;
	s6 =	smul.u32 $0x14000, s10  }
0x7: {  	s7 =	sadd.s32 $0x2400, s0;
	s12 =	sadd.s32 $0x21800, s0;
	s13 =	smul.u32 $0x50000, s10  }
0x8: {  	s9 =	smul.u32 $0x7D00, s10;
	_ =	strace $0x80000047;
	[dreg:$0x4] =	wrdreg s7  }
0x9: {  	s17 =	sshll.u32 s10, $0x6;
	s5 =	smul.u32 $0x140000, s3;
	[dreg:$0x5] =	wrdreg s12  }
0xa: {  	s14 =	ssub.s32 $0x2, s3;
	s3 =	smul.u32 $0x7D000, s3;
	s7 =	simm.s32 $0x1C000  }
0xb: {  	s12 =	simm.s32 $0x5;
	s8 =	sshrl.u32 s14, $0x1;
	s16 =	sshrl.u32 s13, $0x2  }
0xc: {  	s13 =	simm.s32 $0x0;
	s5 =	sadd.s32 s6, s5;
	s15 =	ssub.s32 s14, s8  }
0xd: {  	s6 =	sadd.s32 s16, s2;
	s3 =	sadd.s32 s9, s3;
	s8 =	sor.u32 $0x1C11, s17  }
0xe: {  	s9 =	simm.s32 $0x4;
	s5 =	sshrl.u32 s5, $0x3;
	s18 =	sadd.s32 $0x700, s3  }
0xf: {  	s10 =	sshrl.u32 s3, $0x3;
	s19 =	sadd.s32 $0x600, s3;
	s20 =	sadd.s32 $0x500, s3  }
0x10: {  	s21 =	sadd.s32 $0x400, s3;
	s24 =	sadd.s32 $0x300, s3;
	s25 =	sadd.s32 $0x200, s3  }
0x11: {  	s3 =	sadd.s32 $0x100, s3;
	s16 =	sshrl.u32 s6, $0x3;
	s6 =	simm.s32 $0x19800  }
0x12: {  	[dreg:$0x6] =	wrdreg s8;
	s0 =	sadd.s32 s5, s0;
	s5 =	smax.u32 s15, $0x1  }
0x13: {  	s22 =	sshrl.u32 s20, $0x3;
	s23 =	sshrl.u32 s21, $0x3;
	s26 =	sshrl.u32 s25, $0x3  }
0x14: {  	s17 =	sshrl.u32 s3, $0x3;
	s20 =	simm.s32 $0x9;
	[dreg:$0x8] =	wrdreg s5  }
0x15: {  	s21 =	simm.s32 $0x50;
	s25 =	simm.s32 $0x1;
	[dreg:$0xb] =	wrdreg s22  }
0x16: {  	s3 =	simm.s32 $0x3;
	s0 =	sadd.s32 $0x24000, s0;
	[dreg:$0xc] =	wrdreg s23  }
.Ltmp0:
0x17: {  	[dreg:$0xe] =	wrdreg s26;
	s23 =	simm.s32 $0x14800;
	(pc) =	sbr.rel .LBB2_1-.Ltmp0, $4  }
0x18: {  	s22 =	simm.s32 $0xB;
	[dreg:$0x7] =	wrdreg s0;
	s0 =	sshrl.u32 s18, $0x3  }
0x19: {  	s26 =	simm.s32 $0xE;
	[dreg:$0x9] =	wrdreg s0;
	s0 =	sshrl.u32 s19, $0x3  }
0x1a: {  	s18 =	simm.s32 $0xA;
	[dreg:$0xa] =	wrdreg s0;
	s0 =	sshrl.u32 s24, $0x3  }
0x1b: {  	s24 =	simm.s32 $0x14200;
	[dreg:$0xd] =	wrdreg s0;
	s0 =	simm.s32 $0xC  }
.LBB2_39:
0x1c: {  	[bflag:$0x0] =	sbarrier.arrive $0xFFFF  }
0x1d: {  	s8 =	rddreg [dreg:$0x6]  }
0x1e: {  	s14 =	simm.s32 $0x11;
	s5 =	rddreg [dreg:$0x7]  }
0x1f: {  	[hbm:s5], [sflag:s8] =	dma.local [spmem:s16], $0x2800  }
0x20: {  	_ =	swait.ge [sflag:s14], $0x2800  }
0x21: {  	s13 =	rddreg [dreg:$0xf]  }
0x22: {  	s15 =	rddreg [dreg:$0x8];
	s13 =	sadd.s32 $0x1, s13  }
0x23: {  	p0 =	sne.s32 s13, s15  }
.Ltmp1:
0x24: {  	_ = 	snop;
	(pc) =	sbr.rel @!p0 .LBB2_40-.Ltmp1, $3  }
0x25: {  	_ =	sdelay $0x1  }
0x26: {  	s19 =	simm.s32 $0x11;
	[sflag:s14] =	ssyncset.done $0x0  }
0x27: {  	[sflag:s19] =	ssyncadd.s32 $0xFFFFD800  }
.LBB2_1:
0x28: {  	[dreg:$0xf] =	wrdreg s13  }
0x29: {  	s19 =	simm.s32 $0x11;
	s5 =	rddreg [dreg:$0x5]  }
0x2a: {  	[spmem:s16], [sflag:s8] =	dma.local [hbm:s5], $0x2800  }
.Ltmp2:
0x2b: {  	_ =	swait.ge [sflag:s19], $0x2800;
	(pc) =	sbr.rel .LBB2_2-.Ltmp2, $4  }
0x2c: {  	[sflag:s19] =	ssyncset.done $0x0  }
0x2d: {  	[sflag:s19] =	ssyncadd.s32 $0xFFFFD800  }
0x2e: {  	[bflag:$0x0] =	sbarrier.arrive $0xFFFF  }
0x2f: {  	s5 =	simm.s32 $0x7;
	s8 =	rddreg [dreg:$0x4]  }
.LBB2_33:
0x30: {  	s13 =	rddreg [dreg:$0x9]  }
0x31: {  	s15 =	simm.s32 $0x14700;
	s13 =	sadd.s32 s8, s13  }
0x32: {  	[tilespmem:s15], [sflag:$0x8] =	stream.linear.gather [hbm4b:s13+s4], $0x100, $0x38;
	[tilespmem:$0x1E800] =	vst v63  }
.LBB2_35:
0x33: {  	_ =	swait.ge [sflag:s30], $0x100  }
0x34: {  	[sflag:s30] =	ssyncset.done $0x0  }
0x35: {  	s13 =	simm.s32 $0x14500;
	[sflag:s30] =	ssyncadd.s32 $0xFFFFFF00  }
0x36: {  	[tilespmem:s31], [sflag:$0xA] =	stream.indirect.gather [hbm4b:s1+s21], $0x80, s13, s21, $0xb8;
	[tilespmem:$0x1E800] =	vst v63  }
.LBB2_37:
0x37: {  	_ =	swait.ge [sflag:s0], $0x2800  }
0x38: {  	[sflag:s0] =	ssyncset.done $0x0  }
0x39: {  	s13 =	simm.s32 $0x14380;
	[sflag:s0] =	ssyncadd.s32 $0xFFFFD800  }
0x3a: {  	[spmem:s2] =	stream.indirect.scatter.add.f32 [tilespmem:s7], [sflag:$0x10], $0x80, s13, s21, $0xb8;
	[tilespmem:$0x1E800] =	vst v63  }
.LBB2_38:
0x3b: {  	s5 =	sadd.s32 $0x8, s5  }
0x3c: {  	p0 =	sne.s32 s5, $0x8F  }
.Ltmp3:
0x3d: {  	_ = 	snop;
	(pc) =	sbr.rel @!p0 .LBB2_39-.Ltmp3, $2  }
0x3e: {  	_ =	sdelay $0x2  }
0x3f: {  	s8 =	sadd.s32 $0x100, s8  }
.LBB2_2:
0x40: {  	s19 =	sadd.s32 $0xFFFFFFF3, s5  }
0x41: {  	p0 =	sgt.u32 s19, $0x7C  }
0x42: {  	s19 =	simm.s32 @!p0 $0xF  }
0x43: {  	_ =	swait.ge @!p0 [sflag:s19], $0x2800  }
0x44: {  	[sflag:s19] =	ssyncset.done @!p0 $0x0  }
0x45: {  	[sflag:s19] =	ssyncadd.s32 @!p0 $0xFFFFD800;
	p0 =	seq.s32 s5, $0x87  }
0x46: {  	s19 =	sadd.s32 @!p0 s8, s10;
	s13 =	simm.s32 @!p0 $0x0;
	s14 =	simm.s32 @!p0 $0x14000  }
0x47: {  	[tilespmem:s14], [sflag:$0x1] =	stream.linear.gather @!p0 [hbm4b:s19+s13], $0x100, $0x38;
	[tilespmem:$0x1E800] =	vst v63  }
0x48: {  	s13 =	sadd.s32 @!p0 $0xFFFFFFF7, s5  }
0x49: {  	p1 =	sgt.u32 @!p0 s13, $0x7C  }
0x4a: {  	p1 =	por p1, p0  }
0x4b: {  	s14 =	simm.s32 @!p1 $0x7  }
0x4c: {  	_ =	swait.ge @!p1 [sflag:s14], $0x100  }
0x4d: {  	s19 =	simm.s32 @!p1 $0x14600;
	[sflag:s14] =	ssyncset.done @!p1 $0x0  }
0x4e: {  	s15 =	simm.s32 @!p1 $0x19800;
	[sflag:s14] =	ssyncadd.s32 @!p1 $0xFFFFFF00;
	s14 =	simm.s32 @!p1 $0x50  }
0x4f: {  	[tilespmem:s15], [sflag:$0xB] =	stream.indirect.gather @!p1 [hbm4b:s1+s14], $0x80, s19, s14, $0xb8;
	[tilespmem:$0x1E800] =	vst v63  }
0x50: {  	s14 =	sadd.s32 @!p0 $0xFFFFFFF5, s5  }
0x51: {  	p1 =	sgt.u32 @!p0 s14, $0x7C  }
0x52: {  	p3 =	por p0, !p1  }
.Ltmp4:
0x53: {  	_ = 	snop;
	(pc) =	sbr.rel @!p3 .LBB2_4-.Ltmp4, $2  }
0x54: {  	_ =	sdelay $0x2  }
0x55: {  	p2 =	por @!p0 $0x0, $0x0;
	p1 =	slt.u32 @!p0 s13, $0x7D  }
0x56: {  	_ =	swait.ge [sflag:s20], $0x2800;
	p3 =	por $0x0, $0x0  }
0x57: {  	s13 =	simm.s32 $0x14480;
	[sflag:s20] =	ssyncset.done $0x0;
	p3 =	por @!p0 p1, p1  }
0x58: {  	p2 =	por $0x1, $0x1;
	[sflag:s20] =	ssyncadd.s32 $0xFFFFD800;
	p1 =	por p3, p3  }
0x59: {  	[spmem:s2] =	stream.indirect.scatter.add.f32 [tilespmem:s23], [sflag:$0xD], $0x80, s13, s21, $0xb8;
	[tilespmem:$0x1E800] =	vst v63  }
.LBB2_4:
0x5a: {  	p0 =	seq.s32 s5, $0x7  }
0x5b: {  	s14 =	sadd.s32 $0xFFFFFFFA, s5;
	s13 =	simm.s32 @!p0 $0x10  }
0x5c: {  	p3 =	sgt.u32 s14, $0x7C;
	_ =	swait.ge @!p0 [sflag:s13], $0x2800  }
0x5d: {  	s15 =	simm.s32 @!p3 $0x0;
	[sflag:s13] =	ssyncset.done @!p0 $0x0  }
0x5e: {  	s19 =	simm.s32 @!p3 $0x14100;
	[sflag:s13] =	ssyncadd.s32 @!p0 $0xFFFFD800;
	s13 =	sadd.s32 @!p3 s8, s17  }
0x5f: {  	[tilespmem:s19], [sflag:$0x2] =	stream.linear.gather @!p3 [hbm4b:s13+s15], $0x100, $0x38;
	[tilespmem:$0x1E800] =	vst v63  }
0x60: {  	p3 =	sgt.u32 @!p0 s14, $0x7E  }
0x61: {  	p3 =	por p3, p0  }
0x62: {  	s13 =	simm.s32 @!p3 $0x8  }
0x63: {  	_ =	swait.ge @!p3 [sflag:s13], $0x100  }
0x64: {  	s15 =	simm.s32 @!p3 $0x14700;
	[sflag:s13] =	ssyncset.done @!p3 $0x0  }
0x65: {  	s19 =	simm.s32 @!p3 $0x1C000;
	[sflag:s13] =	ssyncadd.s32 @!p3 $0xFFFFFF00;
	s13 =	simm.s32 @!p3 $0x50  }
0x66: {  	[tilespmem:s19], [sflag:$0xC] =	stream.indirect.gather @!p3 [hbm4b:s1+s13], $0x80, s15, s13, $0xb8;
	[tilespmem:$0x1E800] =	vst v63  }
0x67: {  	p3 =	sgt.u32 @!p0 s14, $0x80  }
0x68: {  	p3 =	por p3, p0  }
0x69: {  	s13 =	simm.s32 @!p3 $0xA  }
0x6a: {  	_ =	swait.ge @!p3 [sflag:s13], $0x2800  }
0x6b: {  	s19 =	sadd.s32 $0xFFFFFFFB, s5;
	s14 =	simm.s32 @!p3 $0x14580;
	[sflag:s13] =	ssyncset.done @!p3 $0x0  }
0x6c: {  	s15 =	simm.s32 @!p3 $0x17000;
	[sflag:s13] =	ssyncadd.s32 @!p3 $0xFFFFD800;
	s13 =	simm.s32 @!p3 $0x50  }
0x6d: {  	[spmem:s2] =	stream.indirect.scatter.add.f32 @!p3 [tilespmem:s15], [sflag:$0xE], $0x80, s14, s13, $0xb8;
	[tilespmem:$0x1E800] =	vst v63  }
0x6e: {  	p3 =	sgt.u32 s19, $0x7C  }
.Ltmp5:
0x6f: {  	_ = 	snop;
	(pc) =	sbr.rel @p3 .LBB2_6-.Ltmp5, $4  }
0x70: {  	s13 =	simm.s32 @p2 $0xD  }
0x71: {  	_ =	swait.ge @p2 [sflag:s13], $0x2800  }
0x72: {  	[sflag:s13] =	ssyncset.done @p2 $0x0  }
0x73: {  	[sflag:s13] =	ssyncadd.s32 @p2 $0xFFFFD800  }
.Ltmp6:
0x74: {  	(pc) =	sbr.rel .LBB2_7-.Ltmp6, $4  }
0x75: {  	_ = 	snop  }
0x76: {  	s13 =	rddreg [dreg:$0xe]  }
0x77: {  	s13 =	sadd.s32 s8, s13  }
0x78: {  	[tilespmem:s24], [sflag:$0x3] =	stream.linear.gather [hbm4b:s13+s4], $0x100, $0x38;
	[tilespmem:$0x1E800] =	vst v63  }
.LBB2_6:
0x79: {  	p2 =	sgt.u32 s19, $0x7E  }
.Ltmp7:
0x7a: {  	_ = 	snop;
	(pc) =	sbr.rel @p2 .LBB2_8-.Ltmp7, $1  }
0x7b: {  	_ =	sdelay $0x3  }
.LBB2_7:
0x7c: {  	_ =	swait.ge [sflag:s25], $0x100  }
0x7d: {  	[sflag:s25] =	ssyncset.done $0x0  }
0x7e: {  	s13 =	simm.s32 $0x14000;
	[sflag:s25] =	ssyncadd.s32 $0xFFFFFF00  }
0x7f: {  	[tilespmem:s23], [sflag:$0x9] =	stream.indirect.gather [hbm4b:s1+s21], $0x80, s13, s21, $0xb8;
	[tilespmem:$0x1E800] =	vst v63  }
.LBB2_8:
0x80: {  	s13 =	simm.s32 @p1 $0xB;
	s14 =	simm.s32 @p1 $0x14680  }
0x81: {  	s15 =	simm.s32 @p1 $0x19800;
	s19 =	sadd.s32 $0xFFFFFFF6, s5;
	_ =	swait.ge @p1 [sflag:s13], $0x2800  }
0x82: {  	p2 =	sgt.u32 s19, $0x7C;
	s19 =	sadd.s32 $0xFFFFFFFC, s5;
	[sflag:s13] =	ssyncset.done @p1 $0x0  }
0x83: {  	p3 =	sgt.u32 s19, $0x7C;
	[sflag:s13] =	ssyncadd.s32 @p1 $0xFFFFD800;
	s13 =	simm.s32 @p1 $0x50  }
0x84: {  	[spmem:s2] =	stream.indirect.scatter.add.f32 @p1 [tilespmem:s15], [sflag:$0xF], $0x80, s14, s13, $0xb8;
	[tilespmem:$0x1E800] =	vst v63  }
.Ltmp8:
0x85: {  	_ = 	snop;
	(pc) =	sbr.rel @p3 .LBB2_10-.Ltmp8, $4  }
0x86: {  	s13 =	simm.s32 @!p2 $0xE  }
0x87: {  	_ =	swait.ge @!p2 [sflag:s13], $0x2800  }
0x88: {  	[sflag:s13] =	ssyncset.done @!p2 $0x0  }
0x89: {  	[sflag:s13] =	ssyncadd.s32 @!p2 $0xFFFFD800  }
.Ltmp9:
0x8a: {  	(pc) =	sbr.rel .LBB2_11-.Ltmp9, $4  }
0x8b: {  	_ = 	snop  }
0x8c: {  	s13 =	rddreg [dreg:$0xd]  }
0x8d: {  	s13 =	sadd.s32 s8, s13  }
0x8e: {  	[tilespmem:s28], [sflag:$0x4] =	stream.linear.gather [hbm4b:s13+s4], $0x100, $0x38;
	[tilespmem:$0x1E800] =	vst v63  }
.LBB2_10:
0x8f: {  	p2 =	sgt.u32 s19, $0x7E  }
.Ltmp10:
0x90: {  	_ = 	snop;
	(pc) =	sbr.rel @p2 .LBB2_12-.Ltmp10, $1  }
0x91: {  	_ =	sdelay $0x3  }
.LBB2_11:
0x92: {  	_ =	swait.ge [sflag:s29], $0x100  }
0x93: {  	[sflag:s29] =	ssyncset.done $0x0  }
0x94: {  	s13 =	simm.s32 $0x14100;
	[sflag:s29] =	ssyncadd.s32 $0xFFFFFF00  }
0x95: {  	[tilespmem:s31], [sflag:$0xA] =	stream.indirect.gather [hbm4b:s1+s21], $0x80, s13, s21, $0xb8;
	[tilespmem:$0x1E800] =	vst v63  }
.LBB2_12:
0x96: {  	p2 =	sgt.u32 @!p0 s19, $0x80  }
0x97: {  	p2 =	por p2, p0  }
0x98: {  	s13 =	simm.s32 @!p2 $0xC  }
0x99: {  	_ =	swait.ge @!p2 [sflag:s13], $0x2800  }
0x9a: {  	s19 =	sadd.s32 $0xFFFFFFFD, s5;
	s14 =	simm.s32 @!p2 $0x14780;
	[sflag:s13] =	ssyncset.done @!p2 $0x0  }
0x9b: {  	s15 =	simm.s32 @!p2 $0x1C000;
	[sflag:s13] =	ssyncadd.s32 @!p2 $0xFFFFD800;
	s13 =	simm.s32 @!p2 $0x50  }
0x9c: {  	[spmem:s2] =	stream.indirect.scatter.add.f32 @!p2 [tilespmem:s15], [sflag:$0x10], $0x80, s14, s13, $0xb8;
	[tilespmem:$0x1E800] =	vst v63  }
0x9d: {  	p2 =	sgt.u32 s19, $0x7C  }
.Ltmp11:
0x9e: {  	_ = 	snop;
	(pc) =	sbr.rel @p2 .LBB2_14-.Ltmp11, $4  }
0x9f: {  	s13 =	simm.s32 @p1 $0xF  }
0xa0: {  	_ =	swait.ge @p1 [sflag:s13], $0x2800  }
0xa1: {  	[sflag:s13] =	ssyncset.done @p1 $0x0  }
0xa2: {  	[sflag:s13] =	ssyncadd.s32 @p1 $0xFFFFD800  }
.Ltmp12:
0xa3: {  	(pc) =	sbr.rel .LBB2_15-.Ltmp12, $4  }
0xa4: {  	_ = 	snop  }
0xa5: {  	s13 =	rddreg [dreg:$0xc]  }
0xa6: {  	s14 =	simm.s32 $0x14400;
	s13 =	sadd.s32 s8, s13  }
0xa7: {  	[tilespmem:s14], [sflag:$0x5] =	stream.linear.gather [hbm4b:s13+s4], $0x100, $0x38;
	[tilespmem:$0x1E800] =	vst v63  }
.LBB2_14:
0xa8: {  	p1 =	sgt.u32 s19, $0x7E  }
.Ltmp13:
0xa9: {  	_ = 	snop;
	(pc) =	sbr.rel @p1 .LBB2_16-.Ltmp13, $1  }
0xaa: {  	_ =	sdelay $0x3  }
.LBB2_15:
0xab: {  	_ =	swait.ge [sflag:s3], $0x100  }
0xac: {  	[sflag:s3] =	ssyncset.done $0x0  }
0xad: {  	[sflag:s3] =	ssyncadd.s32 $0xFFFFFF00  }
0xae: {  	[tilespmem:s6], [sflag:$0xB] =	stream.indirect.gather [hbm4b:s1+s21], $0x80, s24, s21, $0xb8;
	[tilespmem:$0x1E800] =	vst v63  }
.LBB2_17:
0xaf: {  	_ =	swait.ge [sflag:s20], $0x2800  }
0xb0: {  	[sflag:s20] =	ssyncset.done $0x0  }
0xb1: {  	s13 =	simm.s32 $0x14080;
	[sflag:s20] =	ssyncadd.s32 $0xFFFFD800  }
0xb2: {  	[spmem:s2] =	stream.indirect.scatter.add.f32 [tilespmem:s23], [sflag:$0xD], $0x80, s13, s21, $0xb8;
	[tilespmem:$0x1E800] =	vst v63  }
.LBB2_18:
0xb3: {  	s19 =	sadd.s32 $0xFFFFFFFE, s5  }
0xb4: {  	p1 =	sgt.u32 @!p0 s19, $0x82  }
0xb5: {  	p0 =	por p1, p0;
	p1 =	sgt.u32 s19, $0x7C  }
.Ltmp14:
0xb6: {  	_ = 	snop;
	(pc) =	sbr.rel @p1 .LBB2_20-.Ltmp14, $4  }
0xb7: {  	s13 =	simm.s32 @!p0 $0x10  }
0xb8: {  	_ =	swait.ge @!p0 [sflag:s13], $0x2800  }
0xb9: {  	[sflag:s13] =	ssyncset.done @!p0 $0x0  }
0xba: {  	[sflag:s13] =	ssyncadd.s32 @!p0 $0xFFFFD800  }
.Ltmp15:
0xbb: {  	(pc) =	sbr.rel .LBB2_21-.Ltmp15, $4  }
0xbc: {  	_ = 	snop  }
0xbd: {  	s13 =	rddreg [dreg:$0xb]  }
0xbe: {  	s15 =	simm.s32 $0x14500;
	s13 =	sadd.s32 s8, s13  }
0xbf: {  	[tilespmem:s15], [sflag:$0x6] =	stream.linear.gather [hbm4b:s13+s4], $0x100, $0x38;
	[tilespmem:$0x1E800] =	vst v63  }
.LBB2_20:
0xc0: {  	p0 =	sgt.u32 s19, $0x7E  }
.Ltmp16:
0xc1: {  	_ = 	snop;
	(pc) =	sbr.rel @p0 .LBB2_22-.Ltmp16, $1  }
0xc2: {  	_ =	sdelay $0x3  }
.LBB2_21:
0xc3: {  	_ =	swait.ge [sflag:s9], $0x100  }
0xc4: {  	[sflag:s9] =	ssyncset.done $0x0  }
0xc5: {  	[sflag:s9] =	ssyncadd.s32 $0xFFFFFF00  }
0xc6: {  	[tilespmem:s7], [sflag:$0xC] =	stream.indirect.gather [hbm4b:s1+s21], $0x80, s28, s21, $0xb8;
	[tilespmem:$0x1E800] =	vst v63  }
.LBB2_23:
0xc7: {  	_ =	swait.ge [sflag:s18], $0x2800  }
0xc8: {  	[sflag:s18] =	ssyncset.done $0x0  }
0xc9: {  	s13 =	simm.s32 $0x14180;
	[sflag:s18] =	ssyncadd.s32 $0xFFFFD800  }
0xca: {  	[spmem:s2] =	stream.indirect.scatter.add.f32 [tilespmem:s31], [sflag:$0xE], $0x80, s13, s21, $0xb8;
	[tilespmem:$0x1E800] =	vst v63  }
.LBB2_24:
0xcb: {  	s19 =	sadd.s32 $0xFFFFFFFF, s5  }
0xcc: {  	p0 =	sgt.u32 s19, $0x82  }
.Ltmp17:
0xcd: {  	_ = 	snop;
	(pc) =	sbr.rel @p0 .LBB2_31-.Ltmp17, $1  }
0xce: {  	_ =	sdelay $0x3  }
0xcf: {  	p0 =	sgt.u32 s19, $0x7C  }
.Ltmp18:
0xd0: {  	_ = 	snop;
	(pc) =	sbr.rel @p0 .LBB2_27-.Ltmp18, $4  }
0xd1: {  	_ = 	snop  }
0xd2: {  	_ =	swait.ge [sflag:s11], $0x2800  }
0xd3: {  	[sflag:s11] =	ssyncset.done $0x0  }
0xd4: {  	[sflag:s11] =	ssyncadd.s32 $0xFFFFD800  }
.Ltmp19:
0xd5: {  	(pc) =	sbr.rel .LBB2_28-.Ltmp19, $4  }
0xd6: {  	_ = 	snop  }
0xd7: {  	s13 =	rddreg [dreg:$0xa]  }
0xd8: {  	s15 =	simm.s32 $0x14600;
	s13 =	sadd.s32 s8, s13  }
0xd9: {  	[tilespmem:s15], [sflag:$0x7] =	stream.linear.gather [hbm4b:s13+s4], $0x100, $0x38;
	[tilespmem:$0x1E800] =	vst v63  }
.LBB2_16:
0xda: {  	p1 =	sgt.u32 s19, $0x80  }
.Ltmp20:
0xdb: {  	_ = 	snop;
	(pc) =	sbr.rel @p1 .LBB2_18-.Ltmp20, $4  }
.Ltmp21:
0xdc: {  	_ = 	snop;
	(pc) =	sbr.rel @!p1 .LBB2_17-.Ltmp21, $4  }
0xdd: {  	_ = 	snop  }
0xde: {  	_ = 	snop  }
0xdf: {  	_ = 	snop  }
0xe0: {  	_ = 	snop  }
.LBB2_22:
0xe1: {  	p0 =	sgt.u32 s19, $0x80  }
.Ltmp22:
0xe2: {  	_ = 	snop;
	(pc) =	sbr.rel @p0 .LBB2_24-.Ltmp22, $4  }
.Ltmp23:
0xe3: {  	_ = 	snop;
	(pc) =	sbr.rel @!p0 .LBB2_23-.Ltmp23, $4  }
0xe4: {  	_ = 	snop  }
0xe5: {  	_ = 	snop  }
0xe6: {  	_ = 	snop  }
0xe7: {  	_ = 	snop  }
.LBB2_27:
0xe8: {  	p0 =	sgt.u32 s19, $0x7E  }
.Ltmp24:
0xe9: {  	_ = 	snop;
	(pc) =	sbr.rel @p0 .LBB2_29-.Ltmp24, $1  }
0xea: {  	_ =	sdelay $0x3  }
.LBB2_28:
0xeb: {  	_ =	swait.ge [sflag:s12], $0x100  }
0xec: {  	[sflag:s12] =	ssyncset.done $0x0  }
0xed: {  	s13 =	simm.s32 $0x14400;
	[sflag:s12] =	ssyncadd.s32 $0xFFFFFF00  }
0xee: {  	[tilespmem:s23], [sflag:$0x9] =	stream.indirect.gather [hbm4b:s1+s21], $0x80, s13, s21, $0xb8;
	[tilespmem:$0x1E800] =	vst v63  }
.LBB2_30:
0xef: {  	_ =	swait.ge [sflag:s22], $0x2800  }
0xf0: {  	[sflag:s22] =	ssyncset.done $0x0  }
0xf1: {  	s13 =	simm.s32 $0x14280;
	[sflag:s22] =	ssyncadd.s32 $0xFFFFD800  }
0xf2: {  	[spmem:s2] =	stream.indirect.scatter.add.f32 [tilespmem:s6], [sflag:$0xF], $0x80, s13, s21, $0xb8;
	[tilespmem:$0x1E800] =	vst v63  }
.LBB2_31:
0xf3: {  	p0 =	sgt.u32 s5, $0x82  }
.Ltmp25:
0xf4: {  	_ = 	snop;
	(pc) =	sbr.rel @p0 .LBB2_38-.Ltmp25, $1  }
0xf5: {  	_ =	sdelay $0x3  }
0xf6: {  	p0 =	sgt.u32 s5, $0x7C  }
.Ltmp26:
0xf7: {  	_ = 	snop;
	(pc) =	sbr.rel @!p0 .LBB2_33-.Ltmp26, $4  }
0xf8: {  	_ = 	snop  }
0xf9: {  	_ =	swait.ge [sflag:s26], $0x2800  }
0xfa: {  	[sflag:s26] =	ssyncset.done $0x0  }
0xfb: {  	[sflag:s26] =	ssyncadd.s32 $0xFFFFD800  }
0xfc: {  	p0 =	sgt.u32 s5, $0x7E  }
.Ltmp27:
0xfd: {  	_ = 	snop;
	(pc) =	sbr.rel @!p0 .LBB2_35-.Ltmp27, $1  }
0xfe: {  	_ =	sdelay $0x3  }
0xff: {  	p0 =	sgt.u32 s5, $0x80  }
.Ltmp28:
0x100: {  	_ = 	snop;
	(pc) =	sbr.rel @p0 .LBB2_38-.Ltmp28, $4  }
.Ltmp29:
0x101: {  	_ = 	snop;
	(pc) =	sbr.rel @!p0 .LBB2_37-.Ltmp29, $4  }
0x102: {  	_ = 	snop  }
0x103: {  	_ = 	snop  }
0x104: {  	_ = 	snop  }
0x105: {  	_ = 	snop  }
.LBB2_29:
0x106: {  	p0 =	sgt.u32 s19, $0x80  }
.Ltmp30:
0x107: {  	_ = 	snop;
	(pc) =	sbr.rel @p0 .LBB2_31-.Ltmp30, $4  }
.Ltmp31:
0x108: {  	_ = 	snop;
	(pc) =	sbr.rel @!p0 .LBB2_30-.Ltmp31, $4  }
0x109: {  	_ = 	snop  }
0x10a: {  	_ = 	snop  }
0x10b: {  	_ = 	snop  }
0x10c: {  	_ = 	snop  }
.LBB2_40:
0x10d: {  	_ =	sfence.sel $0x180000  }
0x10e: {  	[bflag:$0x0] =	sbarrier.arrive $0xFFFF  }
0x10f: {  	_ =	strace $0x90000047  }
0x110: {  	s0 =	stileid.u32;
	[bflag:$0x2] =	sbarrier.arrive $0xFFFF  }
0x111: {  	p0 =	sne.s32 s0, $0x0;
	s0 =	rddreg [dreg:$0x3]  }
0x112: {  	s0 =	sadd.s32 @!p0 $0x100000, s0  }
0x113: {  	[sflag:s0] =	ssyncadd.tile.s32 @!p0 $0x1;
	_ =	shalt  }
.Lfunc_end2:
_tile_overlayer_lowered:
.L_overlay_start_2:
0x114: {  	(tag) =	ssettag $0x2  }
0x115: {  	s0 =	rddreg [dreg:$0x0];
	s2 =	stileid.u32  }
0x116: {  	s1 =	rddreg [dreg:$0x1];
	p0 =	sne.s32 s2, $0x0  }
0x117: {  	s3 =	rddreg [dreg:$0x2];
	[bflag:$0x3] =	sbarrier.arrive $0xFFFF;
	s2 =	simm.s32 @!p0 $0x1C11  }
0x118: {  	[timem:s3], [sflag:s2] =	dma.local @!p0 [hbm:s0], s1  }
0x119: {  	s0 =	simm.s32 @!p0 $0x11  }
0x11a: {  	_ =	swait.ge @!p0 [sflag:s0], s1  }
0x11b: {  	s1 =	ssub.s32 @!p0 $0x0, s1;
	[sflag:s0] =	ssyncset.done @!p0 $0x0  }
0x11c: {  	[sflag:s0] =	ssyncadd.s32 @!p0 s1  }
0x11d: {  	[bflag:$0x3] =	sbarrier.arrive $0xFFFF  }
0x11e: {  	_ =	shalt  }

// kernel: kernel.9.cloned.1.call-start
scs
__scs_entry_jumppad:
0x0: {  	(pc) =	sbr.rel $0x88, $3  }
0x1: {  	(tag) =	ssettag $0x0;
	lr =	simm.s32 $0x1  }
0x2: {  	[smem:$0x3F97] =	sst lr;
	_ =	strace $0xD0000000  }
0x3: {  	_ = 	snop  }
0x4: {  	_ = 	snop  }
0x5: {  	_ = 	snop  }
0x6: {  	_ = 	snop  }
0x7: {  	_ = 	snop  }
__scs_overlays_trampoline_lowered:
0x8: {  	[smem:$0x3FA6] =	sst s0  }
0x9: {  	[smem:$0x3FA7] =	sst s1  }
0xa: {  	[smem:$0x3FA8] =	sst s2  }
0xb: {  	[smem:$0x3FA9] =	sst s3  }
0xc: {  	[smem:$0x3FAA] =	sst s4  }
0xd: {  	[smem:$0x3FAB] =	sst s5  }
0xe: {  	[smem:$0x3FAC] =	sst s6  }
0xf: {  	[smem:$0x3FAD] =	sst s7  }
0x10: {  	[smem:$0x3FAE] =	sst s8  }
0x11: {  	[smem:$0x3FAF] =	sst s9;
	s0 =	simm.s32 @!p0 $0x0  }
0x12: {  	s1 =	sld [smem:$0x3F95];
	s0 =	simm.s32 @p0 $0x1  }
0x13: {  	[smem:$0x3FB0] =	sst s0;
	s0 =	simm.s32 @!p1 $0x0  }
0x14: {  	s2 =	sld [smem:$0x3F94];
	s0 =	simm.s32 @p1 $0x1  }
0x15: {  	[smem:$0x3FB1] =	sst s0;
	s0 =	simm.s32 @!p2 $0x0  }
0x16: {  	s3 =	sld [smem:$0x3FDB];
	s0 =	simm.s32 @p2 $0x1  }
0x17: {  	s4 =	simm.s32 $0x1BF5;
	[smem:$0x3FB3] =	sst s0  }
0x18: {  	s0 =	sld [smem:$0x3F96];
	_ =	swait.ge [sflag:s4], $0x0  }
0x19: {  	s7 =	sld [smem:$0x3F97]  }
0x1a: {  	s8 =	sadd.s32 $0xFFFFE003, lr  }
0x1b: {  	s9 =	sadd.s32 $0xFFFFFEF7, lr;
	s5 =	simm.s32 $0xFFFFFFFF;
	p2 =	slt.u32 s8, $0xFFFFF086  }
0x1c: {  	p1 =	slt.u32 s9, $0xF7A;
	s5 =	simm.s32 @!p2 $0x0  }
0x1d: {  	s5 =	simm.s32 @p1 $0x1;
	p0 =	seq.s32 s7, s2  }
0x1e: {  	s7 =	smul.u32 @!p0 $0xF7A, s2;
	p2 =	seq.s32 @!p0 s5, $0x0  }
0x1f: {  	s9 =	smul.u32 $0xF7A, s1;
	s8 =	simm.s32 @!p0 $0x1BF5;
	p2 =	por !p2, p0  }
0x20: {  	[sflag:s8] =	ssyncset.s32 @!p0 $0xFFFFF086;
	s6 =	sadd.s32 @!p0 s3, s7;
	s7 =	simm.s32 @!p0 $0x108  }
0x21: {  	s3 =	sadd.s32 s3, s9;
	s6 =	sadd.s32 @!p0 $0x88, s6;
	s7 =	simm.s32 @p2 $0x1082  }
0x22: {  	[simem:s7], [sflag:s8] =	dma.local @!p0 [hbm:s6], $0xF7A  }
0x23: {  	s9 =	sor.u32 $0xD0000000, s2;
	s6 =	simm.s32 $0x108;
	_ =	swait.ge @!p0 [sflag:s8], $0x0  }
0x24: {  	s3 =	sadd.s32 $0x88, s3;
	s6 =	simm.s32 @!p1 $0x1082;
	[sflag:s4] =	ssyncset.s32 $0xFFFFF086  }
0x25: {  	[simem:s6], [sflag:s4] =	dma.local [hbm:s3], $0xF7A  }
0x26: {  	[smem:$0x3F97] =	sst s1;
	(tag) =	ssettag s2;
	_ =	strace s9  }
0x27: {  	s1 =	sld [smem:$0x3FA7]  }
0x28: {  	s2 =	sld [smem:$0x3FA8]  }
0x29: {  	s4 =	sld [smem:$0x3FAA]  }
0x2a: {  	p0 =	seq.s32 s5, $0x0;
	s5 =	sld [smem:$0x3FAB]  }
0x2b: {  	s6 =	sld [smem:$0x3FAC]  }
0x2c: {  	s7 =	sld [smem:$0x3FAD]  }
0x2d: {  	s3 =	simm.s32 $0x108;
	s8 =	sld [smem:$0x3FAE]  }
0x2e: {  	s3 =	simm.s32 @!p0 $0x1082;
	s9 =	sld [smem:$0x3FAF]  }
0x2f: {  	lr =	sadd.s32 s0, s3;
	s0 =	sld [smem:$0x3FA6]  }
0x30: {  	s3 =	sld [smem:$0x3FA9]  }
0x31: {  	[smem:$0x3FB2] =	sst s10  }
0x32: {  	s10 =	sld [smem:$0x3FB0];
	_ =	sdelay $0x3  }
0x33: {  	p0 =	seq.s32 s10, $0x1;
	s10 =	sld [smem:$0x3FB2];
	_ =	sdelay $0x3  }
0x34: {  	[smem:$0x3FB2] =	sst s10  }
0x35: {  	s10 =	sld [smem:$0x3FB1];
	_ =	sdelay $0x3  }
0x36: {  	p1 =	seq.s32 s10, $0x1;
	s10 =	sld [smem:$0x3FB2];
	_ =	sdelay $0x3  }
0x37: {  	[smem:$0x3FB2] =	sst s10  }
0x38: {  	s10 =	sld [smem:$0x3FB3]  }
0x39: {  	_ = 	snop;
	(pc) =	sbr.ind lr, $3  }
0x3a: {  	_ = 	snop  }
0x3b: {  	_ = 	snop  }
0x3c: {  	p2 =	seq.s32 s10, $0x1;
	s10 =	sld [smem:$0x3FB2]  }
0x3d: {  	_ =	shalt  }
0x3e: {  	_ =	shalt  }
0x3f: {  	_ =	shalt  }
0x40: {  	_ =	shalt  }
0x41: {  	_ =	shalt  }
0x42: {  	_ =	shalt  }
0x43: {  	_ =	shalt  }
0x44: {  	_ =	shalt  }
0x45: {  	_ =	shalt  }
0x46: {  	_ =	shalt  }
0x47: {  	_ =	shalt  }
0x48: {  	_ =	shalt  }
0x49: {  	_ =	shalt  }
0x4a: {  	_ =	shalt  }
0x4b: {  	_ =	shalt  }
0x4c: {  	_ =	shalt  }
0x4d: {  	_ =	shalt  }
0x4e: {  	_ =	shalt  }
0x4f: {  	_ =	shalt  }
0x50: {  	_ =	shalt  }
0x51: {  	_ =	shalt  }
0x52: {  	_ =	shalt  }
0x53: {  	_ =	shalt  }
0x54: {  	_ =	shalt  }
0x55: {  	_ =	shalt  }
0x56: {  	_ =	shalt  }
0x57: {  	_ =	shalt  }
0x58: {  	_ =	shalt  }
0x59: {  	_ =	shalt  }
0x5a: {  	_ =	shalt  }
0x5b: {  	_ =	shalt  }
0x5c: {  	_ =	shalt  }
0x5d: {  	_ =	shalt  }
0x5e: {  	_ =	shalt  }
0x5f: {  	_ =	shalt  }
0x60: {  	_ =	shalt  }
0x61: {  	_ =	shalt  }
0x62: {  	_ =	shalt  }
0x63: {  	_ =	shalt  }
0x64: {  	_ =	shalt  }
0x65: {  	_ =	shalt  }
0x66: {  	_ =	shalt  }
0x67: {  	_ =	shalt  }
0x68: {  	_ =	shalt  }
0x69: {  	_ =	shalt  }
0x6a: {  	_ =	shalt  }
0x6b: {  	_ =	shalt  }
0x6c: {  	_ =	shalt  }
0x6d: {  	_ =	shalt  }
0x6e: {  	_ =	shalt  }
0x6f: {  	_ =	shalt  }
0x70: {  	_ =	shalt  }
0x71: {  	_ =	shalt  }
0x72: {  	_ =	shalt  }
0x73: {  	_ =	shalt  }
0x74: {  	_ =	shalt  }
0x75: {  	_ =	shalt  }
0x76: {  	_ =	shalt  }
0x77: {  	_ =	shalt  }
0x78: {  	_ =	shalt  }
0x79: {  	_ =	shalt  }
0x7a: {  	_ =	shalt  }
0x7b: {  	_ =	shalt  }
0x7c: {  	_ =	shalt  }
0x7d: {  	_ =	shalt  }
0x7e: {  	_ =	shalt  }
0x7f: {  	_ =	shalt  }
0x80: {  	_ =	shalt  }
0x81: {  	_ =	shalt  }
0x82: {  	_ =	shalt  }
0x83: {  	_ =	shalt  }
0x84: {  	_ =	shalt  }
0x85: {  	_ =	shalt  }
0x86: {  	_ =	shalt  }
0x87: {  	_ =	shalt  }
.Lfunc_end0:
.L_simem_size_0:
called_computation.1_lowered:
.L_overlay_start_0:
0x88: {  	s2 =	sld [smem:$0x3FD9]  }
0x89: {  	s3 =	sld [smem:$0x3FFE];
	_ =	sdelay $0x1  }
0x8a: {  	s1 =	srdreg.scid  }
0x8b: {  	s0 =	sand.u32 $0x1, s1  }
0x8c: {  	s17 =	sshll.u32 s0, $0xA;
	s2 =	sadd.s32 s3, s2  }
0x8d: {  	s2 =	sadd.s32 s2, s17  }
0x8e: {  	[smem:$0x3FBE] =	sst s2  }
0x8f: {  	_ = 	snop  }
0x90: {  	s2 =	sld [smem:$0x3FD0];
	(tm) =	ssettm $0x1  }
0x91: {  	s18 =	sld [smem:$0x3FFB];
	_ =	sdelay $0x3  }
0x92: {  	_ =	strace s18  }
0x93: {  	s3 =	sld [smem:$0x3FFC];
	_ =	sdelay $0x3  }
0x94: {  	_ =	strace s3  }
0x95: {  	s3 =	sld [smem:$0x3FFD];
	_ =	sdelay $0x3  }
0x96: {  	_ =	strace s3  }
0x97: {  	_ =	strace $0x8FFFFFFF  }
0x98: {  	s19 =	sld [smem:$0x3FDB];
	_ =	sdelay $0x1  }
0x99: {  	s4 =	simm.s32 $_scs_section_size  }
0x9a: {  	s5 =	simm.s32 $_size__tile_overlayer_lowered;
	s6 =	simm.s32 $_tile_overlayer_lowered  }
0x9b: {  	s22 =	simm.s32 $0x1BFF;
	s21 =	sshll.u32 s6, $0x1;
	s3 =	sadd.s32 s4, s19  }
0x9c: {  	s7 =	simm.s32 $0x0;
	s20 =	sshll.u32 s5, $0x1;
	s5 =	sadd.s32 s21, s3  }
0x9d: {  	[timem:s7], [sflag:s22] =	dma.local [hbm:s5], s20  }
0x9e: {  	_ =	swait.ge [sflag:s22], s20  }
0x9f: {  	s4 =	ssub.s32 $0x0, s20;
	[sflag:s22] =	ssyncset.done $0x0  }
0xa0: {  	[sflag:s22] =	ssyncadd.s32 s4;
	_ =	sdelay $0x1  }
0xa1: {  	s23 =	simm.s32 $0x1B8B  }
0xa2: {  	_ =	swait.ge [sflag:s23], $0x1  }
0xa3: {  	[sflag:s23] =	ssyncset.done $0x0  }
0xa4: {  	s25 =	simm.s32 $0x1B8E;
	s24 =	sld [smem:$0x3FFE];
	[sflag:s23] =	ssyncadd.s32 $0xFFFFFFFF  }
0xa5: {  	s26 =	simm.s32 $execute0_lowered;
	[smem:$0x3FD2] =	sst s25  }
0xa6: {  	s5 =	sshll.u32 s26, $0x1;
	_ =	strace $0x80000049;
	[dreg:$0x1] =	wrdreg $0xFFFFFFFF  }
0xa7: {  	s28 =	simm.s32 $_size_execute0_lowered;
	s3 =	sadd.s32 s3, s5;
	[dreg:$0x0] =	wrdreg $0x0  }
0xa8: {  	s5 =	sshll.u32 s28, $0x1;
	[dreg:$0x2] =	wrdreg s3  }
0xa9: {  	[dreg:$0x3] =	wrdreg s5  }
0xaa: {  	[dreg:$0x4] =	wrdreg $0xC0  }
0xab: {  	_ =	task [dreg:s7], $0x5FFFF  }
0xac: {  	[dreg:$0x1] =	wrdreg $0xFFFFFFFF  }
0xad: {  	[dreg:$0x0] =	wrdreg $0x60  }
0xae: {  	[dreg:$0x2] =	wrdreg s2  }
0xaf: {  	[dreg:$0x3] =	wrdreg s24  }
0xb0: {  	[dreg:$0x4] =	wrdreg $0x0  }
0xb1: {  	[dreg:$0x5] =	wrdreg $0x9  }
0xb2: {  	_ =	task.clear_ibuf [dreg:s7], $0x6FFFF;
	_ =	strace $0x90000049  }
0xb3: {  	s29 =	simm.s32 $0x9;
	_ =	strace $0x8000004B  }
0xb4: {  	_ =	swait.ge [sflag:s29], $0x1  }
0xb5: {  	[sflag:s29] =	ssyncadd.s32 $0xFFFFFFFF  }
0xb6: {  	_ =	strace $0x9000004B  }
0xb7: {  	_ =	sfence  }
0xb8: {  	s30 =	sld [smem:$0x0];
	_ =	sdelay $0x2  }
0xb9: {  	s31 =	sshll.u32 s1, $0xD;
	s1 =	sshrl.u32 s1, $0x2  }
0xba: {  	s3 =	sand.u32 $0x4000, s31;
	s1 =	sadd.s32 s1, s30  }
0xbb: {  	s0 =	sor.u32 s3, s0;
	s1 =	sshll.u32 s1, $0x11  }
0xbc: {  	s0 =	sor.u32 s1, s0  }
0xbd: {  	s0 =	sadd.s32 $0x8F2B, s0  }
0xbe: {  	[sflag:s0] =	ssyncadd.remote.s32 $0x1  }
0xbf: {  	_ =	sfence.sel $0xFFFF  }
0xc0: {  	[dreg:$0x0] =	wrdreg $0xFFFFFFFF;
	(pc) =	sbr.abs _section_cstart, $3  }
0xc1: {  	[dreg:$0x1] =	wrdreg $0xFFFFFFFF  }
0xc2: {  	_ =	task.clear_ibuf [dreg:s7], $0x2FFFF;
	_ =	strace $0x9FFFFFFF  }
0xc3: {  	(tm) =	ssettm $0x7FFFFFFF  }
tec
execute0_lowered:
.L_overlay_start_1:
0x0: {  	(tag) =	ssettag $0x1  }
0x1: {  	s1 =	rddreg [dreg:$0x0]  }
0x2: {  	s0 =	rddreg [dreg:$0x1]  }
0x3: {  	s2 =	rddreg [dreg:$0x2];
	s4 =	simm.s32 $0x0;
	s3 =	srdreg.scid  }
0x4: {  	s10 =	stileid.u32;
	s28 =	simm.s32 $0x14300;
	s29 =	simm.s32 $0x2  }
0x5: {  	s31 =	simm.s32 $0x17000;
	s11 =	simm.s32 $0xD;
	s30 =	simm.s32 $0x6  }
0x6: {  	[smem:$0x7FF] =	sst s4;
	s3 =	sand.u32 $0x1, s3;
	s6 =	smul.u32 $0x14000, s10  }
0x7: {  	s7 =	sadd.s32 $0x2400, s0;
	s12 =	sadd.s32 $0x21800, s0;
	s13 =	smul.u32 $0x50000, s10  }
0x8: {  	s9 =	smul.u32 $0x7D00, s10;
	_ =	strace $0x8000004A;
	[dreg:$0x4] =	wrdreg s7  }
0x9: {  	s17 =	sshll.u32 s10, $0x6;
	s5 =	smul.u32 $0x140000, s3;
	[dreg:$0x5] =	wrdreg s12  }
0xa: {  	s14 =	ssub.s32 $0x2, s3;
	s3 =	smul.u32 $0x7D000, s3;
	s7 =	simm.s32 $0x1C000  }
0xb: {  	s12 =	simm.s32 $0x5;
	s8 =	sshrl.u32 s14, $0x1;
	s16 =	sshrl.u32 s13, $0x2  }
0xc: {  	s13 =	simm.s32 $0x0;
	s5 =	sadd.s32 s6, s5;
	s15 =	ssub.s32 s14, s8  }
0xd: {  	s6 =	sadd.s32 s16, s2;
	s3 =	sadd.s32 s9, s3;
	s8 =	sor.u32 $0x1C11, s17  }
0xe: {  	s9 =	simm.s32 $0x4;
	s5 =	sshrl.u32 s5, $0x3;
	s18 =	sadd.s32 $0x700, s3  }
0xf: {  	s10 =	sshrl.u32 s3, $0x3;
	s19 =	sadd.s32 $0x600, s3;
	s20 =	sadd.s32 $0x500, s3  }
0x10: {  	s21 =	sadd.s32 $0x400, s3;
	s24 =	sadd.s32 $0x300, s3;
	s25 =	sadd.s32 $0x200, s3  }
0x11: {  	s3 =	sadd.s32 $0x100, s3;
	s16 =	sshrl.u32 s6, $0x3;
	s6 =	simm.s32 $0x19800  }
0x12: {  	[dreg:$0x6] =	wrdreg s8;
	s0 =	sadd.s32 s5, s0;
	s5 =	smax.u32 s15, $0x1  }
0x13: {  	s22 =	sshrl.u32 s20, $0x3;
	s23 =	sshrl.u32 s21, $0x3;
	s26 =	sshrl.u32 s25, $0x3  }
0x14: {  	s17 =	sshrl.u32 s3, $0x3;
	s20 =	simm.s32 $0x9;
	[dreg:$0x8] =	wrdreg s5  }
0x15: {  	s21 =	simm.s32 $0x50;
	s25 =	simm.s32 $0x1;
	[dreg:$0xb] =	wrdreg s22  }
0x16: {  	s3 =	simm.s32 $0x3;
	s0 =	sadd.s32 $0x24000, s0;
	[dreg:$0xc] =	wrdreg s23  }
.Ltmp0:
0x17: {  	[dreg:$0xe] =	wrdreg s26;
	s23 =	simm.s32 $0x14800;
	(pc) =	sbr.rel .LBB2_1-.Ltmp0, $4  }
0x18: {  	s22 =	simm.s32 $0xB;
	[dreg:$0x7] =	wrdreg s0;
	s0 =	sshrl.u32 s18, $0x3  }
0x19: {  	s26 =	simm.s32 $0xE;
	[dreg:$0x9] =	wrdreg s0;
	s0 =	sshrl.u32 s19, $0x3  }
0x1a: {  	s18 =	simm.s32 $0xA;
	[dreg:$0xa] =	wrdreg s0;
	s0 =	sshrl.u32 s24, $0x3  }
0x1b: {  	s24 =	simm.s32 $0x14200;
	[dreg:$0xd] =	wrdreg s0;
	s0 =	simm.s32 $0xC  }
.LBB2_39:
0x1c: {  	[bflag:$0x0] =	sbarrier.arrive $0xFFFF  }
0x1d: {  	s8 =	rddreg [dreg:$0x6]  }
0x1e: {  	s14 =	simm.s32 $0x11;
	s5 =	rddreg [dreg:$0x7]  }
0x1f: {  	[hbm:s5], [sflag:s8] =	dma.local [spmem:s16], $0x2800  }
0x20: {  	_ =	swait.ge [sflag:s14], $0x2800  }
0x21: {  	s13 =	rddreg [dreg:$0xf]  }
0x22: {  	s15 =	rddreg [dreg:$0x8];
	s13 =	sadd.s32 $0x1, s13  }
0x23: {  	p0 =	sne.s32 s13, s15  }
.Ltmp1:
0x24: {  	_ = 	snop;
	(pc) =	sbr.rel @!p0 .LBB2_40-.Ltmp1, $3  }
0x25: {  	_ =	sdelay $0x1  }
0x26: {  	s19 =	simm.s32 $0x11;
	[sflag:s14] =	ssyncset.done $0x0  }
0x27: {  	[sflag:s19] =	ssyncadd.s32 $0xFFFFD800  }
.LBB2_1:
0x28: {  	[dreg:$0xf] =	wrdreg s13  }
0x29: {  	s19 =	simm.s32 $0x11;
	s5 =	rddreg [dreg:$0x5]  }
0x2a: {  	[spmem:s16], [sflag:s8] =	dma.local [hbm:s5], $0x2800  }
.Ltmp2:
0x2b: {  	_ =	swait.ge [sflag:s19], $0x2800;
	(pc) =	sbr.rel .LBB2_2-.Ltmp2, $4  }
0x2c: {  	[sflag:s19] =	ssyncset.done $0x0  }
0x2d: {  	[sflag:s19] =	ssyncadd.s32 $0xFFFFD800  }
0x2e: {  	[bflag:$0x0] =	sbarrier.arrive $0xFFFF  }
0x2f: {  	s5 =	simm.s32 $0x7;
	s8 =	rddreg [dreg:$0x4]  }
.LBB2_33:
0x30: {  	s13 =	rddreg [dreg:$0x9]  }
0x31: {  	s15 =	simm.s32 $0x14700;
	s13 =	sadd.s32 s8, s13  }
0x32: {  	[tilespmem:s15], [sflag:$0x8] =	stream.linear.gather [hbm4b:s13+s4], $0x100, $0x38;
	[tilespmem:$0x1E800] =	vst v63  }
.LBB2_35:
0x33: {  	_ =	swait.ge [sflag:s30], $0x100  }
0x34: {  	[sflag:s30] =	ssyncset.done $0x0  }
0x35: {  	s13 =	simm.s32 $0x14500;
	[sflag:s30] =	ssyncadd.s32 $0xFFFFFF00  }
0x36: {  	[tilespmem:s31], [sflag:$0xA] =	stream.indirect.gather [hbm4b:s1+s21], $0x80, s13, s21, $0xb8;
	[tilespmem:$0x1E800] =	vst v63  }
.LBB2_37:
0x37: {  	_ =	swait.ge [sflag:s0], $0x2800  }
0x38: {  	[sflag:s0] =	ssyncset.done $0x0  }
0x39: {  	s13 =	simm.s32 $0x14380;
	[sflag:s0] =	ssyncadd.s32 $0xFFFFD800  }
0x3a: {  	[spmem:s2] =	stream.indirect.scatter.add.f32 [tilespmem:s7], [sflag:$0x10], $0x80, s13, s21, $0xb8;
	[tilespmem:$0x1E800] =	vst v63  }
.LBB2_38:
0x3b: {  	s5 =	sadd.s32 $0x8, s5  }
0x3c: {  	p0 =	sne.s32 s5, $0x8F  }
.Ltmp3:
0x3d: {  	_ = 	snop;
	(pc) =	sbr.rel @!p0 .LBB2_39-.Ltmp3, $2  }
0x3e: {  	_ =	sdelay $0x2  }
0x3f: {  	s8 =	sadd.s32 $0x100, s8  }
.LBB2_2:
0x40: {  	s19 =	sadd.s32 $0xFFFFFFF3, s5  }
0x41: {  	p0 =	sgt.u32 s19, $0x7C  }
0x42: {  	s19 =	simm.s32 @!p0 $0xF  }
0x43: {  	_ =	swait.ge @!p0 [sflag:s19], $0x2800  }
0x44: {  	[sflag:s19] =	ssyncset.done @!p0 $0x0  }
0x45: {  	[sflag:s19] =	ssyncadd.s32 @!p0 $0xFFFFD800;
	p0 =	seq.s32 s5, $0x87  }
0x46: {  	s19 =	sadd.s32 @!p0 s8, s10;
	s13 =	simm.s32 @!p0 $0x0;
	s14 =	simm.s32 @!p0 $0x14000  }
0x47: {  	[tilespmem:s14], [sflag:$0x1] =	stream.linear.gather @!p0 [hbm4b:s19+s13], $0x100, $0x38;
	[tilespmem:$0x1E800] =	vst v63  }
0x48: {  	s13 =	sadd.s32 @!p0 $0xFFFFFFF7, s5  }
0x49: {  	p1 =	sgt.u32 @!p0 s13, $0x7C  }
0x4a: {  	p1 =	por p1, p0  }
0x4b: {  	s14 =	simm.s32 @!p1 $0x7  }
0x4c: {  	_ =	swait.ge @!p1 [sflag:s14], $0x100  }
0x4d: {  	s19 =	simm.s32 @!p1 $0x14600;
	[sflag:s14] =	ssyncset.done @!p1 $0x0  }
0x4e: {  	s15 =	simm.s32 @!p1 $0x19800;
	[sflag:s14] =	ssyncadd.s32 @!p1 $0xFFFFFF00;
	s14 =	simm.s32 @!p1 $0x50  }
0x4f: {  	[tilespmem:s15], [sflag:$0xB] =	stream.indirect.gather @!p1 [hbm4b:s1+s14], $0x80, s19, s14, $0xb8;
	[tilespmem:$0x1E800] =	vst v63  }
0x50: {  	s14 =	sadd.s32 @!p0 $0xFFFFFFF5, s5  }
0x51: {  	p1 =	sgt.u32 @!p0 s14, $0x7C  }
0x52: {  	p3 =	por p0, !p1  }
.Ltmp4:
0x53: {  	_ = 	snop;
	(pc) =	sbr.rel @!p3 .LBB2_4-.Ltmp4, $2  }
0x54: {  	_ =	sdelay $0x2  }
0x55: {  	p2 =	por @!p0 $0x0, $0x0;
	p1 =	slt.u32 @!p0 s13, $0x7D  }
0x56: {  	_ =	swait.ge [sflag:s20], $0x2800;
	p3 =	por $0x0, $0x0  }
0x57: {  	s13 =	simm.s32 $0x14480;
	[sflag:s20] =	ssyncset.done $0x0;
	p3 =	por @!p0 p1, p1  }
0x58: {  	p2 =	por $0x1, $0x1;
	[sflag:s20] =	ssyncadd.s32 $0xFFFFD800;
	p1 =	por p3, p3  }
0x59: {  	[spmem:s2] =	stream.indirect.scatter.add.f32 [tilespmem:s23], [sflag:$0xD], $0x80, s13, s21, $0xb8;
	[tilespmem:$0x1E800] =	vst v63  }
.LBB2_4:
0x5a: {  	p0 =	seq.s32 s5, $0x7  }
0x5b: {  	s14 =	sadd.s32 $0xFFFFFFFA, s5;
	s13 =	simm.s32 @!p0 $0x10  }
0x5c: {  	p3 =	sgt.u32 s14, $0x7C;
	_ =	swait.ge @!p0 [sflag:s13], $0x2800  }
0x5d: {  	s15 =	simm.s32 @!p3 $0x0;
	[sflag:s13] =	ssyncset.done @!p0 $0x0  }
0x5e: {  	s19 =	simm.s32 @!p3 $0x14100;
	[sflag:s13] =	ssyncadd.s32 @!p0 $0xFFFFD800;
	s13 =	sadd.s32 @!p3 s8, s17  }
0x5f: {  	[tilespmem:s19], [sflag:$0x2] =	stream.linear.gather @!p3 [hbm4b:s13+s15], $0x100, $0x38;
	[tilespmem:$0x1E800] =	vst v63  }
0x60: {  	p3 =	sgt.u32 @!p0 s14, $0x7E  }
0x61: {  	p3 =	por p3, p0  }
0x62: {  	s13 =	simm.s32 @!p3 $0x8  }
0x63: {  	_ =	swait.ge @!p3 [sflag:s13], $0x100  }
0x64: {  	s15 =	simm.s32 @!p3 $0x14700;
	[sflag:s13] =	ssyncset.done @!p3 $0x0  }
0x65: {  	s19 =	simm.s32 @!p3 $0x1C000;
	[sflag:s13] =	ssyncadd.s32 @!p3 $0xFFFFFF00;
	s13 =	simm.s32 @!p3 $0x50  }
0x66: {  	[tilespmem:s19], [sflag:$0xC] =	stream.indirect.gather @!p3 [hbm4b:s1+s13], $0x80, s15, s13, $0xb8;
	[tilespmem:$0x1E800] =	vst v63  }
0x67: {  	p3 =	sgt.u32 @!p0 s14, $0x80  }
0x68: {  	p3 =	por p3, p0  }
0x69: {  	s13 =	simm.s32 @!p3 $0xA  }
0x6a: {  	_ =	swait.ge @!p3 [sflag:s13], $0x2800  }
0x6b: {  	s19 =	sadd.s32 $0xFFFFFFFB, s5;
	s14 =	simm.s32 @!p3 $0x14580;
	[sflag:s13] =	ssyncset.done @!p3 $0x0  }
0x6c: {  	s15 =	simm.s32 @!p3 $0x17000;
	[sflag:s13] =	ssyncadd.s32 @!p3 $0xFFFFD800;
	s13 =	simm.s32 @!p3 $0x50  }
0x6d: {  	[spmem:s2] =	stream.indirect.scatter.add.f32 @!p3 [tilespmem:s15], [sflag:$0xE], $0x80, s14, s13, $0xb8;
	[tilespmem:$0x1E800] =	vst v63  }
0x6e: {  	p3 =	sgt.u32 s19, $0x7C  }
.Ltmp5:
0x6f: {  	_ = 	snop;
	(pc) =	sbr.rel @p3 .LBB2_6-.Ltmp5, $4  }
0x70: {  	s13 =	simm.s32 @p2 $0xD  }
0x71: {  	_ =	swait.ge @p2 [sflag:s13], $0x2800  }
0x72: {  	[sflag:s13] =	ssyncset.done @p2 $0x0  }
0x73: {  	[sflag:s13] =	ssyncadd.s32 @p2 $0xFFFFD800  }
.Ltmp6:
0x74: {  	(pc) =	sbr.rel .LBB2_7-.Ltmp6, $4  }
0x75: {  	_ = 	snop  }
0x76: {  	s13 =	rddreg [dreg:$0xe]  }
0x77: {  	s13 =	sadd.s32 s8, s13  }
0x78: {  	[tilespmem:s24], [sflag:$0x3] =	stream.linear.gather [hbm4b:s13+s4], $0x100, $0x38;
	[tilespmem:$0x1E800] =	vst v63  }
.LBB2_6:
0x79: {  	p2 =	sgt.u32 s19, $0x7E  }
.Ltmp7:
0x7a: {  	_ = 	snop;
	(pc) =	sbr.rel @p2 .LBB2_8-.Ltmp7, $1  }
0x7b: {  	_ =	sdelay $0x3  }
.LBB2_7:
0x7c: {  	_ =	swait.ge [sflag:s25], $0x100  }
0x7d: {  	[sflag:s25] =	ssyncset.done $0x0  }
0x7e: {  	s13 =	simm.s32 $0x14000;
	[sflag:s25] =	ssyncadd.s32 $0xFFFFFF00  }
0x7f: {  	[tilespmem:s23], [sflag:$0x9] =	stream.indirect.gather [hbm4b:s1+s21], $0x80, s13, s21, $0xb8;
	[tilespmem:$0x1E800] =	vst v63  }
.LBB2_8:
0x80: {  	s13 =	simm.s32 @p1 $0xB;
	s14 =	simm.s32 @p1 $0x14680  }
0x81: {  	s15 =	simm.s32 @p1 $0x19800;
	s19 =	sadd.s32 $0xFFFFFFF6, s5;
	_ =	swait.ge @p1 [sflag:s13], $0x2800  }
0x82: {  	p2 =	sgt.u32 s19, $0x7C;
	s19 =	sadd.s32 $0xFFFFFFFC, s5;
	[sflag:s13] =	ssyncset.done @p1 $0x0  }
0x83: {  	p3 =	sgt.u32 s19, $0x7C;
	[sflag:s13] =	ssyncadd.s32 @p1 $0xFFFFD800;
	s13 =	simm.s32 @p1 $0x50  }
0x84: {  	[spmem:s2] =	stream.indirect.scatter.add.f32 @p1 [tilespmem:s15], [sflag:$0xF], $0x80, s14, s13, $0xb8;
	[tilespmem:$0x1E800] =	vst v63  }
.Ltmp8:
0x85: {  	_ = 	snop;
	(pc) =	sbr.rel @p3 .LBB2_10-.Ltmp8, $4  }
0x86: {  	s13 =	simm.s32 @!p2 $0xE  }
0x87: {  	_ =	swait.ge @!p2 [sflag:s13], $0x2800  }
0x88: {  	[sflag:s13] =	ssyncset.done @!p2 $0x0  }
0x89: {  	[sflag:s13] =	ssyncadd.s32 @!p2 $0xFFFFD800  }
.Ltmp9:
0x8a: {  	(pc) =	sbr.rel .LBB2_11-.Ltmp9, $4  }
0x8b: {  	_ = 	snop  }
0x8c: {  	s13 =	rddreg [dreg:$0xd]  }
0x8d: {  	s13 =	sadd.s32 s8, s13  }
0x8e: {  	[tilespmem:s28], [sflag:$0x4] =	stream.linear.gather [hbm4b:s13+s4], $0x100, $0x38;
	[tilespmem:$0x1E800] =	vst v63  }
.LBB2_10:
0x8f: {  	p2 =	sgt.u32 s19, $0x7E  }
.Ltmp10:
0x90: {  	_ = 	snop;
	(pc) =	sbr.rel @p2 .LBB2_12-.Ltmp10, $1  }
0x91: {  	_ =	sdelay $0x3  }
.LBB2_11:
0x92: {  	_ =	swait.ge [sflag:s29], $0x100  }
0x93: {  	[sflag:s29] =	ssyncset.done $0x0  }
0x94: {  	s13 =	simm.s32 $0x14100;
	[sflag:s29] =	ssyncadd.s32 $0xFFFFFF00  }
0x95: {  	[tilespmem:s31], [sflag:$0xA] =	stream.indirect.gather [hbm4b:s1+s21], $0x80, s13, s21, $0xb8;
	[tilespmem:$0x1E800] =	vst v63  }
.LBB2_12:
0x96: {  	p2 =	sgt.u32 @!p0 s19, $0x80  }
0x97: {  	p2 =	por p2, p0  }
0x98: {  	s13 =	simm.s32 @!p2 $0xC  }
0x99: {  	_ =	swait.ge @!p2 [sflag:s13], $0x2800  }
0x9a: {  	s19 =	sadd.s32 $0xFFFFFFFD, s5;
	s14 =	simm.s32 @!p2 $0x14780;
	[sflag:s13] =	ssyncset.done @!p2 $0x0  }
0x9b: {  	s15 =	simm.s32 @!p2 $0x1C000;
	[sflag:s13] =	ssyncadd.s32 @!p2 $0xFFFFD800;
	s13 =	simm.s32 @!p2 $0x50  }
0x9c: {  	[spmem:s2] =	stream.indirect.scatter.add.f32 @!p2 [tilespmem:s15], [sflag:$0x10], $0x80, s14, s13, $0xb8;
	[tilespmem:$0x1E800] =	vst v63  }
0x9d: {  	p2 =	sgt.u32 s19, $0x7C  }
.Ltmp11:
0x9e: {  	_ = 	snop;
	(pc) =	sbr.rel @p2 .LBB2_14-.Ltmp11, $4  }
0x9f: {  	s13 =	simm.s32 @p1 $0xF  }
0xa0: {  	_ =	swait.ge @p1 [sflag:s13], $0x2800  }
0xa1: {  	[sflag:s13] =	ssyncset.done @p1 $0x0  }
0xa2: {  	[sflag:s13] =	ssyncadd.s32 @p1 $0xFFFFD800  }
.Ltmp12:
0xa3: {  	(pc) =	sbr.rel .LBB2_15-.Ltmp12, $4  }
0xa4: {  	_ = 	snop  }
0xa5: {  	s13 =	rddreg [dreg:$0xc]  }
0xa6: {  	s14 =	simm.s32 $0x14400;
	s13 =	sadd.s32 s8, s13  }
0xa7: {  	[tilespmem:s14], [sflag:$0x5] =	stream.linear.gather [hbm4b:s13+s4], $0x100, $0x38;
	[tilespmem:$0x1E800] =	vst v63  }
.LBB2_14:
0xa8: {  	p1 =	sgt.u32 s19, $0x7E  }
.Ltmp13:
0xa9: {  	_ = 	snop;
	(pc) =	sbr.rel @p1 .LBB2_16-.Ltmp13, $1  }
0xaa: {  	_ =	sdelay $0x3  }
.LBB2_15:
0xab: {  	_ =	swait.ge [sflag:s3], $0x100  }
0xac: {  	[sflag:s3] =	ssyncset.done $0x0  }
0xad: {  	[sflag:s3] =	ssyncadd.s32 $0xFFFFFF00  }
0xae: {  	[tilespmem:s6], [sflag:$0xB] =	stream.indirect.gather [hbm4b:s1+s21], $0x80, s24, s21, $0xb8;
	[tilespmem:$0x1E800] =	vst v63  }
.LBB2_17:
0xaf: {  	_ =	swait.ge [sflag:s20], $0x2800  }
0xb0: {  	[sflag:s20] =	ssyncset.done $0x0  }
0xb1: {  	s13 =	simm.s32 $0x14080;
	[sflag:s20] =	ssyncadd.s32 $0xFFFFD800  }
0xb2: {  	[spmem:s2] =	stream.indirect.scatter.add.f32 [tilespmem:s23], [sflag:$0xD], $0x80, s13, s21, $0xb8;
	[tilespmem:$0x1E800] =	vst v63  }
.LBB2_18:
0xb3: {  	s19 =	sadd.s32 $0xFFFFFFFE, s5  }
0xb4: {  	p1 =	sgt.u32 @!p0 s19, $0x82  }
0xb5: {  	p0 =	por p1, p0;
	p1 =	sgt.u32 s19, $0x7C  }
.Ltmp14:
0xb6: {  	_ = 	snop;
	(pc) =	sbr.rel @p1 .LBB2_20-.Ltmp14, $4  }
0xb7: {  	s13 =	simm.s32 @!p0 $0x10  }
0xb8: {  	_ =	swait.ge @!p0 [sflag:s13], $0x2800  }
0xb9: {  	[sflag:s13] =	ssyncset.done @!p0 $0x0  }
0xba: {  	[sflag:s13] =	ssyncadd.s32 @!p0 $0xFFFFD800  }
.Ltmp15:
0xbb: {  	(pc) =	sbr.rel .LBB2_21-.Ltmp15, $4  }
0xbc: {  	_ = 	snop  }
0xbd: {  	s13 =	rddreg [dreg:$0xb]  }
0xbe: {  	s15 =	simm.s32 $0x14500;
	s13 =	sadd.s32 s8, s13  }
0xbf: {  	[tilespmem:s15], [sflag:$0x6] =	stream.linear.gather [hbm4b:s13+s4], $0x100, $0x38;
	[tilespmem:$0x1E800] =	vst v63  }
.LBB2_20:
0xc0: {  	p0 =	sgt.u32 s19, $0x7E  }
.Ltmp16:
0xc1: {  	_ = 	snop;
	(pc) =	sbr.rel @p0 .LBB2_22-.Ltmp16, $1  }
0xc2: {  	_ =	sdelay $0x3  }
.LBB2_21:
0xc3: {  	_ =	swait.ge [sflag:s9], $0x100  }
0xc4: {  	[sflag:s9] =	ssyncset.done $0x0  }
0xc5: {  	[sflag:s9] =	ssyncadd.s32 $0xFFFFFF00  }
0xc6: {  	[tilespmem:s7], [sflag:$0xC] =	stream.indirect.gather [hbm4b:s1+s21], $0x80, s28, s21, $0xb8;
	[tilespmem:$0x1E800] =	vst v63  }
.LBB2_23:
0xc7: {  	_ =	swait.ge [sflag:s18], $0x2800  }
0xc8: {  	[sflag:s18] =	ssyncset.done $0x0  }
0xc9: {  	s13 =	simm.s32 $0x14180;
	[sflag:s18] =	ssyncadd.s32 $0xFFFFD800  }
0xca: {  	[spmem:s2] =	stream.indirect.scatter.add.f32 [tilespmem:s31], [sflag:$0xE], $0x80, s13, s21, $0xb8;
	[tilespmem:$0x1E800] =	vst v63  }
.LBB2_24:
0xcb: {  	s19 =	sadd.s32 $0xFFFFFFFF, s5  }
0xcc: {  	p0 =	sgt.u32 s19, $0x82  }
.Ltmp17:
0xcd: {  	_ = 	snop;
	(pc) =	sbr.rel @p0 .LBB2_31-.Ltmp17, $1  }
0xce: {  	_ =	sdelay $0x3  }
0xcf: {  	p0 =	sgt.u32 s19, $0x7C  }
.Ltmp18:
0xd0: {  	_ = 	snop;
	(pc) =	sbr.rel @p0 .LBB2_27-.Ltmp18, $4  }
0xd1: {  	_ = 	snop  }
0xd2: {  	_ =	swait.ge [sflag:s11], $0x2800  }
0xd3: {  	[sflag:s11] =	ssyncset.done $0x0  }
0xd4: {  	[sflag:s11] =	ssyncadd.s32 $0xFFFFD800  }
.Ltmp19:
0xd5: {  	(pc) =	sbr.rel .LBB2_28-.Ltmp19, $4  }
0xd6: {  	_ = 	snop  }
0xd7: {  	s13 =	rddreg [dreg:$0xa]  }
0xd8: {  	s15 =	simm.s32 $0x14600;
	s13 =	sadd.s32 s8, s13  }
0xd9: {  	[tilespmem:s15], [sflag:$0x7] =	stream.linear.gather [hbm4b:s13+s4], $0x100, $0x38;
	[tilespmem:$0x1E800] =	vst v63  }
.LBB2_16:
0xda: {  	p1 =	sgt.u32 s19, $0x80  }
.Ltmp20:
0xdb: {  	_ = 	snop;
	(pc) =	sbr.rel @p1 .LBB2_18-.Ltmp20, $4  }
.Ltmp21:
0xdc: {  	_ = 	snop;
	(pc) =	sbr.rel @!p1 .LBB2_17-.Ltmp21, $4  }
0xdd: {  	_ = 	snop  }
0xde: {  	_ = 	snop  }
0xdf: {  	_ = 	snop  }
0xe0: {  	_ = 	snop  }
.LBB2_22:
0xe1: {  	p0 =	sgt.u32 s19, $0x80  }
.Ltmp22:
0xe2: {  	_ = 	snop;
	(pc) =	sbr.rel @p0 .LBB2_24-.Ltmp22, $4  }
.Ltmp23:
0xe3: {  	_ = 	snop;
	(pc) =	sbr.rel @!p0 .LBB2_23-.Ltmp23, $4  }
0xe4: {  	_ = 	snop  }
0xe5: {  	_ = 	snop  }
0xe6: {  	_ = 	snop  }
0xe7: {  	_ = 	snop  }
.LBB2_27:
0xe8: {  	p0 =	sgt.u32 s19, $0x7E  }
.Ltmp24:
0xe9: {  	_ = 	snop;
	(pc) =	sbr.rel @p0 .LBB2_29-.Ltmp24, $1  }
0xea: {  	_ =	sdelay $0x3  }
.LBB2_28:
0xeb: {  	_ =	swait.ge [sflag:s12], $0x100  }
0xec: {  	[sflag:s12] =	ssyncset.done $0x0  }
0xed: {  	s13 =	simm.s32 $0x14400;
	[sflag:s12] =	ssyncadd.s32 $0xFFFFFF00  }
0xee: {  	[tilespmem:s23], [sflag:$0x9] =	stream.indirect.gather [hbm4b:s1+s21], $0x80, s13, s21, $0xb8;
	[tilespmem:$0x1E800] =	vst v63  }
.LBB2_30:
0xef: {  	_ =	swait.ge [sflag:s22], $0x2800  }
0xf0: {  	[sflag:s22] =	ssyncset.done $0x0  }
0xf1: {  	s13 =	simm.s32 $0x14280;
	[sflag:s22] =	ssyncadd.s32 $0xFFFFD800  }
0xf2: {  	[spmem:s2] =	stream.indirect.scatter.add.f32 [tilespmem:s6], [sflag:$0xF], $0x80, s13, s21, $0xb8;
	[tilespmem:$0x1E800] =	vst v63  }
.LBB2_31:
0xf3: {  	p0 =	sgt.u32 s5, $0x82  }
.Ltmp25:
0xf4: {  	_ = 	snop;
	(pc) =	sbr.rel @p0 .LBB2_38-.Ltmp25, $1  }
0xf5: {  	_ =	sdelay $0x3  }
0xf6: {  	p0 =	sgt.u32 s5, $0x7C  }
.Ltmp26:
0xf7: {  	_ = 	snop;
	(pc) =	sbr.rel @!p0 .LBB2_33-.Ltmp26, $4  }
0xf8: {  	_ = 	snop  }
0xf9: {  	_ =	swait.ge [sflag:s26], $0x2800  }
0xfa: {  	[sflag:s26] =	ssyncset.done $0x0  }
0xfb: {  	[sflag:s26] =	ssyncadd.s32 $0xFFFFD800  }
0xfc: {  	p0 =	sgt.u32 s5, $0x7E  }
.Ltmp27:
0xfd: {  	_ = 	snop;
	(pc) =	sbr.rel @!p0 .LBB2_35-.Ltmp27, $1  }
0xfe: {  	_ =	sdelay $0x3  }
0xff: {  	p0 =	sgt.u32 s5, $0x80  }
.Ltmp28:
0x100: {  	_ = 	snop;
	(pc) =	sbr.rel @p0 .LBB2_38-.Ltmp28, $4  }
.Ltmp29:
0x101: {  	_ = 	snop;
	(pc) =	sbr.rel @!p0 .LBB2_37-.Ltmp29, $4  }
0x102: {  	_ = 	snop  }
0x103: {  	_ = 	snop  }
0x104: {  	_ = 	snop  }
0x105: {  	_ = 	snop  }
.LBB2_29:
0x106: {  	p0 =	sgt.u32 s19, $0x80  }
.Ltmp30:
0x107: {  	_ = 	snop;
	(pc) =	sbr.rel @p0 .LBB2_31-.Ltmp30, $4  }
.Ltmp31:
0x108: {  	_ = 	snop;
	(pc) =	sbr.rel @!p0 .LBB2_30-.Ltmp31, $4  }
0x109: {  	_ = 	snop  }
0x10a: {  	_ = 	snop  }
0x10b: {  	_ = 	snop  }
0x10c: {  	_ = 	snop  }
.LBB2_40:
0x10d: {  	_ =	sfence.sel $0x180000  }
0x10e: {  	[bflag:$0x0] =	sbarrier.arrive $0xFFFF  }
0x10f: {  	_ =	strace $0x9000004A  }
0x110: {  	s0 =	stileid.u32;
	[bflag:$0x2] =	sbarrier.arrive $0xFFFF  }
0x111: {  	p0 =	sne.s32 s0, $0x0;
	s0 =	rddreg [dreg:$0x3]  }
0x112: {  	s0 =	sadd.s32 @!p0 $0x100000, s0  }
0x113: {  	[sflag:s0] =	ssyncadd.tile.s32 @!p0 $0x1;
	_ =	shalt  }
.Lfunc_end2:
_tile_overlayer_lowered:
.L_overlay_start_2:
0x114: {  	(tag) =	ssettag $0x2  }
0x115: {  	s0 =	rddreg [dreg:$0x0];
	s2 =	stileid.u32  }
0x116: {  	s1 =	rddreg [dreg:$0x1];
	p0 =	sne.s32 s2, $0x0  }
0x117: {  	s3 =	rddreg [dreg:$0x2];
	[bflag:$0x3] =	sbarrier.arrive $0xFFFF;
	s2 =	simm.s32 @!p0 $0x1C11  }
0x118: {  	[timem:s3], [sflag:s2] =	dma.local @!p0 [hbm:s0], s1  }
0x119: {  	s0 =	simm.s32 @!p0 $0x11  }
0x11a: {  	_ =	swait.ge @!p0 [sflag:s0], s1  }
0x11b: {  	s1 =	ssub.s32 @!p0 $0x0, s1;
	[sflag:s0] =	ssyncset.done @!p0 $0x0  }
0x11c: {  	[sflag:s0] =	ssyncadd.s32 @!p0 s1  }
0x11d: {  	[bflag:$0x3] =	sbarrier.arrive $0xFFFF  }
0x11e: {  	_ =	shalt  }

</sc_bundles>
